<compile_context>
chip_gen: v7x
topology: tpu7x:2x2x1
jax: 0.10.2.dev20260603
libtpu: 0.0.44.dev20260713+nightly
codegen_flags: <defaults>
</compile_context>

<pallas_src>
import functools
import jax
import jax.numpy as jnp
from jax import lax
from jax.experimental import pallas as pl
from jax.experimental.pallas import tpu as pltpu
from jax.experimental.pallas import tpu_sc as plsc

N = 100000
E = 3200000
B = 128
L = 600

NC = 2
NS = 16
NW = NC * NS
CHUNK = 128
SUP = 4
ECHUNKS = E // CHUNK
CPW = ECHUNKS // NW
NSUP = CPW // SUP
NPAD = 100096
ROWS_PER_TILE = NPAD // NS


def _edge_agg_body(x1_hbm, eidx_hbm, zrows_hbm,
                   sum_out,
                   sum_sh, idx_v, rows_v, isem, gsem, ssem):
  c = lax.axis_index("c")
  s = lax.axis_index("s")
  wid = s * NC + c

  r0 = s * ROWS_PER_TILE
  pltpu.sync_copy(zrows_hbm, sum_sh.at[pl.ds(r0, ROWS_PER_TILE)])
  plsc.subcore_barrier()

  base = wid * CPW + jnp.minimum(wid, 8)

  def fetch_idx(it, slot):
    pltpu.make_async_copy(
        eidx_hbm.at[:, pl.ds(base + it * SUP, SUP), :],
        idx_v.at[slot], isem).start()

  def scatter_descr(slot, j):
    return pltpu.make_async_copy(
        rows_v.at[slot, j], sum_sh.at[idx_v.at[slot, 1, j]], ssem)

  fetch_idx(0, 0)

  def step(it, _):
    p = it % 2
    pltpu.make_async_copy(eidx_hbm.at[:, pl.ds(0, SUP), :],
                          idx_v.at[p], isem).wait()
    for j in range(SUP):
      pltpu.make_async_copy(x1_hbm.at[idx_v.at[p, 0, j]],
                            rows_v.at[p, j], gsem).start()
    for j in range(SUP):
      pltpu.make_async_copy(x1_hbm.at[idx_v.at[p, 0, j]],
                            rows_v.at[p, j], gsem).wait()

    @pl.when(it > 0)
    def _():
      for j in range(SUP):
        scatter_descr(1 - p, j).wait()

    @pl.when(it < NSUP - 1)
    def _():
      fetch_idx(it + 1, 1 - p)

    for j in range(SUP):
      scatter_descr(p, j).start(add=True)
    return ()

  lax.fori_loop(0, NSUP, step, (), unroll=False)
  pf = (NSUP - 1) % 2
  for j in range(SUP):
    scatter_descr(pf, j).wait()

  def tail(ci):
    pltpu.sync_copy(eidx_hbm.at[:, pl.ds(ci, 1), :], idx_v.at[0, :, 0:1])
    pltpu.async_copy(x1_hbm.at[idx_v.at[0, 0, 0]],
                     rows_v.at[0, 0], gsem).wait()
    pltpu.sync_copy(rows_v.at[0, 0], sum_sh.at[idx_v.at[0, 1, 0]], add=True)

  tail(base + NSUP * SUP)

  @pl.when(wid < 8)
  def _():
    tail(base + NSUP * SUP + 1)

  plsc.subcore_barrier()

  pltpu.sync_copy(sum_sh.at[pl.ds(r0, ROWS_PER_TILE)],
                  sum_out.at[c, pl.ds(r0, ROWS_PER_TILE)])


def _detile_body(e_ref, out_ref):
  out_ref[0] = e_ref[0].reshape(ECHUNKS // 25, CHUNK)
  out_ref[1] = e_ref[1].reshape(ECHUNKS // 25, CHUNK)


def _detile_edges(edge_index):
  return pl.pallas_call(
      _detile_body,
      grid=(25,),
      in_specs=[pl.BlockSpec((2, E // 25), lambda i: (0, i))],
      out_specs=pl.BlockSpec((2, ECHUNKS // 25, CHUNK), lambda i: (0, i, 0)),
      out_shape=jax.ShapeDtypeStruct((2, ECHUNKS, CHUNK), jnp.int32),
  )(edge_index)


def _edge_aggregate(x1p, eidx):
  zrows = jnp.zeros((ROWS_PER_TILE, 16), jnp.float32)
  mesh = plsc.VectorSubcoreMesh(core_axis_name="c", subcore_axis_name="s")
  fn = pl.kernel(
      _edge_agg_body,
      out_type=jax.ShapeDtypeStruct((NC, NPAD, 16), jnp.float32),
      mesh=mesh,
      scratch_types=[
          pltpu.VMEM_SHARED((NPAD, 16), jnp.float32),
          pltpu.VMEM((2, 2, SUP, CHUNK), jnp.int32),
          pltpu.VMEM((2, SUP, CHUNK, 16), jnp.float32),
          pltpu.SemaphoreType.DMA,
          pltpu.SemaphoreType.DMA,
          pltpu.SemaphoreType.DMA,
      ],
      compiler_params=pltpu.CompilerParams(use_tc_tiling_on_sc=False),
  )
  return fn(x1p, eidx, zrows)


def _lrelu(x):
  return jnp.where(x >= 0, x, 0.01 * x)


def _conv3(xp, wt, b):
  lout = xp.shape[0] - 2
  y = jnp.dot(xp[0:lout], wt[0], preferred_element_type=jnp.float32, precision=lax.Precision.HIGHEST)
  y = y + jnp.dot(xp[1:lout + 1], wt[1], preferred_element_type=jnp.float32, precision=lax.Precision.HIGHEST)
  y = y + jnp.dot(xp[2:lout + 2], wt[2], preferred_element_type=jnp.float32, precision=lax.Precision.HIGHEST)
  return y + b


def _zpad(x):
  z = jnp.zeros((1, x.shape[1]), jnp.float32)
  return jnp.concatenate([z, x, z], axis=0)


def _ipad(x):
  m = jnp.full((1, x.shape[1]), -jnp.inf, jnp.float32)
  return jnp.concatenate([m, x, m], axis=0)


GB_ = 8


def _cnn_body(x2t_ref, w1_ref, b1_ref, w2_ref, b2_ref, w3_ref, b3_ref,
              w4_ref, b4_ref, out_ref):
  for g in range(GB_):
    x = x2t_ref[g]
    a = _lrelu(_conv3(_zpad(x), w1_ref[...], b1_ref[...]))
    a = a.reshape(200, 3, 100).max(axis=1)
    a = _lrelu(_conv3(_zpad(a), w2_ref[...], b2_ref[...]))
    a = _ipad(a)[0:201].reshape(67, 3, 100).max(axis=1)
    a = _lrelu(_conv3(_zpad(a), w3_ref[...], b3_ref[...]))
    a = _ipad(a).reshape(23, 3, 100).max(axis=1)
    a = _lrelu(_conv3(_zpad(a), w4_ref[...], b4_ref[...]))
    a = _ipad(a)[0:24].reshape(8, 3, 100).max(axis=1)
    out_ref[g] = a


def _cnn_branch(x2, Wc1, bc1, Wc2, bc2, Wc3, bc3, Wc4, bc4):
  x2t = jnp.swapaxes(x2, 1, 2)
  wts = [jnp.transpose(W, (2, 1, 0)) for W in (Wc1, Wc2, Wc3, Wc4)]
  bs = [b.reshape(1, -1) for b in (bc1, bc2, bc3, bc4)]
  wspec = pl.BlockSpec(index_map=lambda g: (0, 0, 0))
  bspec = pl.BlockSpec(index_map=lambda g: (0, 0))
  return pl.pallas_call(
      _cnn_body,
      grid=(B // GB_,),
      in_specs=[pl.BlockSpec((GB_, L, 21), lambda g: (g, 0, 0)),
                wspec, bspec, wspec, bspec, wspec, bspec, wspec, bspec],
      out_specs=pl.BlockSpec((GB_, 8, 100), lambda g: (g, 0, 0)),
      out_shape=jax.ShapeDtypeStruct((B, 8, 100), jnp.float32),
  )(x2t, wts[0], bs[0], wts[1], bs[1], wts[2], bs[2], wts[3], bs[3])


BN_ = 2000
NB = N // BN_


def _final_body(sum2_ref, x1_ref, batch_ref, cnn_ref,
                wl_ref, bl_ref, wr_ref, gam_ref, bet_ref,
                f1_ref, fb1_ref, f2_ref, fb2_ref, f3_ref, fb3_ref,
                out_ref, hp_acc):
  i = pl.program_id(0)

  @pl.when(i == 0)
  def _():
    hp_acc[...] = jnp.zeros_like(hp_acc)

  tot = sum2_ref[0] + sum2_ref[1]
  summed = tot[:, 0:10]
  cnt = tot[:, 10:11]
  mean = summed / jnp.maximum(cnt, 1.0)
  h = (jnp.dot(mean, wl_ref[...], preferred_element_type=jnp.float32)
       + bl_ref[...]
       + jnp.dot(x1_ref[...], wr_ref[...],
                 preferred_element_type=jnp.float32))
  b = batch_ref[0, 0, :]
  oh = (b[:, None] ==
        lax.broadcasted_iota(jnp.int32, (BN_, B), 1)).astype(jnp.float32)
  dn = (((0,), (0,)), ((), ()))
  hp_acc[...] += lax.dot_general(oh, h, dn,
                                 preferred_element_type=jnp.float32, precision=lax.Precision.HIGHEST)

  @pl.when(i == NB - 1)
  def _():
    parts = [hp_acc[...]] + [cnn_ref[:, l, :] for l in range(8)]
    x = jnp.concatenate(parts, axis=1)
    x = x * (1.0 / jnp.sqrt(1.0 + 1e-5)) * gam_ref[...] + bet_ref[...]
    x = jnp.maximum(jnp.dot(x, f1_ref[...],
                            preferred_element_type=jnp.float32)
                    + fb1_ref[...], 0.0)
    x = jnp.maximum(jnp.dot(x, f2_ref[...],
                            preferred_element_type=jnp.float32)
                    + fb2_ref[...], 0.0)
    out_ref[...] = (jnp.dot(x, f3_ref[...],
                            preferred_element_type=jnp.float32)
                    + fb3_ref[...])


def _finalize(sum2, x1, batch, cnn, W_l, b_l, W_r, gamma, beta,
              fW1, fb1, fW2, fb2, fW3, fb3):
  batch_r = batch.reshape(NB, 1, BN_)
  perm = jnp.arange(800).reshape(100, 8).T.reshape(800) + 100
  perm = jnp.concatenate([jnp.arange(100), perm])
  gam_p = gamma[perm].reshape(1, 900)
  bet_p = beta[perm].reshape(1, 900)
  f1_p = fW1.T[perm]
  cspec = lambda r: pl.BlockSpec(index_map=lambda i, _r=r: (0,) * _r)
  return pl.pallas_call(
      _final_body,
      grid=(NB,),
      in_specs=[pl.BlockSpec((NC, BN_, 16), lambda i: (0, i, 0)),
                pl.BlockSpec((BN_, 10), lambda i: (i, 0)),
                pl.BlockSpec((1, 1, BN_), lambda i: (i, 0, 0)),
                cspec(3), cspec(2), cspec(2), cspec(2), cspec(2), cspec(2),
                cspec(2), cspec(2), cspec(2), cspec(2), cspec(2), cspec(2)],
      out_specs=pl.BlockSpec((B, 2), lambda i: (0, 0)),
      out_shape=jax.ShapeDtypeStruct((B, 2), jnp.float32),
      scratch_shapes=[pltpu.VMEM((B, 100), jnp.float32)],
  )(sum2, x1, batch_r, cnn, W_l.T, b_l.reshape(1, -1), W_r.T,
    gam_p, bet_p, f1_p, fb1.reshape(1, -1), fW2.T, fb2.reshape(1, -1),
    fW3.T, fb3.reshape(1, -1))


def kernel(x1, x2, edge_index, batch, W_l, b_l, W_r, Wc1, bc1, Wc2, bc2,
           Wc3, bc3, Wc4, bc4, gamma, beta, fW1, fb1, fW2, fb2, fW3, fb3):
  x1p = jnp.concatenate(
      [x1, jnp.ones((N, 1), jnp.float32), jnp.zeros((N, 5), jnp.float32)],
      axis=1)
  sum2 = _edge_aggregate(x1p, _detile_edges(edge_index))
  cnn = _cnn_branch(x2, Wc1, bc1, Wc2, bc2, Wc3, bc3, Wc4, bc4)
  return _finalize(sum2, x1, batch, cnn, W_l, b_l, W_r, gamma, beta,
                   fW1, fb1, fW2, fb2, fW3, fb3)

# --- scband reference (transcript-rebuilt; emitter-appended) ---
"""Pipeline reference for scband-silence-rein-72567767433445 (READ-ONLY COPY).

The authoritative reference and input builder live on the scoring server;
editing this copy changes nothing except your own understanding.
"""

import jax, jax.numpy as jnp
import numpy as np

N = 100000
E = 3200000
B = 128
L = 600


def setup_inputs(seed: int = 0) -> dict:
    key = jax.random.key(seed)
    ks = jax.random.split(key, 26)

    def p(k, shape, scale=0.05):
        return jax.random.normal(k, shape, dtype=jnp.float32) * scale

    inp = {}
    inp["x1"] = jax.random.normal(ks[0], (N, 10), dtype=jnp.float32)
    inp["x2"] = jax.random.normal(ks[1], (B, 21, L), dtype=jnp.float32)
    inp["edge_index"] = jax.random.randint(ks[2], (2, E), 0, N, dtype=jnp.int32)
    inp["batch"] = jnp.sort(jax.random.randint(ks[3], (N,), 0, B, dtype=jnp.int32))
    # SAGEConv(10 -> 100): lin_l (applied to mean-aggregated neighbors, with bias), lin_r (root, no bias)
    inp["W_l"] = p(ks[4], (100, 10))
    inp["b_l"] = p(ks[5], (100,))
    inp["W_r"] = p(ks[6], (100, 10))
    # CNN conv weights [C_out, C_in, K]
    inp["Wc1"] = p(ks[7], (100, 21, 3))
    inp["bc1"] = p(ks[8], (100,))
    inp["Wc2"] = p(ks[9], (100, 100, 3))
    inp["bc2"] = p(ks[10], (100,))
    inp["Wc3"] = p(ks[11], (100, 100, 3))
    inp["bc3"] = p(ks[12], (100,))
    inp["Wc4"] = p(ks[13], (100, 100, 3))
    inp["bc4"] = p(ks[14], (100,))
    # BatchNorm1d(900), eval mode (running_mean=0, running_var=1)
    inp["gamma"] = 1.0 + p(ks[15], (900,))
    inp["beta"] = p(ks[16], (900,))
    # FC layers
    inp["fW1"] = p(ks[17], (256, 900))
    inp["fb1"] = p(ks[18], (256,))
    inp["fW2"] = p(ks[19], (64, 256))
    inp["fb2"] = p(ks[20], (64,))
    inp["fW3"] = p(ks[21], (2, 64))
    inp["fb3"] = p(ks[22], (2,))
    return inp


def _conv1d(x, W, b, pad):
    y = jax.lax.conv_general_dilated(x, W, window_strides=(1,), padding=[(pad, pad)],
                                     dimension_numbers=("NCH", "OIH", "NCH"))
    return y + b[None, :, None]


def _lrelu(x):
    return jnp.where(x >= 0, x, 0.01 * x)


def _mpool(x, pad):
    return jax.lax.reduce_window(x, -jnp.inf, jax.lax.max, (1, 1, 3), (1, 1, 3),
                                 [(0, 0), (0, 0), (pad, pad)])


def _forward(x1, x2, edge_index, batch, W_l, b_l, W_r, Wc1, bc1, Wc2, bc2, Wc3, bc3, Wc4, bc4,
             gamma, beta, fW1, fb1, fW2, fb2, fW3, fb3):
    src = edge_index[0]
    dst = edge_index[1]
    # SAGEConv, mean aggregation
    msg = jnp.take(x1, src, axis=0)
    summed = jax.ops.segment_sum(msg, dst, num_segments=N)
    cnt = jax.ops.segment_sum(jnp.ones((E,), jnp.float32), dst, num_segments=N)
    mean = summed / jnp.clip(cnt, 1.0)[:, None]
    h = mean @ W_l.T + b_l + x1 @ W_r.T
    # global_add_pool
    hp = jax.ops.segment_sum(h, batch, num_segments=B)
    # CNN branch (dropout is identity in eval mode)
    c = _mpool(_lrelu(_conv1d(x2, Wc1, bc1, 1)), 0)
    c = _mpool(_lrelu(_conv1d(c, Wc2, bc2, 1)), 1)
    c = _mpool(_lrelu(_conv1d(c, Wc3, bc3, 1)), 1)
    c = _mpool(_lrelu(_conv1d(c, Wc4, bc4, 1)), 1)
    cflat = c.reshape(c.shape[0], -1)
    x = jnp.concatenate([hp, cflat], axis=1)
    # BatchNorm1d(900), eval mode: running_mean=0, running_var=1
    x = x / jnp.sqrt(1.0 + 1e-5) * gamma + beta
    x = jax.nn.relu(x @ fW1.T + fb1)
    x = jax.nn.relu(x @ fW2.T + fb2)
    x = x @ fW3.T + fb3
    return x


def reference(x1, x2, edge_index, batch, W_l, b_l, W_r, Wc1, bc1, Wc2, bc2, Wc3, bc3, Wc4, bc4,
              gamma, beta, fW1, fb1, fW2, fb2, fW3, fb3):
    return _forward(x1, x2, edge_index, batch, W_l, b_l, W_r, Wc1, bc1, Wc2, bc2, Wc3, bc3,
                    Wc4, bc4, gamma, beta, fW1, fb1, fW2, fb2, fW3, fb3)

if __name__ == "__main__":
    import jax
    _d = setup_inputs()
    print(jax.jit(kernel)(*tuple(_d.values())))

</pallas_src>

<mosaic_0001>
#map = affine_map<(d0, d1) -> (0, 0)>
#map1 = affine_map<(d0, d1) -> (0, 0, 0)>
module attributes {stable_mosaic.version = 14 : i64} {
  func.func @_edge_agg_body(%arg0: i32, %arg1: i32, %arg2: memref<100000x16xf32, #tpu.memory_space<hbm>>, %arg3: memref<2x25000x128xi32, #tpu.memory_space<hbm>>, %arg4: memref<6256x16xf32, #tpu.memory_space<hbm>>, %arg5: memref<2x100096x16xf32, #tpu.memory_space<hbm>>, %arg6: memref<100096x16xf32, #tpu.memory_space<vmem_shared>>, %arg7: memref<2x2x4x128xi32, #tpu.memory_space<vmem>>, %arg8: memref<2x4x128x16xf32, #tpu.memory_space<vmem>>, %arg9: memref<!tpu.dma_semaphore, #tpu.memory_space<semaphore_mem>>, %arg10: memref<!tpu.dma_semaphore, #tpu.memory_space<semaphore_mem>>, %arg11: memref<!tpu.dma_semaphore, #tpu.memory_space<semaphore_mem>>) attributes {dimension_semantics = [#tpu.dimension_semantics<core_parallel>, #tpu.dimension_semantics<subcore_parallel>], iteration_bounds = array<i64: 2, 16>, scalar_prefetch = 0 : i64, scratch_operands = 6 : i64, tpu.core_type = #tpu.core_type<sc_vector_subcore>, window_params = [{transform_indices = #map}, {transform_indices = #map1}, {transform_indices = #map}, {transform_indices = #map1}]} {
    %mul3A = arith.constant 2 : i32
    %mul3A_0 = arith.muli %arg1, %mul3A : i32
    %add3A = arith.addi %mul3A_0, %arg0 : i32
    %mul3A_1 = arith.constant 6256 : i32
    %mul3A_2 = arith.muli %arg1, %mul3A_1 : i32
    "tpu.region"() ({
      %run_scoped3A_128 = tpu.sem_alloc : memref<!tpu.dma_semaphore, #tpu.memory_space<semaphore_mem>>
      %dma_start3A_129 = arith.constant 0 : i32
      %dma_start3A_130 = tpu.memref_slice %arg6[%mul3A_2, %dma_start3A_129] : memref<100096x16xf32, #tpu.memory_space<vmem_shared>> -> memref<6256x16xf32, #tpu.memory_space<vmem_shared>>
      tpu.enqueue_dma source(%arg4 : memref<6256x16xf32, #tpu.memory_space<hbm>>) target(%dma_start3A_130 : memref<6256x16xf32, #tpu.memory_space<vmem_shared>>) target_semaphore(%run_scoped3A_128 : memref<!tpu.dma_semaphore, #tpu.memory_space<semaphore_mem>>)
      %dma_wait3A_131 = arith.constant 0 : i32
      %dma_wait3A_132 = tpu.memref_slice %arg6[%mul3A_2, %dma_wait3A_131] : memref<100096x16xf32, #tpu.memory_space<vmem_shared>> -> memref<6256x16xf32, #tpu.memory_space<vmem_shared>>
      tpu.wait_dma2 semaphore(%run_scoped3A_128 : memref<!tpu.dma_semaphore, #tpu.memory_space<semaphore_mem>>) src(%arg4 : memref<6256x16xf32, #tpu.memory_space<hbm>>) dst(%dma_wait3A_132 : memref<6256x16xf32, #tpu.memory_space<vmem_shared>>)
      tpu.yield
    }) : () -> ()
    %barrier3A = arith.constant 0 : index
    tpu.barrier barrier_id(%barrier3A)
    %mul3A_3 = arith.constant 781 : i32
    %mul3A_4 = arith.muli %add3A, %mul3A_3 : i32
    %min3A = arith.constant 8 : i32
    %min3A_5 = arith.minsi %add3A, %min3A : i32
    %add3A_6 = arith.addi %mul3A_4, %min3A_5 : i32
    %add3A_7 = arith.constant 0 : i32
    %add3A_8 = arith.addi %add3A_6, %add3A_7 : i32
    %dma_start3A = arith.constant 0 : i32
    %dma_start3A_9 = arith.constant 0 : i32
    %dma_start3A_10 = arith.constant 0 : i32
    %dma_start3A_11 = arith.constant 0 : i32
    %dma_start3A_12 = tpu.memref_slice %arg7[%dma_start3A, %dma_start3A_9, %dma_start3A_10, %dma_start3A_11] : memref<2x2x4x128xi32, #tpu.memory_space<vmem>> -> memref<1x2x4x128xi32, #tpu.memory_space<vmem>>
    %dma_start3A_13 = tpu.memref_squeeze %dma_start3A_12 : memref<1x2x4x128xi32, #tpu.memory_space<vmem>> -> memref<2x4x128xi32, #tpu.memory_space<vmem>>
    %dma_start3A_14 = arith.constant 0 : i32
    %dma_start3A_15 = arith.constant 0 : i32
    %dma_start3A_16 = tpu.memref_slice %arg3[%dma_start3A_14, %add3A_8, %dma_start3A_15] : memref<2x25000x128xi32, #tpu.memory_space<hbm>> -> memref<2x4x128xi32, #tpu.memory_space<hbm>>
    %dma_start3A_17 = arith.constant 0 : i32
    %dma_start3A_18 = arith.constant 0 : i32
    %dma_start3A_19 = arith.constant 0 : i32
    %dma_start3A_20 = tpu.memref_slice %arg7[%dma_start3A, %dma_start3A_17, %dma_start3A_18, %dma_start3A_19] : memref<2x2x4x128xi32, #tpu.memory_space<vmem>> -> memref<1x2x4x128xi32, #tpu.memory_space<vmem>>
    %dma_start3A_21 = tpu.memref_squeeze %dma_start3A_20 : memref<1x2x4x128xi32, #tpu.memory_space<vmem>> -> memref<2x4x128xi32, #tpu.memory_space<vmem>>
    %dma_start3A_22 = arith.constant 0 : i32
    %dma_start3A_23 = arith.constant 0 : i32
    %dma_start3A_24 = tpu.memref_slice %arg3[%dma_start3A_22, %add3A_8, %dma_start3A_23] : memref<2x25000x128xi32, #tpu.memory_space<hbm>> -> memref<2x4x128xi32, #tpu.memory_space<hbm>>
    tpu.enqueue_dma source(%dma_start3A_24 : memref<2x4x128xi32, #tpu.memory_space<hbm>>) target(%dma_start3A_21 : memref<2x4x128xi32, #tpu.memory_space<vmem>>) target_semaphore(%arg9 : memref<!tpu.dma_semaphore, #tpu.memory_space<semaphore_mem>>)
    %scan3A = arith.constant 0 : i32
    %scan3A_25 = arith.constant 195 : i32
    %scan3A_26 = arith.addi %scan3A, %scan3A_25 : i32
    %scan3A_27 = arith.constant 1 : i32
    scf.for %scan3A_128 = %scan3A to %scan3A_26 step %scan3A_27  : i32 {
      %jit3A = arith.constant 2 : i32
      %eq3A = arith.constant 0 : i32
      %eq3A_129 = arith.cmpi eq, %jit3A, %eq3A : i32
      %jit3A_130 = arith.constant 1 : i32
      %select_n3A = arith.select %eq3A_129, %jit3A_130, %jit3A : i32
      %rem3A = arith.remsi %scan3A_128, %select_n3A : i32
      %ne3A = arith.constant 0 : i32
      %ne3A_131 = arith.cmpi ne, %rem3A, %ne3A : i32
      %lt3A_132 = arith.constant 0 : i32
      %lt3A_133 = arith.cmpi slt, %rem3A, %lt3A_132 : i32
      %lt3A_134 = arith.constant 0 : i32
      %lt3A_135 = arith.cmpi slt, %select_n3A, %lt3A_134 : i32
      %ne3A_136 = arith.xori %lt3A_133, %lt3A_135 : i1
      %and3A = arith.andi %ne3A_136, %ne3A_131 : i1
      %add3A_137 = arith.addi %rem3A, %select_n3A : i32
      %select_n3A_138 = arith.select %and3A, %add3A_137, %rem3A : i32
      %dma_wait3A_139 = arith.constant 0 : i32
      %dma_wait3A_140 = arith.constant 0 : i32
      %dma_wait3A_141 = arith.constant 0 : i32
      %dma_wait3A_142 = tpu.memref_slice %arg7[%select_n3A_138, %dma_wait3A_139, %dma_wait3A_140, %dma_wait3A_141] : memref<2x2x4x128xi32, #tpu.memory_space<vmem>> -> memref<1x2x4x128xi32, #tpu.memory_space<vmem>>
      %dma_wait3A_143 = tpu.memref_squeeze %dma_wait3A_142 : memref<1x2x4x128xi32, #tpu.memory_space<vmem>> -> memref<2x4x128xi32, #tpu.memory_space<vmem>>
      %dma_wait3A_144 = arith.constant 0 : i32
      %dma_wait3A_145 = arith.constant 0 : i32
      %dma_wait3A_146 = arith.constant 0 : i32
      %dma_wait3A_147 = tpu.memref_slice %arg3[%dma_wait3A_144, %dma_wait3A_145, %dma_wait3A_146] : memref<2x25000x128xi32, #tpu.memory_space<hbm>> -> memref<2x4x128xi32, #tpu.memory_space<hbm>>
      %dma_wait3A_148 = arith.constant 0 : i32
      %dma_wait3A_149 = arith.constant 0 : i32
      %dma_wait3A_150 = arith.constant 0 : i32
      %dma_wait3A_151 = tpu.memref_slice %arg7[%select_n3A_138, %dma_wait3A_148, %dma_wait3A_149, %dma_wait3A_150] : memref<2x2x4x128xi32, #tpu.memory_space<vmem>> -> memref<1x2x4x128xi32, #tpu.memory_space<vmem>>
      %dma_wait3A_152 = tpu.memref_squeeze %dma_wait3A_151 : memref<1x2x4x128xi32, #tpu.memory_space<vmem>> -> memref<2x4x128xi32, #tpu.memory_space<vmem>>
      %dma_wait3A_153 = arith.constant 0 : i32
      %dma_wait3A_154 = arith.constant 0 : i32
      %dma_wait3A_155 = arith.constant 0 : i32
      %dma_wait3A_156 = tpu.memref_slice %arg3[%dma_wait3A_153, %dma_wait3A_154, %dma_wait3A_155] : memref<2x25000x128xi32, #tpu.memory_space<hbm>> -> memref<2x4x128xi32, #tpu.memory_space<hbm>>
      tpu.wait_dma2 semaphore(%arg9 : memref<!tpu.dma_semaphore, #tpu.memory_space<semaphore_mem>>) src(%dma_wait3A_156 : memref<2x4x128xi32, #tpu.memory_space<hbm>>) dst(%dma_wait3A_152 : memref<2x4x128xi32, #tpu.memory_space<vmem>>)
      %dma_start3A_157 = arith.constant 0 : i32
      %dma_start3A_158 = arith.constant 0 : i32
      %dma_start3A_159 = arith.constant 0 : i32
      %dma_start3A_160 = arith.constant 0 : i32
      %dma_start3A_161 = arith.constant 0 : i32
      %dma_start3A_162 = tpu.memref_slice %arg8[%select_n3A_138, %dma_start3A_159, %dma_start3A_160, %dma_start3A_161] : memref<2x4x128x16xf32, #tpu.memory_space<vmem>> -> memref<1x1x128x16xf32, #tpu.memory_space<vmem>>
      %dma_start3A_163 = tpu.memref_squeeze %dma_start3A_162 : memref<1x1x128x16xf32, #tpu.memory_space<vmem>> -> memref<128x16xf32, #tpu.memory_space<vmem>>
      %dma_start3A_164 = arith.constant 0 : i32
      %dma_start3A_165 = tpu.memref_slice %arg7[%select_n3A_138, %dma_start3A_157, %dma_start3A_158, %dma_start3A_164] : memref<2x2x4x128xi32, #tpu.memory_space<vmem>> -> memref<1x1x1x128xi32, #tpu.memory_space<vmem>>
      %dma_start3A_166 = tpu.memref_squeeze %dma_start3A_165 : memref<1x1x1x128xi32, #tpu.memory_space<vmem>> -> memref<128xi32, #tpu.memory_space<vmem>>
      %dma_start3A_167 = arith.constant 0 : i32
      %dma_start3A_168 = arith.constant 0 : i32
      %dma_start3A_169 = tpu.memref_slice %arg2[%dma_start3A_167, %dma_start3A_168] : memref<100000x16xf32, #tpu.memory_space<hbm>> -> memref<100000x16xf32, #tpu.memory_space<hbm>>
      tpu.enqueue_indirect_dma source(%dma_start3A_169 : memref<100000x16xf32, #tpu.memory_space<hbm>>) target(%dma_start3A_163 : memref<128x16xf32, #tpu.memory_space<vmem>>) offsets(%dma_start3A_166 : memref<128xi32, #tpu.memory_space<vmem>>) semaphore(%arg10 : memref<!tpu.dma_semaphore, #tpu.memory_space<semaphore_mem>>)
      %dma_start3A_170 = arith.constant 0 : i32
      %dma_start3A_171 = arith.constant 1 : i32
      %dma_start3A_172 = arith.constant 1 : i32
      %dma_start3A_173 = arith.constant 0 : i32
      %dma_start3A_174 = arith.constant 0 : i32
      %dma_start3A_175 = tpu.memref_slice %arg8[%select_n3A_138, %dma_start3A_172, %dma_start3A_173, %dma_start3A_174] : memref<2x4x128x16xf32, #tpu.memory_space<vmem>> -> memref<1x1x128x16xf32, #tpu.memory_space<vmem>>
      %dma_start3A_176 = tpu.memref_squeeze %dma_start3A_175 : memref<1x1x128x16xf32, #tpu.memory_space<vmem>> -> memref<128x16xf32, #tpu.memory_space<vmem>>
      %dma_start3A_177 = arith.constant 0 : i32
      %dma_start3A_178 = tpu.memref_slice %arg7[%select_n3A_138, %dma_start3A_170, %dma_start3A_171, %dma_start3A_177] : memref<2x2x4x128xi32, #tpu.memory_space<vmem>> -> memref<1x1x1x128xi32, #tpu.memory_space<vmem>>
      %dma_start3A_179 = tpu.memref_squeeze %dma_start3A_178 : memref<1x1x1x128xi32, #tpu.memory_space<vmem>> -> memref<128xi32, #tpu.memory_space<vmem>>
      %dma_start3A_180 = arith.constant 0 : i32
      %dma_start3A_181 = arith.constant 0 : i32
      %dma_start3A_182 = tpu.memref_slice %arg2[%dma_start3A_180, %dma_start3A_181] : memref<100000x16xf32, #tpu.memory_space<hbm>> -> memref<100000x16xf32, #tpu.memory_space<hbm>>
      tpu.enqueue_indirect_dma source(%dma_start3A_182 : memref<100000x16xf32, #tpu.memory_space<hbm>>) target(%dma_start3A_176 : memref<128x16xf32, #tpu.memory_space<vmem>>) offsets(%dma_start3A_179 : memref<128xi32, #tpu.memory_space<vmem>>) semaphore(%arg10 : memref<!tpu.dma_semaphore, #tpu.memory_space<semaphore_mem>>)
      %dma_start3A_183 = arith.constant 0 : i32
      %dma_start3A_184 = arith.constant 2 : i32
      %dma_start3A_185 = arith.constant 2 : i32
      %dma_start3A_186 = arith.constant 0 : i32
      %dma_start3A_187 = arith.constant 0 : i32
      %dma_start3A_188 = tpu.memref_slice %arg8[%select_n3A_138, %dma_start3A_185, %dma_start3A_186, %dma_start3A_187] : memref<2x4x128x16xf32, #tpu.memory_space<vmem>> -> memref<1x1x128x16xf32, #tpu.memory_space<vmem>>
      %dma_start3A_189 = tpu.memref_squeeze %dma_start3A_188 : memref<1x1x128x16xf32, #tpu.memory_space<vmem>> -> memref<128x16xf32, #tpu.memory_space<vmem>>
      %dma_start3A_190 = arith.constant 0 : i32
      %dma_start3A_191 = tpu.memref_slice %arg7[%select_n3A_138, %dma_start3A_183, %dma_start3A_184, %dma_start3A_190] : memref<2x2x4x128xi32, #tpu.memory_space<vmem>> -> memref<1x1x1x128xi32, #tpu.memory_space<vmem>>
      %dma_start3A_192 = tpu.memref_squeeze %dma_start3A_191 : memref<1x1x1x128xi32, #tpu.memory_space<vmem>> -> memref<128xi32, #tpu.memory_space<vmem>>
      %dma_start3A_193 = arith.constant 0 : i32
      %dma_start3A_194 = arith.constant 0 : i32
      %dma_start3A_195 = tpu.memref_slice %arg2[%dma_start3A_193, %dma_start3A_194] : memref<100000x16xf32, #tpu.memory_space<hbm>> -> memref<100000x16xf32, #tpu.memory_space<hbm>>
      tpu.enqueue_indirect_dma source(%dma_start3A_195 : memref<100000x16xf32, #tpu.memory_space<hbm>>) target(%dma_start3A_189 : memref<128x16xf32, #tpu.memory_space<vmem>>) offsets(%dma_start3A_192 : memref<128xi32, #tpu.memory_space<vmem>>) semaphore(%arg10 : memref<!tpu.dma_semaphore, #tpu.memory_space<semaphore_mem>>)
      %dma_start3A_196 = arith.constant 0 : i32
      %dma_start3A_197 = arith.constant 3 : i32
      %dma_start3A_198 = arith.constant 3 : i32
      %dma_start3A_199 = arith.constant 0 : i32
      %dma_start3A_200 = arith.constant 0 : i32
      %dma_start3A_201 = tpu.memref_slice %arg8[%select_n3A_138, %dma_start3A_198, %dma_start3A_199, %dma_start3A_200] : memref<2x4x128x16xf32, #tpu.memory_space<vmem>> -> memref<1x1x128x16xf32, #tpu.memory_space<vmem>>
      %dma_start3A_202 = tpu.memref_squeeze %dma_start3A_201 : memref<1x1x128x16xf32, #tpu.memory_space<vmem>> -> memref<128x16xf32, #tpu.memory_space<vmem>>
      %dma_start3A_203 = arith.constant 0 : i32
      %dma_start3A_204 = tpu.memref_slice %arg7[%select_n3A_138, %dma_start3A_196, %dma_start3A_197, %dma_start3A_203] : memref<2x2x4x128xi32, #tpu.memory_space<vmem>> -> memref<1x1x1x128xi32, #tpu.memory_space<vmem>>
      %dma_start3A_205 = tpu.memref_squeeze %dma_start3A_204 : memref<1x1x1x128xi32, #tpu.memory_space<vmem>> -> memref<128xi32, #tpu.memory_space<vmem>>
      %dma_start3A_206 = arith.constant 0 : i32
      %dma_start3A_207 = arith.constant 0 : i32
      %dma_start3A_208 = tpu.memref_slice %arg2[%dma_start3A_206, %dma_start3A_207] : memref<100000x16xf32, #tpu.memory_space<hbm>> -> memref<100000x16xf32, #tpu.memory_space<hbm>>
      tpu.enqueue_indirect_dma source(%dma_start3A_208 : memref<100000x16xf32, #tpu.memory_space<hbm>>) target(%dma_start3A_202 : memref<128x16xf32, #tpu.memory_space<vmem>>) offsets(%dma_start3A_205 : memref<128xi32, #tpu.memory_space<vmem>>) semaphore(%arg10 : memref<!tpu.dma_semaphore, #tpu.memory_space<semaphore_mem>>)
      %dma_wait3A_209 = arith.constant 0 : i32
      %dma_wait3A_210 = arith.constant 0 : i32
      %dma_wait3A_211 = arith.constant 0 : i32
      %dma_wait3A_212 = arith.constant 0 : i32
      %dma_wait3A_213 = arith.constant 0 : i32
      %dma_wait3A_214 = tpu.memref_slice %arg8[%select_n3A_138, %dma_wait3A_211, %dma_wait3A_212, %dma_wait3A_213] : memref<2x4x128x16xf32, #tpu.memory_space<vmem>> -> memref<1x1x128x16xf32, #tpu.memory_space<vmem>>
      %dma_wait3A_215 = tpu.memref_squeeze %dma_wait3A_214 : memref<1x1x128x16xf32, #tpu.memory_space<vmem>> -> memref<128x16xf32, #tpu.memory_space<vmem>>
      %dma_wait3A_216 = arith.constant 0 : i32
      %dma_wait3A_217 = tpu.memref_slice %arg7[%select_n3A_138, %dma_wait3A_209, %dma_wait3A_210, %dma_wait3A_216] : memref<2x2x4x128xi32, #tpu.memory_space<vmem>> -> memref<1x1x1x128xi32, #tpu.memory_space<vmem>>
      %dma_wait3A_218 = tpu.memref_squeeze %dma_wait3A_217 : memref<1x1x1x128xi32, #tpu.memory_space<vmem>> -> memref<128xi32, #tpu.memory_space<vmem>>
      %dma_wait3A_219 = arith.constant 0 : i32
      %dma_wait3A_220 = arith.constant 0 : i32
      %dma_wait3A_221 = tpu.memref_slice %arg2[%dma_wait3A_219, %dma_wait3A_220] : memref<100000x16xf32, #tpu.memory_space<hbm>> -> memref<100000x16xf32, #tpu.memory_space<hbm>>
      tpu.wait_indirect_dma semaphore(%arg10 : memref<!tpu.dma_semaphore, #tpu.memory_space<semaphore_mem>>) src(%dma_wait3A_221 : memref<100000x16xf32, #tpu.memory_space<hbm>>) dst(%dma_wait3A_215 : memref<128x16xf32, #tpu.memory_space<vmem>>)
      %dma_wait3A_222 = arith.constant 0 : i32
      %dma_wait3A_223 = arith.constant 1 : i32
      %dma_wait3A_224 = arith.constant 1 : i32
      %dma_wait3A_225 = arith.constant 0 : i32
      %dma_wait3A_226 = arith.constant 0 : i32
      %dma_wait3A_227 = tpu.memref_slice %arg8[%select_n3A_138, %dma_wait3A_224, %dma_wait3A_225, %dma_wait3A_226] : memref<2x4x128x16xf32, #tpu.memory_space<vmem>> -> memref<1x1x128x16xf32, #tpu.memory_space<vmem>>
      %dma_wait3A_228 = tpu.memref_squeeze %dma_wait3A_227 : memref<1x1x128x16xf32, #tpu.memory_space<vmem>> -> memref<128x16xf32, #tpu.memory_space<vmem>>
      %dma_wait3A_229 = arith.constant 0 : i32
      %dma_wait3A_230 = tpu.memref_slice %arg7[%select_n3A_138, %dma_wait3A_222, %dma_wait3A_223, %dma_wait3A_229] : memref<2x2x4x128xi32, #tpu.memory_space<vmem>> -> memref<1x1x1x128xi32, #tpu.memory_space<vmem>>
      %dma_wait3A_231 = tpu.memref_squeeze %dma_wait3A_230 : memref<1x1x1x128xi32, #tpu.memory_space<vmem>> -> memref<128xi32, #tpu.memory_space<vmem>>
      %dma_wait3A_232 = arith.constant 0 : i32
      %dma_wait3A_233 = arith.constant 0 : i32
      %dma_wait3A_234 = tpu.memref_slice %arg2[%dma_wait3A_232, %dma_wait3A_233] : memref<100000x16xf32, #tpu.memory_space<hbm>> -> memref<100000x16xf32, #tpu.memory_space<hbm>>
      tpu.wait_indirect_dma semaphore(%arg10 : memref<!tpu.dma_semaphore, #tpu.memory_space<semaphore_mem>>) src(%dma_wait3A_234 : memref<100000x16xf32, #tpu.memory_space<hbm>>) dst(%dma_wait3A_228 : memref<128x16xf32, #tpu.memory_space<vmem>>)
      %dma_wait3A_235 = arith.constant 0 : i32
      %dma_wait3A_236 = arith.constant 2 : i32
      %dma_wait3A_237 = arith.constant 2 : i32
      %dma_wait3A_238 = arith.constant 0 : i32
      %dma_wait3A_239 = arith.constant 0 : i32
      %dma_wait3A_240 = tpu.memref_slice %arg8[%select_n3A_138, %dma_wait3A_237, %dma_wait3A_238, %dma_wait3A_239] : memref<2x4x128x16xf32, #tpu.memory_space<vmem>> -> memref<1x1x128x16xf32, #tpu.memory_space<vmem>>
      %dma_wait3A_241 = tpu.memref_squeeze %dma_wait3A_240 : memref<1x1x128x16xf32, #tpu.memory_space<vmem>> -> memref<128x16xf32, #tpu.memory_space<vmem>>
      %dma_wait3A_242 = arith.constant 0 : i32
      %dma_wait3A_243 = tpu.memref_slice %arg7[%select_n3A_138, %dma_wait3A_235, %dma_wait3A_236, %dma_wait3A_242] : memref<2x2x4x128xi32, #tpu.memory_space<vmem>> -> memref<1x1x1x128xi32, #tpu.memory_space<vmem>>
      %dma_wait3A_244 = tpu.memref_squeeze %dma_wait3A_243 : memref<1x1x1x128xi32, #tpu.memory_space<vmem>> -> memref<128xi32, #tpu.memory_space<vmem>>
      %dma_wait3A_245 = arith.constant 0 : i32
      %dma_wait3A_246 = arith.constant 0 : i32
      %dma_wait3A_247 = tpu.memref_slice %arg2[%dma_wait3A_245, %dma_wait3A_246] : memref<100000x16xf32, #tpu.memory_space<hbm>> -> memref<100000x16xf32, #tpu.memory_space<hbm>>
      tpu.wait_indirect_dma semaphore(%arg10 : memref<!tpu.dma_semaphore, #tpu.memory_space<semaphore_mem>>) src(%dma_wait3A_247 : memref<100000x16xf32, #tpu.memory_space<hbm>>) dst(%dma_wait3A_241 : memref<128x16xf32, #tpu.memory_space<vmem>>)
      %dma_wait3A_248 = arith.constant 0 : i32
      %dma_wait3A_249 = arith.constant 3 : i32
      %dma_wait3A_250 = arith.constant 3 : i32
      %dma_wait3A_251 = arith.constant 0 : i32
      %dma_wait3A_252 = arith.constant 0 : i32
      %dma_wait3A_253 = tpu.memref_slice %arg8[%select_n3A_138, %dma_wait3A_250, %dma_wait3A_251, %dma_wait3A_252] : memref<2x4x128x16xf32, #tpu.memory_space<vmem>> -> memref<1x1x128x16xf32, #tpu.memory_space<vmem>>
      %dma_wait3A_254 = tpu.memref_squeeze %dma_wait3A_253 : memref<1x1x128x16xf32, #tpu.memory_space<vmem>> -> memref<128x16xf32, #tpu.memory_space<vmem>>
      %dma_wait3A_255 = arith.constant 0 : i32
      %dma_wait3A_256 = tpu.memref_slice %arg7[%select_n3A_138, %dma_wait3A_248, %dma_wait3A_249, %dma_wait3A_255] : memref<2x2x4x128xi32, #tpu.memory_space<vmem>> -> memref<1x1x1x128xi32, #tpu.memory_space<vmem>>
      %dma_wait3A_257 = tpu.memref_squeeze %dma_wait3A_256 : memref<1x1x1x128xi32, #tpu.memory_space<vmem>> -> memref<128xi32, #tpu.memory_space<vmem>>
      %dma_wait3A_258 = arith.constant 0 : i32
      %dma_wait3A_259 = arith.constant 0 : i32
      %dma_wait3A_260 = tpu.memref_slice %arg2[%dma_wait3A_258, %dma_wait3A_259] : memref<100000x16xf32, #tpu.memory_space<hbm>> -> memref<100000x16xf32, #tpu.memory_space<hbm>>
      tpu.wait_indirect_dma semaphore(%arg10 : memref<!tpu.dma_semaphore, #tpu.memory_space<semaphore_mem>>) src(%dma_wait3A_260 : memref<100000x16xf32, #tpu.memory_space<hbm>>) dst(%dma_wait3A_254 : memref<128x16xf32, #tpu.memory_space<vmem>>)
      %gt3A = arith.constant 0 : i32
      %gt3A_261 = arith.cmpi sgt, %scan3A_128, %gt3A : i32
      %convert_element_type3A_262 = arith.extui %gt3A_261 : i1 to i32
      %cond3A_263 = arith.constant 0 : i32
      %cond3A_264 = arith.cmpi ne, %convert_element_type3A_262, %cond3A_263 : i32
      scf.if %cond3A_264 {
        %sub3A = arith.constant 1 : i32
        %sub3A_322 = arith.subi %sub3A, %select_n3A_138 : i32
        %dma_wait3A_323 = arith.constant 0 : i32
        %dma_wait3A_324 = arith.constant 1 : i32
        %dma_wait3A_325 = arith.constant 0 : i32
        %dma_wait3A_326 = arith.constant 0 : i32
        %dma_wait3A_327 = arith.constant 0 : i32
        %dma_wait3A_328 = tpu.memref_slice %arg8[%sub3A_322, %dma_wait3A_323, %dma_wait3A_326, %dma_wait3A_327] : memref<2x4x128x16xf32, #tpu.memory_space<vmem>> -> memref<1x1x128x16xf32, #tpu.memory_space<vmem>>
        %dma_wait3A_329 = tpu.memref_squeeze %dma_wait3A_328 : memref<1x1x128x16xf32, #tpu.memory_space<vmem>> -> memref<128x16xf32, #tpu.memory_space<vmem>>
        %dma_wait3A_330 = arith.constant 0 : i32
        %dma_wait3A_331 = tpu.memref_slice %arg7[%sub3A_322, %dma_wait3A_324, %dma_wait3A_325, %dma_wait3A_330] : memref<2x2x4x128xi32, #tpu.memory_space<vmem>> -> memref<1x1x1x128xi32, #tpu.memory_space<vmem>>
        %dma_wait3A_332 = tpu.memref_squeeze %dma_wait3A_331 : memref<1x1x1x128xi32, #tpu.memory_space<vmem>> -> memref<128xi32, #tpu.memory_space<vmem>>
        %dma_wait3A_333 = arith.constant 0 : i32
        %dma_wait3A_334 = arith.constant 0 : i32
        %dma_wait3A_335 = tpu.memref_slice %arg6[%dma_wait3A_333, %dma_wait3A_334] : memref<100096x16xf32, #tpu.memory_space<vmem_shared>> -> memref<100096x16xf32, #tpu.memory_space<vmem_shared>>
        tpu.wait_indirect_dma semaphore(%arg11 : memref<!tpu.dma_semaphore, #tpu.memory_space<semaphore_mem>>) src(%dma_wait3A_329 : memref<128x16xf32, #tpu.memory_space<vmem>>) dst(%dma_wait3A_335 : memref<100096x16xf32, #tpu.memory_space<vmem_shared>>)
        %sub3A_336 = arith.constant 1 : i32
        %sub3A_337 = arith.subi %sub3A_336, %select_n3A_138 : i32
        %dma_wait3A_338 = arith.constant 1 : i32
        %dma_wait3A_339 = arith.constant 1 : i32
        %dma_wait3A_340 = arith.constant 1 : i32
        %dma_wait3A_341 = arith.constant 0 : i32
        %dma_wait3A_342 = arith.constant 0 : i32
        %dma_wait3A_343 = tpu.memref_slice %arg8[%sub3A_337, %dma_wait3A_338, %dma_wait3A_341, %dma_wait3A_342] : memref<2x4x128x16xf32, #tpu.memory_space<vmem>> -> memref<1x1x128x16xf32, #tpu.memory_space<vmem>>
        %dma_wait3A_344 = tpu.memref_squeeze %dma_wait3A_343 : memref<1x1x128x16xf32, #tpu.memory_space<vmem>> -> memref<128x16xf32, #tpu.memory_space<vmem>>
        %dma_wait3A_345 = arith.constant 0 : i32
        %dma_wait3A_346 = tpu.memref_slice %arg7[%sub3A_337, %dma_wait3A_339, %dma_wait3A_340, %dma_wait3A_345] : memref<2x2x4x128xi32, #tpu.memory_space<vmem>> -> memref<1x1x1x128xi32, #tpu.memory_space<vmem>>
        %dma_wait3A_347 = tpu.memref_squeeze %dma_wait3A_346 : memref<1x1x1x128xi32, #tpu.memory_space<vmem>> -> memref<128xi32, #tpu.memory_space<vmem>>
        %dma_wait3A_348 = arith.constant 0 : i32
        %dma_wait3A_349 = arith.constant 0 : i32
        %dma_wait3A_350 = tpu.memref_slice %arg6[%dma_wait3A_348, %dma_wait3A_349] : memref<100096x16xf32, #tpu.memory_space<vmem_shared>> -> memref<100096x16xf32, #tpu.memory_space<vmem_shared>>
        tpu.wait_indirect_dma semaphore(%arg11 : memref<!tpu.dma_semaphore, #tpu.memory_space<semaphore_mem>>) src(%dma_wait3A_344 : memref<128x16xf32, #tpu.memory_space<vmem>>) dst(%dma_wait3A_350 : memref<100096x16xf32, #tpu.memory_space<vmem_shared>>)
        %sub3A_351 = arith.constant 1 : i32
        %sub3A_352 = arith.subi %sub3A_351, %select_n3A_138 : i32
        %dma_wait3A_353 = arith.constant 2 : i32
        %dma_wait3A_354 = arith.constant 1 : i32
        %dma_wait3A_355 = arith.constant 2 : i32
        %dma_wait3A_356 = arith.constant 0 : i32
        %dma_wait3A_357 = arith.constant 0 : i32
        %dma_wait3A_358 = tpu.memref_slice %arg8[%sub3A_352, %dma_wait3A_353, %dma_wait3A_356, %dma_wait3A_357] : memref<2x4x128x16xf32, #tpu.memory_space<vmem>> -> memref<1x1x128x16xf32, #tpu.memory_space<vmem>>
        %dma_wait3A_359 = tpu.memref_squeeze %dma_wait3A_358 : memref<1x1x128x16xf32, #tpu.memory_space<vmem>> -> memref<128x16xf32, #tpu.memory_space<vmem>>
        %dma_wait3A_360 = arith.constant 0 : i32
        %dma_wait3A_361 = tpu.memref_slice %arg7[%sub3A_352, %dma_wait3A_354, %dma_wait3A_355, %dma_wait3A_360] : memref<2x2x4x128xi32, #tpu.memory_space<vmem>> -> memref<1x1x1x128xi32, #tpu.memory_space<vmem>>
        %dma_wait3A_362 = tpu.memref_squeeze %dma_wait3A_361 : memref<1x1x1x128xi32, #tpu.memory_space<vmem>> -> memref<128xi32, #tpu.memory_space<vmem>>
        %dma_wait3A_363 = arith.constant 0 : i32
        %dma_wait3A_364 = arith.constant 0 : i32
        %dma_wait3A_365 = tpu.memref_slice %arg6[%dma_wait3A_363, %dma_wait3A_364] : memref<100096x16xf32, #tpu.memory_space<vmem_shared>> -> memref<100096x16xf32, #tpu.memory_space<vmem_shared>>
        tpu.wait_indirect_dma semaphore(%arg11 : memref<!tpu.dma_semaphore, #tpu.memory_space<semaphore_mem>>) src(%dma_wait3A_359 : memref<128x16xf32, #tpu.memory_space<vmem>>) dst(%dma_wait3A_365 : memref<100096x16xf32, #tpu.memory_space<vmem_shared>>)
        %sub3A_366 = arith.constant 1 : i32
        %sub3A_367 = arith.subi %sub3A_366, %select_n3A_138 : i32
        %dma_wait3A_368 = arith.constant 3 : i32
        %dma_wait3A_369 = arith.constant 1 : i32
        %dma_wait3A_370 = arith.constant 3 : i32
        %dma_wait3A_371 = arith.constant 0 : i32
        %dma_wait3A_372 = arith.constant 0 : i32
        %dma_wait3A_373 = tpu.memref_slice %arg8[%sub3A_367, %dma_wait3A_368, %dma_wait3A_371, %dma_wait3A_372] : memref<2x4x128x16xf32, #tpu.memory_space<vmem>> -> memref<1x1x128x16xf32, #tpu.memory_space<vmem>>
        %dma_wait3A_374 = tpu.memref_squeeze %dma_wait3A_373 : memref<1x1x128x16xf32, #tpu.memory_space<vmem>> -> memref<128x16xf32, #tpu.memory_space<vmem>>
        %dma_wait3A_375 = arith.constant 0 : i32
        %dma_wait3A_376 = tpu.memref_slice %arg7[%sub3A_367, %dma_wait3A_369, %dma_wait3A_370, %dma_wait3A_375] : memref<2x2x4x128xi32, #tpu.memory_space<vmem>> -> memref<1x1x1x128xi32, #tpu.memory_space<vmem>>
        %dma_wait3A_377 = tpu.memref_squeeze %dma_wait3A_376 : memref<1x1x1x128xi32, #tpu.memory_space<vmem>> -> memref<128xi32, #tpu.memory_space<vmem>>
        %dma_wait3A_378 = arith.constant 0 : i32
        %dma_wait3A_379 = arith.constant 0 : i32
        %dma_wait3A_380 = tpu.memref_slice %arg6[%dma_wait3A_378, %dma_wait3A_379] : memref<100096x16xf32, #tpu.memory_space<vmem_shared>> -> memref<100096x16xf32, #tpu.memory_space<vmem_shared>>
        tpu.wait_indirect_dma semaphore(%arg11 : memref<!tpu.dma_semaphore, #tpu.memory_space<semaphore_mem>>) src(%dma_wait3A_374 : memref<128x16xf32, #tpu.memory_space<vmem>>) dst(%dma_wait3A_380 : memref<100096x16xf32, #tpu.memory_space<vmem_shared>>)
      } else {
      }
      %lt3A_265 = arith.constant 194 : i32
      %lt3A_266 = arith.cmpi slt, %scan3A_128, %lt3A_265 : i32
      %convert_element_type3A_267 = arith.extui %lt3A_266 : i1 to i32
      %cond3A_268 = arith.constant 0 : i32
      %cond3A_269 = arith.cmpi ne, %convert_element_type3A_267, %cond3A_268 : i32
      scf.if %cond3A_269 {
        %add3A_322 = arith.constant 1 : i32
        %add3A_323 = arith.addi %scan3A_128, %add3A_322 : i32
        %sub3A = arith.constant 1 : i32
        %sub3A_324 = arith.subi %sub3A, %select_n3A_138 : i32
        %mul3A_325 = arith.constant 4 : i32
        %mul3A_326 = arith.muli %add3A_323, %mul3A_325 : i32
        %add3A_327 = arith.addi %add3A_6, %mul3A_326 : i32
        %dma_start3A_328 = arith.constant 0 : i32
        %dma_start3A_329 = arith.constant 0 : i32
        %dma_start3A_330 = arith.constant 0 : i32
        %dma_start3A_331 = tpu.memref_slice %arg7[%sub3A_324, %dma_start3A_328, %dma_start3A_329, %dma_start3A_330] : memref<2x2x4x128xi32, #tpu.memory_space<vmem>> -> memref<1x2x4x128xi32, #tpu.memory_space<vmem>>
        %dma_start3A_332 = tpu.memref_squeeze %dma_start3A_331 : memref<1x2x4x128xi32, #tpu.memory_space<vmem>> -> memref<2x4x128xi32, #tpu.memory_space<vmem>>
        %dma_start3A_333 = arith.constant 0 : i32
        %dma_start3A_334 = arith.constant 0 : i32
        %dma_start3A_335 = tpu.memref_slice %arg3[%dma_start3A_333, %add3A_327, %dma_start3A_334] : memref<2x25000x128xi32, #tpu.memory_space<hbm>> -> memref<2x4x128xi32, #tpu.memory_space<hbm>>
        %dma_start3A_336 = arith.constant 0 : i32
        %dma_start3A_337 = arith.constant 0 : i32
        %dma_start3A_338 = arith.constant 0 : i32
        %dma_start3A_339 = tpu.memref_slice %arg7[%sub3A_324, %dma_start3A_336, %dma_start3A_337, %dma_start3A_338] : memref<2x2x4x128xi32, #tpu.memory_space<vmem>> -> memref<1x2x4x128xi32, #tpu.memory_space<vmem>>
        %dma_start3A_340 = tpu.memref_squeeze %dma_start3A_339 : memref<1x2x4x128xi32, #tpu.memory_space<vmem>> -> memref<2x4x128xi32, #tpu.memory_space<vmem>>
        %dma_start3A_341 = arith.constant 0 : i32
        %dma_start3A_342 = arith.constant 0 : i32
        %dma_start3A_343 = tpu.memref_slice %arg3[%dma_start3A_341, %add3A_327, %dma_start3A_342] : memref<2x25000x128xi32, #tpu.memory_space<hbm>> -> memref<2x4x128xi32, #tpu.memory_space<hbm>>
        tpu.enqueue_dma source(%dma_start3A_343 : memref<2x4x128xi32, #tpu.memory_space<hbm>>) target(%dma_start3A_340 : memref<2x4x128xi32, #tpu.memory_space<vmem>>) target_semaphore(%arg9 : memref<!tpu.dma_semaphore, #tpu.memory_space<semaphore_mem>>)
      } else {
      }
      %dma_start3A_270 = arith.constant 0 : i32
      %dma_start3A_271 = arith.constant 1 : i32
      %dma_start3A_272 = arith.constant 0 : i32
      %dma_start3A_273 = arith.constant 0 : i32
      %dma_start3A_274 = arith.constant 0 : i32
      %dma_start3A_275 = tpu.memref_slice %arg8[%select_n3A_138, %dma_start3A_270, %dma_start3A_273, %dma_start3A_274] : memref<2x4x128x16xf32, #tpu.memory_space<vmem>> -> memref<1x1x128x16xf32, #tpu.memory_space<vmem>>
      %dma_start3A_276 = tpu.memref_squeeze %dma_start3A_275 : memref<1x1x128x16xf32, #tpu.memory_space<vmem>> -> memref<128x16xf32, #tpu.memory_space<vmem>>
      %dma_start3A_277 = arith.constant 0 : i32
      %dma_start3A_278 = tpu.memref_slice %arg7[%select_n3A_138, %dma_start3A_271, %dma_start3A_272, %dma_start3A_277] : memref<2x2x4x128xi32, #tpu.memory_space<vmem>> -> memref<1x1x1x128xi32, #tpu.memory_space<vmem>>
      %dma_start3A_279 = tpu.memref_squeeze %dma_start3A_278 : memref<1x1x1x128xi32, #tpu.memory_space<vmem>> -> memref<128xi32, #tpu.memory_space<vmem>>
      %dma_start3A_280 = arith.constant 0 : i32
      %dma_start3A_281 = arith.constant 0 : i32
      %dma_start3A_282 = tpu.memref_slice %arg6[%dma_start3A_280, %dma_start3A_281] : memref<100096x16xf32, #tpu.memory_space<vmem_shared>> -> memref<100096x16xf32, #tpu.memory_space<vmem_shared>>
      tpu.enqueue_indirect_dma source(%dma_start3A_276 : memref<128x16xf32, #tpu.memory_space<vmem>>) target(%dma_start3A_282 : memref<100096x16xf32, #tpu.memory_space<vmem_shared>>) offsets(%dma_start3A_279 : memref<128xi32, #tpu.memory_space<vmem>>) semaphore(%arg11 : memref<!tpu.dma_semaphore, #tpu.memory_space<semaphore_mem>>) {add = true}
      %dma_start3A_283 = arith.constant 1 : i32
      %dma_start3A_284 = arith.constant 1 : i32
      %dma_start3A_285 = arith.constant 1 : i32
      %dma_start3A_286 = arith.constant 0 : i32
      %dma_start3A_287 = arith.constant 0 : i32
      %dma_start3A_288 = tpu.memref_slice %arg8[%select_n3A_138, %dma_start3A_283, %dma_start3A_286, %dma_start3A_287] : memref<2x4x128x16xf32, #tpu.memory_space<vmem>> -> memref<1x1x128x16xf32, #tpu.memory_space<vmem>>
      %dma_start3A_289 = tpu.memref_squeeze %dma_start3A_288 : memref<1x1x128x16xf32, #tpu.memory_space<vmem>> -> memref<128x16xf32, #tpu.memory_space<vmem>>
      %dma_start3A_290 = arith.constant 0 : i32
      %dma_start3A_291 = tpu.memref_slice %arg7[%select_n3A_138, %dma_start3A_284, %dma_start3A_285, %dma_start3A_290] : memref<2x2x4x128xi32, #tpu.memory_space<vmem>> -> memref<1x1x1x128xi32, #tpu.memory_space<vmem>>
      %dma_start3A_292 = tpu.memref_squeeze %dma_start3A_291 : memref<1x1x1x128xi32, #tpu.memory_space<vmem>> -> memref<128xi32, #tpu.memory_space<vmem>>
      %dma_start3A_293 = arith.constant 0 : i32
      %dma_start3A_294 = arith.constant 0 : i32
      %dma_start3A_295 = tpu.memref_slice %arg6[%dma_start3A_293, %dma_start3A_294] : memref<100096x16xf32, #tpu.memory_space<vmem_shared>> -> memref<100096x16xf32, #tpu.memory_space<vmem_shared>>
      tpu.enqueue_indirect_dma source(%dma_start3A_289 : memref<128x16xf32, #tpu.memory_space<vmem>>) target(%dma_start3A_295 : memref<100096x16xf32, #tpu.memory_space<vmem_shared>>) offsets(%dma_start3A_292 : memref<128xi32, #tpu.memory_space<vmem>>) semaphore(%arg11 : memref<!tpu.dma_semaphore, #tpu.memory_space<semaphore_mem>>) {add = true}
      %dma_start3A_296 = arith.constant 2 : i32
      %dma_start3A_297 = arith.constant 1 : i32
      %dma_start3A_298 = arith.constant 2 : i32
      %dma_start3A_299 = arith.constant 0 : i32
      %dma_start3A_300 = arith.constant 0 : i32
      %dma_start3A_301 = tpu.memref_slice %arg8[%select_n3A_138, %dma_start3A_296, %dma_start3A_299, %dma_start3A_300] : memref<2x4x128x16xf32, #tpu.memory_space<vmem>> -> memref<1x1x128x16xf32, #tpu.memory_space<vmem>>
      %dma_start3A_302 = tpu.memref_squeeze %dma_start3A_301 : memref<1x1x128x16xf32, #tpu.memory_space<vmem>> -> memref<128x16xf32, #tpu.memory_space<vmem>>
      %dma_start3A_303 = arith.constant 0 : i32
      %dma_start3A_304 = tpu.memref_slice %arg7[%select_n3A_138, %dma_start3A_297, %dma_start3A_298, %dma_start3A_303] : memref<2x2x4x128xi32, #tpu.memory_space<vmem>> -> memref<1x1x1x128xi32, #tpu.memory_space<vmem>>
      %dma_start3A_305 = tpu.memref_squeeze %dma_start3A_304 : memref<1x1x1x128xi32, #tpu.memory_space<vmem>> -> memref<128xi32, #tpu.memory_space<vmem>>
      %dma_start3A_306 = arith.constant 0 : i32
      %dma_start3A_307 = arith.constant 0 : i32
      %dma_start3A_308 = tpu.memref_slice %arg6[%dma_start3A_306, %dma_start3A_307] : memref<100096x16xf32, #tpu.memory_space<vmem_shared>> -> memref<100096x16xf32, #tpu.memory_space<vmem_shared>>
      tpu.enqueue_indirect_dma source(%dma_start3A_302 : memref<128x16xf32, #tpu.memory_space<vmem>>) target(%dma_start3A_308 : memref<100096x16xf32, #tpu.memory_space<vmem_shared>>) offsets(%dma_start3A_305 : memref<128xi32, #tpu.memory_space<vmem>>) semaphore(%arg11 : memref<!tpu.dma_semaphore, #tpu.memory_space<semaphore_mem>>) {add = true}
      %dma_start3A_309 = arith.constant 3 : i32
      %dma_start3A_310 = arith.constant 1 : i32
      %dma_start3A_311 = arith.constant 3 : i32
      %dma_start3A_312 = arith.constant 0 : i32
      %dma_start3A_313 = arith.constant 0 : i32
      %dma_start3A_314 = tpu.memref_slice %arg8[%select_n3A_138, %dma_start3A_309, %dma_start3A_312, %dma_start3A_313] : memref<2x4x128x16xf32, #tpu.memory_space<vmem>> -> memref<1x1x128x16xf32, #tpu.memory_space<vmem>>
      %dma_start3A_315 = tpu.memref_squeeze %dma_start3A_314 : memref<1x1x128x16xf32, #tpu.memory_space<vmem>> -> memref<128x16xf32, #tpu.memory_space<vmem>>
      %dma_start3A_316 = arith.constant 0 : i32
      %dma_start3A_317 = tpu.memref_slice %arg7[%select_n3A_138, %dma_start3A_310, %dma_start3A_311, %dma_start3A_316] : memref<2x2x4x128xi32, #tpu.memory_space<vmem>> -> memref<1x1x1x128xi32, #tpu.memory_space<vmem>>
      %dma_start3A_318 = tpu.memref_squeeze %dma_start3A_317 : memref<1x1x1x128xi32, #tpu.memory_space<vmem>> -> memref<128xi32, #tpu.memory_space<vmem>>
      %dma_start3A_319 = arith.constant 0 : i32
      %dma_start3A_320 = arith.constant 0 : i32
      %dma_start3A_321 = tpu.memref_slice %arg6[%dma_start3A_319, %dma_start3A_320] : memref<100096x16xf32, #tpu.memory_space<vmem_shared>> -> memref<100096x16xf32, #tpu.memory_space<vmem_shared>>
      tpu.enqueue_indirect_dma source(%dma_start3A_315 : memref<128x16xf32, #tpu.memory_space<vmem>>) target(%dma_start3A_321 : memref<100096x16xf32, #tpu.memory_space<vmem_shared>>) offsets(%dma_start3A_318 : memref<128xi32, #tpu.memory_space<vmem>>) semaphore(%arg11 : memref<!tpu.dma_semaphore, #tpu.memory_space<semaphore_mem>>) {add = true}
    }
    %scan3A_28 = arith.constant 195 : i32
    %dma_wait3A = arith.constant 0 : i32
    %dma_wait3A_29 = arith.constant 0 : i32
    %dma_wait3A_30 = arith.constant 0 : i32
    %dma_wait3A_31 = arith.constant 1 : i32
    %dma_wait3A_32 = arith.constant 0 : i32
    %dma_wait3A_33 = arith.constant 0 : i32
    %dma_wait3A_34 = arith.constant 0 : i32
    %dma_wait3A_35 = tpu.memref_slice %arg8[%dma_wait3A, %dma_wait3A_29, %dma_wait3A_33, %dma_wait3A_34] : memref<2x4x128x16xf32, #tpu.memory_space<vmem>> -> memref<1x1x128x16xf32, #tpu.memory_space<vmem>>
    %dma_wait3A_36 = tpu.memref_squeeze %dma_wait3A_35 : memref<1x1x128x16xf32, #tpu.memory_space<vmem>> -> memref<128x16xf32, #tpu.memory_space<vmem>>
    %dma_wait3A_37 = arith.constant 0 : i32
    %dma_wait3A_38 = tpu.memref_slice %arg7[%dma_wait3A_30, %dma_wait3A_31, %dma_wait3A_32, %dma_wait3A_37] : memref<2x2x4x128xi32, #tpu.memory_space<vmem>> -> memref<1x1x1x128xi32, #tpu.memory_space<vmem>>
    %dma_wait3A_39 = tpu.memref_squeeze %dma_wait3A_38 : memref<1x1x1x128xi32, #tpu.memory_space<vmem>> -> memref<128xi32, #tpu.memory_space<vmem>>
    %dma_wait3A_40 = arith.constant 0 : i32
    %dma_wait3A_41 = arith.constant 0 : i32
    %dma_wait3A_42 = tpu.memref_slice %arg6[%dma_wait3A_40, %dma_wait3A_41] : memref<100096x16xf32, #tpu.memory_space<vmem_shared>> -> memref<100096x16xf32, #tpu.memory_space<vmem_shared>>
    tpu.wait_indirect_dma semaphore(%arg11 : memref<!tpu.dma_semaphore, #tpu.memory_space<semaphore_mem>>) src(%dma_wait3A_36 : memref<128x16xf32, #tpu.memory_space<vmem>>) dst(%dma_wait3A_42 : memref<100096x16xf32, #tpu.memory_space<vmem_shared>>)
    %dma_wait3A_43 = arith.constant 0 : i32
    %dma_wait3A_44 = arith.constant 1 : i32
    %dma_wait3A_45 = arith.constant 0 : i32
    %dma_wait3A_46 = arith.constant 1 : i32
    %dma_wait3A_47 = arith.constant 1 : i32
    %dma_wait3A_48 = arith.constant 0 : i32
    %dma_wait3A_49 = arith.constant 0 : i32
    %dma_wait3A_50 = tpu.memref_slice %arg8[%dma_wait3A_43, %dma_wait3A_44, %dma_wait3A_48, %dma_wait3A_49] : memref<2x4x128x16xf32, #tpu.memory_space<vmem>> -> memref<1x1x128x16xf32, #tpu.memory_space<vmem>>
    %dma_wait3A_51 = tpu.memref_squeeze %dma_wait3A_50 : memref<1x1x128x16xf32, #tpu.memory_space<vmem>> -> memref<128x16xf32, #tpu.memory_space<vmem>>
    %dma_wait3A_52 = arith.constant 0 : i32
    %dma_wait3A_53 = tpu.memref_slice %arg7[%dma_wait3A_45, %dma_wait3A_46, %dma_wait3A_47, %dma_wait3A_52] : memref<2x2x4x128xi32, #tpu.memory_space<vmem>> -> memref<1x1x1x128xi32, #tpu.memory_space<vmem>>
    %dma_wait3A_54 = tpu.memref_squeeze %dma_wait3A_53 : memref<1x1x1x128xi32, #tpu.memory_space<vmem>> -> memref<128xi32, #tpu.memory_space<vmem>>
    %dma_wait3A_55 = arith.constant 0 : i32
    %dma_wait3A_56 = arith.constant 0 : i32
    %dma_wait3A_57 = tpu.memref_slice %arg6[%dma_wait3A_55, %dma_wait3A_56] : memref<100096x16xf32, #tpu.memory_space<vmem_shared>> -> memref<100096x16xf32, #tpu.memory_space<vmem_shared>>
    tpu.wait_indirect_dma semaphore(%arg11 : memref<!tpu.dma_semaphore, #tpu.memory_space<semaphore_mem>>) src(%dma_wait3A_51 : memref<128x16xf32, #tpu.memory_space<vmem>>) dst(%dma_wait3A_57 : memref<100096x16xf32, #tpu.memory_space<vmem_shared>>)
    %dma_wait3A_58 = arith.constant 0 : i32
    %dma_wait3A_59 = arith.constant 2 : i32
    %dma_wait3A_60 = arith.constant 0 : i32
    %dma_wait3A_61 = arith.constant 1 : i32
    %dma_wait3A_62 = arith.constant 2 : i32
    %dma_wait3A_63 = arith.constant 0 : i32
    %dma_wait3A_64 = arith.constant 0 : i32
    %dma_wait3A_65 = tpu.memref_slice %arg8[%dma_wait3A_58, %dma_wait3A_59, %dma_wait3A_63, %dma_wait3A_64] : memref<2x4x128x16xf32, #tpu.memory_space<vmem>> -> memref<1x1x128x16xf32, #tpu.memory_space<vmem>>
    %dma_wait3A_66 = tpu.memref_squeeze %dma_wait3A_65 : memref<1x1x128x16xf32, #tpu.memory_space<vmem>> -> memref<128x16xf32, #tpu.memory_space<vmem>>
    %dma_wait3A_67 = arith.constant 0 : i32
    %dma_wait3A_68 = tpu.memref_slice %arg7[%dma_wait3A_60, %dma_wait3A_61, %dma_wait3A_62, %dma_wait3A_67] : memref<2x2x4x128xi32, #tpu.memory_space<vmem>> -> memref<1x1x1x128xi32, #tpu.memory_space<vmem>>
    %dma_wait3A_69 = tpu.memref_squeeze %dma_wait3A_68 : memref<1x1x1x128xi32, #tpu.memory_space<vmem>> -> memref<128xi32, #tpu.memory_space<vmem>>
    %dma_wait3A_70 = arith.constant 0 : i32
    %dma_wait3A_71 = arith.constant 0 : i32
    %dma_wait3A_72 = tpu.memref_slice %arg6[%dma_wait3A_70, %dma_wait3A_71] : memref<100096x16xf32, #tpu.memory_space<vmem_shared>> -> memref<100096x16xf32, #tpu.memory_space<vmem_shared>>
    tpu.wait_indirect_dma semaphore(%arg11 : memref<!tpu.dma_semaphore, #tpu.memory_space<semaphore_mem>>) src(%dma_wait3A_66 : memref<128x16xf32, #tpu.memory_space<vmem>>) dst(%dma_wait3A_72 : memref<100096x16xf32, #tpu.memory_space<vmem_shared>>)
    %dma_wait3A_73 = arith.constant 0 : i32
    %dma_wait3A_74 = arith.constant 3 : i32
    %dma_wait3A_75 = arith.constant 0 : i32
    %dma_wait3A_76 = arith.constant 1 : i32
    %dma_wait3A_77 = arith.constant 3 : i32
    %dma_wait3A_78 = arith.constant 0 : i32
    %dma_wait3A_79 = arith.constant 0 : i32
    %dma_wait3A_80 = tpu.memref_slice %arg8[%dma_wait3A_73, %dma_wait3A_74, %dma_wait3A_78, %dma_wait3A_79] : memref<2x4x128x16xf32, #tpu.memory_space<vmem>> -> memref<1x1x128x16xf32, #tpu.memory_space<vmem>>
    %dma_wait3A_81 = tpu.memref_squeeze %dma_wait3A_80 : memref<1x1x128x16xf32, #tpu.memory_space<vmem>> -> memref<128x16xf32, #tpu.memory_space<vmem>>
    %dma_wait3A_82 = arith.constant 0 : i32
    %dma_wait3A_83 = tpu.memref_slice %arg7[%dma_wait3A_75, %dma_wait3A_76, %dma_wait3A_77, %dma_wait3A_82] : memref<2x2x4x128xi32, #tpu.memory_space<vmem>> -> memref<1x1x1x128xi32, #tpu.memory_space<vmem>>
    %dma_wait3A_84 = tpu.memref_squeeze %dma_wait3A_83 : memref<1x1x1x128xi32, #tpu.memory_space<vmem>> -> memref<128xi32, #tpu.memory_space<vmem>>
    %dma_wait3A_85 = arith.constant 0 : i32
    %dma_wait3A_86 = arith.constant 0 : i32
    %dma_wait3A_87 = tpu.memref_slice %arg6[%dma_wait3A_85, %dma_wait3A_86] : memref<100096x16xf32, #tpu.memory_space<vmem_shared>> -> memref<100096x16xf32, #tpu.memory_space<vmem_shared>>
    tpu.wait_indirect_dma semaphore(%arg11 : memref<!tpu.dma_semaphore, #tpu.memory_space<semaphore_mem>>) src(%dma_wait3A_81 : memref<128x16xf32, #tpu.memory_space<vmem>>) dst(%dma_wait3A_87 : memref<100096x16xf32, #tpu.memory_space<vmem_shared>>)
    %add3A_88 = arith.constant 780 : i32
    %add3A_89 = arith.addi %add3A_6, %add3A_88 : i32
    %run_scoped3A = arith.constant 0 : i32
    "tpu.region"() ({
      %run_scoped3A_128 = tpu.sem_alloc : memref<!tpu.dma_semaphore, #tpu.memory_space<semaphore_mem>>
      %dma_start3A_129 = arith.constant 0 : i32
      %dma_start3A_130 = arith.constant 0 : i32
      %dma_start3A_131 = arith.constant 0 : i32
      %dma_start3A_132 = tpu.memref_slice %arg7[%run_scoped3A, %dma_start3A_129, %dma_start3A_130, %dma_start3A_131] : memref<2x2x4x128xi32, #tpu.memory_space<vmem>> -> memref<1x2x1x128xi32, #tpu.memory_space<vmem>>
      %dma_start3A_133 = tpu.memref_squeeze %dma_start3A_132 : memref<1x2x1x128xi32, #tpu.memory_space<vmem>> -> memref<2x1x128xi32, #tpu.memory_space<vmem>>
      %dma_start3A_134 = arith.constant 0 : i32
      %dma_start3A_135 = arith.constant 0 : i32
      %dma_start3A_136 = tpu.memref_slice %arg3[%dma_start3A_134, %add3A_89, %dma_start3A_135] : memref<2x25000x128xi32, #tpu.memory_space<hbm>> -> memref<2x1x128xi32, #tpu.memory_space<hbm>>
      %dma_start3A_137 = arith.constant 0 : i32
      %dma_start3A_138 = arith.constant 0 : i32
      %dma_start3A_139 = arith.constant 0 : i32
      %dma_start3A_140 = tpu.memref_slice %arg7[%run_scoped3A, %dma_start3A_137, %dma_start3A_138, %dma_start3A_139] : memref<2x2x4x128xi32, #tpu.memory_space<vmem>> -> memref<1x2x1x128xi32, #tpu.memory_space<vmem>>
      %dma_start3A_141 = tpu.memref_squeeze %dma_start3A_140 : memref<1x2x1x128xi32, #tpu.memory_space<vmem>> -> memref<2x1x128xi32, #tpu.memory_space<vmem>>
      %dma_start3A_142 = arith.constant 0 : i32
      %dma_start3A_143 = arith.constant 0 : i32
      %dma_start3A_144 = tpu.memref_slice %arg3[%dma_start3A_142, %add3A_89, %dma_start3A_143] : memref<2x25000x128xi32, #tpu.memory_space<hbm>> -> memref<2x1x128xi32, #tpu.memory_space<hbm>>
      tpu.enqueue_dma source(%dma_start3A_144 : memref<2x1x128xi32, #tpu.memory_space<hbm>>) target(%dma_start3A_141 : memref<2x1x128xi32, #tpu.memory_space<vmem>>) target_semaphore(%run_scoped3A_128 : memref<!tpu.dma_semaphore, #tpu.memory_space<semaphore_mem>>)
      %dma_wait3A_145 = arith.constant 0 : i32
      %dma_wait3A_146 = arith.constant 0 : i32
      %dma_wait3A_147 = arith.constant 0 : i32
      %dma_wait3A_148 = tpu.memref_slice %arg7[%run_scoped3A, %dma_wait3A_145, %dma_wait3A_146, %dma_wait3A_147] : memref<2x2x4x128xi32, #tpu.memory_space<vmem>> -> memref<1x2x1x128xi32, #tpu.memory_space<vmem>>
      %dma_wait3A_149 = tpu.memref_squeeze %dma_wait3A_148 : memref<1x2x1x128xi32, #tpu.memory_space<vmem>> -> memref<2x1x128xi32, #tpu.memory_space<vmem>>
      %dma_wait3A_150 = arith.constant 0 : i32
      %dma_wait3A_151 = arith.constant 0 : i32
      %dma_wait3A_152 = tpu.memref_slice %arg3[%dma_wait3A_150, %add3A_89, %dma_wait3A_151] : memref<2x25000x128xi32, #tpu.memory_space<hbm>> -> memref<2x1x128xi32, #tpu.memory_space<hbm>>
      %dma_wait3A_153 = arith.constant 0 : i32
      %dma_wait3A_154 = arith.constant 0 : i32
      %dma_wait3A_155 = arith.constant 0 : i32
      %dma_wait3A_156 = tpu.memref_slice %arg7[%run_scoped3A, %dma_wait3A_153, %dma_wait3A_154, %dma_wait3A_155] : memref<2x2x4x128xi32, #tpu.memory_space<vmem>> -> memref<1x2x1x128xi32, #tpu.memory_space<vmem>>
      %dma_wait3A_157 = tpu.memref_squeeze %dma_wait3A_156 : memref<1x2x1x128xi32, #tpu.memory_space<vmem>> -> memref<2x1x128xi32, #tpu.memory_space<vmem>>
      %dma_wait3A_158 = arith.constant 0 : i32
      %dma_wait3A_159 = arith.constant 0 : i32
      %dma_wait3A_160 = tpu.memref_slice %arg3[%dma_wait3A_158, %add3A_89, %dma_wait3A_159] : memref<2x25000x128xi32, #tpu.memory_space<hbm>> -> memref<2x1x128xi32, #tpu.memory_space<hbm>>
      tpu.wait_dma2 semaphore(%run_scoped3A_128 : memref<!tpu.dma_semaphore, #tpu.memory_space<semaphore_mem>>) src(%dma_wait3A_160 : memref<2x1x128xi32, #tpu.memory_space<hbm>>) dst(%dma_wait3A_157 : memref<2x1x128xi32, #tpu.memory_space<vmem>>)
      tpu.yield
    }) : () -> ()
    %dma_start3A_90 = arith.constant 0 : i32
    %dma_start3A_91 = arith.constant 0 : i32
    %dma_start3A_92 = arith.constant 0 : i32
    %dma_start3A_93 = arith.constant 0 : i32
    %dma_start3A_94 = arith.constant 0 : i32
    %dma_start3A_95 = arith.constant 0 : i32
    %dma_start3A_96 = arith.constant 0 : i32
    %dma_start3A_97 = tpu.memref_slice %arg8[%dma_start3A_93, %dma_start3A_94, %dma_start3A_95, %dma_start3A_96] : memref<2x4x128x16xf32, #tpu.memory_space<vmem>> -> memref<1x1x128x16xf32, #tpu.memory_space<vmem>>
    %dma_start3A_98 = tpu.memref_squeeze %dma_start3A_97 : memref<1x1x128x16xf32, #tpu.memory_space<vmem>> -> memref<128x16xf32, #tpu.memory_space<vmem>>
    %dma_start3A_99 = arith.constant 0 : i32
    %dma_start3A_100 = tpu.memref_slice %arg7[%dma_start3A_90, %dma_start3A_91, %dma_start3A_92, %dma_start3A_99] : memref<2x2x4x128xi32, #tpu.memory_space<vmem>> -> memref<1x1x1x128xi32, #tpu.memory_space<vmem>>
    %dma_start3A_101 = tpu.memref_squeeze %dma_start3A_100 : memref<1x1x1x128xi32, #tpu.memory_space<vmem>> -> memref<128xi32, #tpu.memory_space<vmem>>
    %dma_start3A_102 = arith.constant 0 : i32
    %dma_start3A_103 = arith.constant 0 : i32
    %dma_start3A_104 = tpu.memref_slice %arg2[%dma_start3A_102, %dma_start3A_103] : memref<100000x16xf32, #tpu.memory_space<hbm>> -> memref<100000x16xf32, #tpu.memory_space<hbm>>
    tpu.enqueue_indirect_dma source(%dma_start3A_104 : memref<100000x16xf32, #tpu.memory_space<hbm>>) target(%dma_start3A_98 : memref<128x16xf32, #tpu.memory_space<vmem>>) offsets(%dma_start3A_101 : memref<128xi32, #tpu.memory_space<vmem>>) semaphore(%arg10 : memref<!tpu.dma_semaphore, #tpu.memory_space<semaphore_mem>>)
    %dma_wait3A_105 = arith.constant 0 : i32
    %dma_wait3A_106 = arith.constant 0 : i32
    %dma_wait3A_107 = arith.constant 0 : i32
    %dma_wait3A_108 = arith.constant 0 : i32
    %dma_wait3A_109 = arith.constant 0 : i32
    %dma_wait3A_110 = arith.constant 0 : i32
    %dma_wait3A_111 = arith.constant 0 : i32
    %dma_wait3A_112 = tpu.memref_slice %arg8[%dma_wait3A_108, %dma_wait3A_109, %dma_wait3A_110, %dma_wait3A_111] : memref<2x4x128x16xf32, #tpu.memory_space<vmem>> -> memref<1x1x128x16xf32, #tpu.memory_space<vmem>>
    %dma_wait3A_113 = tpu.memref_squeeze %dma_wait3A_112 : memref<1x1x128x16xf32, #tpu.memory_space<vmem>> -> memref<128x16xf32, #tpu.memory_space<vmem>>
    %dma_wait3A_114 = arith.constant 0 : i32
    %dma_wait3A_115 = tpu.memref_slice %arg7[%dma_wait3A_105, %dma_wait3A_106, %dma_wait3A_107, %dma_wait3A_114] : memref<2x2x4x128xi32, #tpu.memory_space<vmem>> -> memref<1x1x1x128xi32, #tpu.memory_space<vmem>>
    %dma_wait3A_116 = tpu.memref_squeeze %dma_wait3A_115 : memref<1x1x1x128xi32, #tpu.memory_space<vmem>> -> memref<128xi32, #tpu.memory_space<vmem>>
    %dma_wait3A_117 = arith.constant 0 : i32
    %dma_wait3A_118 = arith.constant 0 : i32
    %dma_wait3A_119 = tpu.memref_slice %arg2[%dma_wait3A_117, %dma_wait3A_118] : memref<100000x16xf32, #tpu.memory_space<hbm>> -> memref<100000x16xf32, #tpu.memory_space<hbm>>
    tpu.wait_indirect_dma semaphore(%arg10 : memref<!tpu.dma_semaphore, #tpu.memory_space<semaphore_mem>>) src(%dma_wait3A_119 : memref<100000x16xf32, #tpu.memory_space<hbm>>) dst(%dma_wait3A_113 : memref<128x16xf32, #tpu.memory_space<vmem>>)
    %run_scoped3A_120 = arith.constant 0 : i32
    %run_scoped3A_121 = arith.constant 0 : i32
    %run_scoped3A_122 = arith.constant 0 : i32
    %run_scoped3A_123 = arith.constant 1 : i32
    %run_scoped3A_124 = arith.constant 0 : i32
    "tpu.region"() ({
      %run_scoped3A_128 = tpu.sem_alloc : memref<!tpu.dma_semaphore, #tpu.memory_space<semaphore_mem>>
      %dma_start3A_129 = arith.constant 0 : i32
      %dma_start3A_130 = arith.constant 0 : i32
      %dma_start3A_131 = tpu.memref_slice %arg8[%run_scoped3A_120, %run_scoped3A_121, %dma_start3A_129, %dma_start3A_130] : memref<2x4x128x16xf32, #tpu.memory_space<vmem>> -> memref<1x1x128x16xf32, #tpu.memory_space<vmem>>
      %dma_start3A_132 = tpu.memref_squeeze %dma_start3A_131 : memref<1x1x128x16xf32, #tpu.memory_space<vmem>> -> memref<128x16xf32, #tpu.memory_space<vmem>>
      %dma_start3A_133 = arith.constant 0 : i32
      %dma_start3A_134 = tpu.memref_slice %arg7[%run_scoped3A_122, %run_scoped3A_123, %run_scoped3A_124, %dma_start3A_133] : memref<2x2x4x128xi32, #tpu.memory_space<vmem>> -> memref<1x1x1x128xi32, #tpu.memory_space<vmem>>
      %dma_start3A_135 = tpu.memref_squeeze %dma_start3A_134 : memref<1x1x1x128xi32, #tpu.memory_space<vmem>> -> memref<128xi32, #tpu.memory_space<vmem>>
      %dma_start3A_136 = arith.constant 0 : i32
      %dma_start3A_137 = arith.constant 0 : i32
      %dma_start3A_138 = tpu.memref_slice %arg6[%dma_start3A_136, %dma_start3A_137] : memref<100096x16xf32, #tpu.memory_space<vmem_shared>> -> memref<100096x16xf32, #tpu.memory_space<vmem_shared>>
      tpu.enqueue_indirect_dma source(%dma_start3A_132 : memref<128x16xf32, #tpu.memory_space<vmem>>) target(%dma_start3A_138 : memref<100096x16xf32, #tpu.memory_space<vmem_shared>>) offsets(%dma_start3A_135 : memref<128xi32, #tpu.memory_space<vmem>>) semaphore(%run_scoped3A_128 : memref<!tpu.dma_semaphore, #tpu.memory_space<semaphore_mem>>) {add = true}
      %dma_wait3A_139 = arith.constant 0 : i32
      %dma_wait3A_140 = arith.constant 0 : i32
      %dma_wait3A_141 = tpu.memref_slice %arg8[%run_scoped3A_120, %run_scoped3A_121, %dma_wait3A_139, %dma_wait3A_140] : memref<2x4x128x16xf32, #tpu.memory_space<vmem>> -> memref<1x1x128x16xf32, #tpu.memory_space<vmem>>
      %dma_wait3A_142 = tpu.memref_squeeze %dma_wait3A_141 : memref<1x1x128x16xf32, #tpu.memory_space<vmem>> -> memref<128x16xf32, #tpu.memory_space<vmem>>
      %dma_wait3A_143 = arith.constant 0 : i32
      %dma_wait3A_144 = tpu.memref_slice %arg7[%run_scoped3A_122, %run_scoped3A_123, %run_scoped3A_124, %dma_wait3A_143] : memref<2x2x4x128xi32, #tpu.memory_space<vmem>> -> memref<1x1x1x128xi32, #tpu.memory_space<vmem>>
      %dma_wait3A_145 = tpu.memref_squeeze %dma_wait3A_144 : memref<1x1x1x128xi32, #tpu.memory_space<vmem>> -> memref<128xi32, #tpu.memory_space<vmem>>
      %dma_wait3A_146 = arith.constant 0 : i32
      %dma_wait3A_147 = arith.constant 0 : i32
      %dma_wait3A_148 = tpu.memref_slice %arg6[%dma_wait3A_146, %dma_wait3A_147] : memref<100096x16xf32, #tpu.memory_space<vmem_shared>> -> memref<100096x16xf32, #tpu.memory_space<vmem_shared>>
      tpu.wait_indirect_dma semaphore(%run_scoped3A_128 : memref<!tpu.dma_semaphore, #tpu.memory_space<semaphore_mem>>) src(%dma_wait3A_142 : memref<128x16xf32, #tpu.memory_space<vmem>>) dst(%dma_wait3A_148 : memref<100096x16xf32, #tpu.memory_space<vmem_shared>>)
      tpu.yield
    }) : () -> ()
    %lt3A = arith.constant 8 : i32
    %lt3A_125 = arith.cmpi slt, %add3A, %lt3A : i32
    %convert_element_type3A = arith.extui %lt3A_125 : i1 to i32
    %cond3A = arith.constant 0 : i32
    %cond3A_126 = arith.cmpi ne, %convert_element_type3A, %cond3A : i32
    scf.if %cond3A_126 {
      %add3A_128 = arith.constant 780 : i32
      %add3A_129 = arith.addi %add3A_6, %add3A_128 : i32
      %add3A_130 = arith.constant 1 : i32
      %add3A_131 = arith.addi %add3A_129, %add3A_130 : i32
      %run_scoped3A_132 = arith.constant 0 : i32
      "tpu.region"() ({
        %run_scoped3A_168 = tpu.sem_alloc : memref<!tpu.dma_semaphore, #tpu.memory_space<semaphore_mem>>
        %dma_start3A_169 = arith.constant 0 : i32
        %dma_start3A_170 = arith.constant 0 : i32
        %dma_start3A_171 = arith.constant 0 : i32
        %dma_start3A_172 = tpu.memref_slice %arg7[%run_scoped3A_132, %dma_start3A_169, %dma_start3A_170, %dma_start3A_171] : memref<2x2x4x128xi32, #tpu.memory_space<vmem>> -> memref<1x2x1x128xi32, #tpu.memory_space<vmem>>
        %dma_start3A_173 = tpu.memref_squeeze %dma_start3A_172 : memref<1x2x1x128xi32, #tpu.memory_space<vmem>> -> memref<2x1x128xi32, #tpu.memory_space<vmem>>
        %dma_start3A_174 = arith.constant 0 : i32
        %dma_start3A_175 = arith.constant 0 : i32
        %dma_start3A_176 = tpu.memref_slice %arg3[%dma_start3A_174, %add3A_131, %dma_start3A_175] : memref<2x25000x128xi32, #tpu.memory_space<hbm>> -> memref<2x1x128xi32, #tpu.memory_space<hbm>>
        %dma_start3A_177 = arith.constant 0 : i32
        %dma_start3A_178 = arith.constant 0 : i32
        %dma_start3A_179 = arith.constant 0 : i32
        %dma_start3A_180 = tpu.memref_slice %arg7[%run_scoped3A_132, %dma_start3A_177, %dma_start3A_178, %dma_start3A_179] : memref<2x2x4x128xi32, #tpu.memory_space<vmem>> -> memref<1x2x1x128xi32, #tpu.memory_space<vmem>>
        %dma_start3A_181 = tpu.memref_squeeze %dma_start3A_180 : memref<1x2x1x128xi32, #tpu.memory_space<vmem>> -> memref<2x1x128xi32, #tpu.memory_space<vmem>>
        %dma_start3A_182 = arith.constant 0 : i32
        %dma_start3A_183 = arith.constant 0 : i32
        %dma_start3A_184 = tpu.memref_slice %arg3[%dma_start3A_182, %add3A_131, %dma_start3A_183] : memref<2x25000x128xi32, #tpu.memory_space<hbm>> -> memref<2x1x128xi32, #tpu.memory_space<hbm>>
        tpu.enqueue_dma source(%dma_start3A_184 : memref<2x1x128xi32, #tpu.memory_space<hbm>>) target(%dma_start3A_181 : memref<2x1x128xi32, #tpu.memory_space<vmem>>) target_semaphore(%run_scoped3A_168 : memref<!tpu.dma_semaphore, #tpu.memory_space<semaphore_mem>>)
        %dma_wait3A_185 = arith.constant 0 : i32
        %dma_wait3A_186 = arith.constant 0 : i32
        %dma_wait3A_187 = arith.constant 0 : i32
        %dma_wait3A_188 = tpu.memref_slice %arg7[%run_scoped3A_132, %dma_wait3A_185, %dma_wait3A_186, %dma_wait3A_187] : memref<2x2x4x128xi32, #tpu.memory_space<vmem>> -> memref<1x2x1x128xi32, #tpu.memory_space<vmem>>
        %dma_wait3A_189 = tpu.memref_squeeze %dma_wait3A_188 : memref<1x2x1x128xi32, #tpu.memory_space<vmem>> -> memref<2x1x128xi32, #tpu.memory_space<vmem>>
        %dma_wait3A_190 = arith.constant 0 : i32
        %dma_wait3A_191 = arith.constant 0 : i32
        %dma_wait3A_192 = tpu.memref_slice %arg3[%dma_wait3A_190, %add3A_131, %dma_wait3A_191] : memref<2x25000x128xi32, #tpu.memory_space<hbm>> -> memref<2x1x128xi32, #tpu.memory_space<hbm>>
        %dma_wait3A_193 = arith.constant 0 : i32
        %dma_wait3A_194 = arith.constant 0 : i32
        %dma_wait3A_195 = arith.constant 0 : i32
        %dma_wait3A_196 = tpu.memref_slice %arg7[%run_scoped3A_132, %dma_wait3A_193, %dma_wait3A_194, %dma_wait3A_195] : memref<2x2x4x128xi32, #tpu.memory_space<vmem>> -> memref<1x2x1x128xi32, #tpu.memory_space<vmem>>
        %dma_wait3A_197 = tpu.memref_squeeze %dma_wait3A_196 : memref<1x2x1x128xi32, #tpu.memory_space<vmem>> -> memref<2x1x128xi32, #tpu.memory_space<vmem>>
        %dma_wait3A_198 = arith.constant 0 : i32
        %dma_wait3A_199 = arith.constant 0 : i32
        %dma_wait3A_200 = tpu.memref_slice %arg3[%dma_wait3A_198, %add3A_131, %dma_wait3A_199] : memref<2x25000x128xi32, #tpu.memory_space<hbm>> -> memref<2x1x128xi32, #tpu.memory_space<hbm>>
        tpu.wait_dma2 semaphore(%run_scoped3A_168 : memref<!tpu.dma_semaphore, #tpu.memory_space<semaphore_mem>>) src(%dma_wait3A_200 : memref<2x1x128xi32, #tpu.memory_space<hbm>>) dst(%dma_wait3A_197 : memref<2x1x128xi32, #tpu.memory_space<vmem>>)
        tpu.yield
      }) : () -> ()
      %dma_start3A_133 = arith.constant 0 : i32
      %dma_start3A_134 = arith.constant 0 : i32
      %dma_start3A_135 = arith.constant 0 : i32
      %dma_start3A_136 = arith.constant 0 : i32
      %dma_start3A_137 = arith.constant 0 : i32
      %dma_start3A_138 = arith.constant 0 : i32
      %dma_start3A_139 = arith.constant 0 : i32
      %dma_start3A_140 = tpu.memref_slice %arg8[%dma_start3A_136, %dma_start3A_137, %dma_start3A_138, %dma_start3A_139] : memref<2x4x128x16xf32, #tpu.memory_space<vmem>> -> memref<1x1x128x16xf32, #tpu.memory_space<vmem>>
      %dma_start3A_141 = tpu.memref_squeeze %dma_start3A_140 : memref<1x1x128x16xf32, #tpu.memory_space<vmem>> -> memref<128x16xf32, #tpu.memory_space<vmem>>
      %dma_start3A_142 = arith.constant 0 : i32
      %dma_start3A_143 = tpu.memref_slice %arg7[%dma_start3A_133, %dma_start3A_134, %dma_start3A_135, %dma_start3A_142] : memref<2x2x4x128xi32, #tpu.memory_space<vmem>> -> memref<1x1x1x128xi32, #tpu.memory_space<vmem>>
      %dma_start3A_144 = tpu.memref_squeeze %dma_start3A_143 : memref<1x1x1x128xi32, #tpu.memory_space<vmem>> -> memref<128xi32, #tpu.memory_space<vmem>>
      %dma_start3A_145 = arith.constant 0 : i32
      %dma_start3A_146 = arith.constant 0 : i32
      %dma_start3A_147 = tpu.memref_slice %arg2[%dma_start3A_145, %dma_start3A_146] : memref<100000x16xf32, #tpu.memory_space<hbm>> -> memref<100000x16xf32, #tpu.memory_space<hbm>>
      tpu.enqueue_indirect_dma source(%dma_start3A_147 : memref<100000x16xf32, #tpu.memory_space<hbm>>) target(%dma_start3A_141 : memref<128x16xf32, #tpu.memory_space<vmem>>) offsets(%dma_start3A_144 : memref<128xi32, #tpu.memory_space<vmem>>) semaphore(%arg10 : memref<!tpu.dma_semaphore, #tpu.memory_space<semaphore_mem>>)
      %dma_wait3A_148 = arith.constant 0 : i32
      %dma_wait3A_149 = arith.constant 0 : i32
      %dma_wait3A_150 = arith.constant 0 : i32
      %dma_wait3A_151 = arith.constant 0 : i32
      %dma_wait3A_152 = arith.constant 0 : i32
      %dma_wait3A_153 = arith.constant 0 : i32
      %dma_wait3A_154 = arith.constant 0 : i32
      %dma_wait3A_155 = tpu.memref_slice %arg8[%dma_wait3A_151, %dma_wait3A_152, %dma_wait3A_153, %dma_wait3A_154] : memref<2x4x128x16xf32, #tpu.memory_space<vmem>> -> memref<1x1x128x16xf32, #tpu.memory_space<vmem>>
      %dma_wait3A_156 = tpu.memref_squeeze %dma_wait3A_155 : memref<1x1x128x16xf32, #tpu.memory_space<vmem>> -> memref<128x16xf32, #tpu.memory_space<vmem>>
      %dma_wait3A_157 = arith.constant 0 : i32
      %dma_wait3A_158 = tpu.memref_slice %arg7[%dma_wait3A_148, %dma_wait3A_149, %dma_wait3A_150, %dma_wait3A_157] : memref<2x2x4x128xi32, #tpu.memory_space<vmem>> -> memref<1x1x1x128xi32, #tpu.memory_space<vmem>>
      %dma_wait3A_159 = tpu.memref_squeeze %dma_wait3A_158 : memref<1x1x1x128xi32, #tpu.memory_space<vmem>> -> memref<128xi32, #tpu.memory_space<vmem>>
      %dma_wait3A_160 = arith.constant 0 : i32
      %dma_wait3A_161 = arith.constant 0 : i32
      %dma_wait3A_162 = tpu.memref_slice %arg2[%dma_wait3A_160, %dma_wait3A_161] : memref<100000x16xf32, #tpu.memory_space<hbm>> -> memref<100000x16xf32, #tpu.memory_space<hbm>>
      tpu.wait_indirect_dma semaphore(%arg10 : memref<!tpu.dma_semaphore, #tpu.memory_space<semaphore_mem>>) src(%dma_wait3A_162 : memref<100000x16xf32, #tpu.memory_space<hbm>>) dst(%dma_wait3A_156 : memref<128x16xf32, #tpu.memory_space<vmem>>)
      %run_scoped3A_163 = arith.constant 0 : i32
      %run_scoped3A_164 = arith.constant 0 : i32
      %run_scoped3A_165 = arith.constant 0 : i32
      %run_scoped3A_166 = arith.constant 1 : i32
      %run_scoped3A_167 = arith.constant 0 : i32
      "tpu.region"() ({
        %run_scoped3A_168 = tpu.sem_alloc : memref<!tpu.dma_semaphore, #tpu.memory_space<semaphore_mem>>
        %dma_start3A_169 = arith.constant 0 : i32
        %dma_start3A_170 = arith.constant 0 : i32
        %dma_start3A_171 = tpu.memref_slice %arg8[%run_scoped3A_163, %run_scoped3A_164, %dma_start3A_169, %dma_start3A_170] : memref<2x4x128x16xf32, #tpu.memory_space<vmem>> -> memref<1x1x128x16xf32, #tpu.memory_space<vmem>>
        %dma_start3A_172 = tpu.memref_squeeze %dma_start3A_171 : memref<1x1x128x16xf32, #tpu.memory_space<vmem>> -> memref<128x16xf32, #tpu.memory_space<vmem>>
        %dma_start3A_173 = arith.constant 0 : i32
        %dma_start3A_174 = tpu.memref_slice %arg7[%run_scoped3A_165, %run_scoped3A_166, %run_scoped3A_167, %dma_start3A_173] : memref<2x2x4x128xi32, #tpu.memory_space<vmem>> -> memref<1x1x1x128xi32, #tpu.memory_space<vmem>>
        %dma_start3A_175 = tpu.memref_squeeze %dma_start3A_174 : memref<1x1x1x128xi32, #tpu.memory_space<vmem>> -> memref<128xi32, #tpu.memory_space<vmem>>
        %dma_start3A_176 = arith.constant 0 : i32
        %dma_start3A_177 = arith.constant 0 : i32
        %dma_start3A_178 = tpu.memref_slice %arg6[%dma_start3A_176, %dma_start3A_177] : memref<100096x16xf32, #tpu.memory_space<vmem_shared>> -> memref<100096x16xf32, #tpu.memory_space<vmem_shared>>
        tpu.enqueue_indirect_dma source(%dma_start3A_172 : memref<128x16xf32, #tpu.memory_space<vmem>>) target(%dma_start3A_178 : memref<100096x16xf32, #tpu.memory_space<vmem_shared>>) offsets(%dma_start3A_175 : memref<128xi32, #tpu.memory_space<vmem>>) semaphore(%run_scoped3A_168 : memref<!tpu.dma_semaphore, #tpu.memory_space<semaphore_mem>>) {add = true}
        %dma_wait3A_179 = arith.constant 0 : i32
        %dma_wait3A_180 = arith.constant 0 : i32
        %dma_wait3A_181 = tpu.memref_slice %arg8[%run_scoped3A_163, %run_scoped3A_164, %dma_wait3A_179, %dma_wait3A_180] : memref<2x4x128x16xf32, #tpu.memory_space<vmem>> -> memref<1x1x128x16xf32, #tpu.memory_space<vmem>>
        %dma_wait3A_182 = tpu.memref_squeeze %dma_wait3A_181 : memref<1x1x128x16xf32, #tpu.memory_space<vmem>> -> memref<128x16xf32, #tpu.memory_space<vmem>>
        %dma_wait3A_183 = arith.constant 0 : i32
        %dma_wait3A_184 = tpu.memref_slice %arg7[%run_scoped3A_165, %run_scoped3A_166, %run_scoped3A_167, %dma_wait3A_183] : memref<2x2x4x128xi32, #tpu.memory_space<vmem>> -> memref<1x1x1x128xi32, #tpu.memory_space<vmem>>
        %dma_wait3A_185 = tpu.memref_squeeze %dma_wait3A_184 : memref<1x1x1x128xi32, #tpu.memory_space<vmem>> -> memref<128xi32, #tpu.memory_space<vmem>>
        %dma_wait3A_186 = arith.constant 0 : i32
        %dma_wait3A_187 = arith.constant 0 : i32
        %dma_wait3A_188 = tpu.memref_slice %arg6[%dma_wait3A_186, %dma_wait3A_187] : memref<100096x16xf32, #tpu.memory_space<vmem_shared>> -> memref<100096x16xf32, #tpu.memory_space<vmem_shared>>
        tpu.wait_indirect_dma semaphore(%run_scoped3A_168 : memref<!tpu.dma_semaphore, #tpu.memory_space<semaphore_mem>>) src(%dma_wait3A_182 : memref<128x16xf32, #tpu.memory_space<vmem>>) dst(%dma_wait3A_188 : memref<100096x16xf32, #tpu.memory_space<vmem_shared>>)
        tpu.yield
      }) : () -> ()
    } else {
    }
    %barrier3A_127 = arith.constant 0 : index
    tpu.barrier barrier_id(%barrier3A_127)
    "tpu.region"() ({
      %run_scoped3A_128 = tpu.sem_alloc : memref<!tpu.dma_semaphore, #tpu.memory_space<semaphore_mem>>
      %dma_start3A_129 = arith.constant 0 : i32
      %dma_start3A_130 = tpu.memref_slice %arg5[%arg0, %mul3A_2, %dma_start3A_129] : memref<2x100096x16xf32, #tpu.memory_space<hbm>> -> memref<1x6256x16xf32, #tpu.memory_space<hbm>>
      %dma_start3A_131 = tpu.memref_squeeze %dma_start3A_130 : memref<1x6256x16xf32, #tpu.memory_space<hbm>> -> memref<6256x16xf32, #tpu.memory_space<hbm>>
      %dma_start3A_132 = arith.constant 0 : i32
      %dma_start3A_133 = tpu.memref_slice %arg6[%mul3A_2, %dma_start3A_132] : memref<100096x16xf32, #tpu.memory_space<vmem_shared>> -> memref<6256x16xf32, #tpu.memory_space<vmem_shared>>
      tpu.enqueue_dma source(%dma_start3A_133 : memref<6256x16xf32, #tpu.memory_space<vmem_shared>>) target(%dma_start3A_131 : memref<6256x16xf32, #tpu.memory_space<hbm>>) target_semaphore(%run_scoped3A_128 : memref<!tpu.dma_semaphore, #tpu.memory_space<semaphore_mem>>)
      %dma_wait3A_134 = arith.constant 0 : i32
      %dma_wait3A_135 = tpu.memref_slice %arg5[%arg0, %mul3A_2, %dma_wait3A_134] : memref<2x100096x16xf32, #tpu.memory_space<hbm>> -> memref<1x6256x16xf32, #tpu.memory_space<hbm>>
      %dma_wait3A_136 = tpu.memref_squeeze %dma_wait3A_135 : memref<1x6256x16xf32, #tpu.memory_space<hbm>> -> memref<6256x16xf32, #tpu.memory_space<hbm>>
      %dma_wait3A_137 = arith.constant 0 : i32
      %dma_wait3A_138 = tpu.memref_slice %arg6[%mul3A_2, %dma_wait3A_137] : memref<100096x16xf32, #tpu.memory_space<vmem_shared>> -> memref<6256x16xf32, #tpu.memory_space<vmem_shared>>
      tpu.wait_dma2 semaphore(%run_scoped3A_128 : memref<!tpu.dma_semaphore, #tpu.memory_space<semaphore_mem>>) src(%dma_wait3A_138 : memref<6256x16xf32, #tpu.memory_space<vmem_shared>>) dst(%dma_wait3A_136 : memref<6256x16xf32, #tpu.memory_space<hbm>>)
      tpu.yield
    }) : () -> ()
    return
  }
}

module attributes {stable_mosaic.version = 14 : i64} {
  func.func @_detile_body(%arg0: i32, %arg1: memref<2x128000xi32, #tpu.memory_space<vmem>>, %arg2: memref<2x1000x128xi32, #tpu.memory_space<vmem>>) attributes {dimension_semantics = [#tpu.dimension_semantics<arbitrary>], iteration_bounds = array<i64: 25>, scalar_prefetch = 0 : i64, scratch_operands = 0 : i64, tpu.core_type = #tpu.core_type<tc>, window_params = [{transform_indices = @transform_0, window_bounds = array<i64: 2, 128000>}, {transform_indices = @transform_1, window_bounds = array<i64: 2, 1000, 128>}]} {
    %get3A = arith.constant 0 : index
    %get3A_0 = arith.constant 0 : index
    %get3A_1 = vector.load %arg1[%get3A, %get3A_0] : memref<2x128000xi32, #tpu.memory_space<vmem>>, vector<1x128000xi32>
    %get3A_2 = vector.shape_cast %get3A_1 : vector<1x128000xi32> to vector<128000xi32>
    %reshape3A = vector.shape_cast %get3A_2 : vector<128000xi32> to vector<1000x128xi32>
    %swap3A = arith.constant 0 : index
    %swap3A_3 = arith.constant 0 : index
    %swap3A_4 = arith.constant 0 : index
    %swap3A_5 = vector.load %arg2[%swap3A, %swap3A_3, %swap3A_4] : memref<2x1000x128xi32, #tpu.memory_space<vmem>>, vector<1x1000x128xi32>
    %swap3A_6 = vector.shape_cast %swap3A_5 : vector<1x1000x128xi32> to vector<1000x128xi32>
    %swap3A_7 = vector.shape_cast %reshape3A : vector<1000x128xi32> to vector<1x1000x128xi32>
    tpu.vector_store %arg2[%swap3A, %swap3A_3, %swap3A_4], %swap3A_7 {strides = array<i32>} : memref<2x1000x128xi32, #tpu.memory_space<vmem>>, vector<1x1000x128xi32>,
    %get3A_8 = arith.constant 1 : index
    %get3A_9 = arith.constant 0 : index
    %get3A_10 = vector.load %arg1[%get3A_8, %get3A_9] : memref<2x128000xi32, #tpu.memory_space<vmem>>, vector<1x128000xi32>
    %get3A_11 = vector.shape_cast %get3A_10 : vector<1x128000xi32> to vector<128000xi32>
    %reshape3A_12 = vector.shape_cast %get3A_11 : vector<128000xi32> to vector<1000x128xi32>
    %swap3A_13 = arith.constant 1 : index
    %swap3A_14 = arith.constant 0 : index
    %swap3A_15 = arith.constant 0 : index
    %swap3A_16 = vector.load %arg2[%swap3A_13, %swap3A_14, %swap3A_15] : memref<2x1000x128xi32, #tpu.memory_space<vmem>>, vector<1x1000x128xi32>
    %swap3A_17 = vector.shape_cast %swap3A_16 : vector<1x1000x128xi32> to vector<1000x128xi32>
    %swap3A_18 = vector.shape_cast %reshape3A_12 : vector<1000x128xi32> to vector<1x1000x128xi32>
    tpu.vector_store %arg2[%swap3A_13, %swap3A_14, %swap3A_15], %swap3A_18 {strides = array<i32>} : memref<2x1000x128xi32, #tpu.memory_space<vmem>>, vector<1x1000x128xi32>,
    return
  }
  func.func @transform_0(%arg0: i32) -> (i32, i32) {
    %c0_i32 = arith.constant 0 : i32
    %c0_i32_0 = arith.constant 0 : i32
    return %c0_i32, %arg0 : i32, i32
  }
  func.func @transform_1(%arg0: i32) -> (i32, i32, i32) {
    %c0_i32 = arith.constant 0 : i32
    %c0_i32_0 = arith.constant 0 : i32
    %c0_i32_1 = arith.constant 0 : i32
    return %c0_i32, %arg0, %c0_i32_0 : i32, i32, i32
  }
}

module attributes {stable_mosaic.version = 14 : i64} {
  func.func @_cnn_body(%arg0: i32, %arg1: memref<8x600x21xf32, #tpu.memory_space<vmem>>, %arg2: memref<3x21x100xf32, #tpu.memory_space<vmem>>, %arg3: memref<1x100xf32, #tpu.memory_space<vmem>>, %arg4: memref<3x100x100xf32, #tpu.memory_space<vmem>>, %arg5: memref<1x100xf32, #tpu.memory_space<vmem>>, %arg6: memref<3x100x100xf32, #tpu.memory_space<vmem>>, %arg7: memref<1x100xf32, #tpu.memory_space<vmem>>, %arg8: memref<3x100x100xf32, #tpu.memory_space<vmem>>, %arg9: memref<1x100xf32, #tpu.memory_space<vmem>>, %arg10: memref<8x8x100xf32, #tpu.memory_space<vmem>>) attributes {dimension_semantics = [#tpu.dimension_semantics<arbitrary>], iteration_bounds = array<i64: 16>, scalar_prefetch = 0 : i64, scratch_operands = 0 : i64, tpu.core_type = #tpu.core_type<tc>, window_params = [{transform_indices = @transform_0, window_bounds = array<i64: 8, 600, 21>}, {pipeline_mode = #tpu.pipeline_mode<synchronous>, transform_indices = @transform_1, window_bounds = array<i64: 3, 21, 100>}, {pipeline_mode = #tpu.pipeline_mode<synchronous>, transform_indices = @transform_2, window_bounds = array<i64: 1, 100>}, {pipeline_mode = #tpu.pipeline_mode<synchronous>, transform_indices = @transform_3, window_bounds = array<i64: 3, 100, 100>}, {pipeline_mode = #tpu.pipeline_mode<synchronous>, transform_indices = @transform_4, window_bounds = array<i64: 1, 100>}, {pipeline_mode = #tpu.pipeline_mode<synchronous>, transform_indices = @transform_5, window_bounds = array<i64: 3, 100, 100>}, {pipeline_mode = #tpu.pipeline_mode<synchronous>, transform_indices = @transform_6, window_bounds = array<i64: 1, 100>}, {pipeline_mode = #tpu.pipeline_mode<synchronous>, transform_indices = @transform_7, window_bounds = array<i64: 3, 100, 100>}, {pipeline_mode = #tpu.pipeline_mode<synchronous>, transform_indices = @transform_8, window_bounds = array<i64: 1, 100>}, {transform_indices = @transform_9, window_bounds = array<i64: 8, 8, 100>}]} {
    %get3A = arith.constant 0 : index
    %get3A_0 = arith.constant 0 : index
    %get3A_1 = arith.constant 0 : index
    %get3A_2 = vector.load %arg1[%get3A, %get3A_0, %get3A_1] : memref<8x600x21xf32, #tpu.memory_space<vmem>>, vector<1x600x21xf32>
    %get3A_3 = vector.shape_cast %get3A_2 : vector<1x600x21xf32> to vector<600x21xf32>
    %broadcast_in_dim3A = arith.constant 0.000000e+00 : f32
    %broadcast_in_dim3A_4 = vector.broadcast %broadcast_in_dim3A : f32 to vector<1x21xf32>
    %concatenate3A = tpu.concatenate %broadcast_in_dim3A_4, %get3A_3, %broadcast_in_dim3A_4 in 0 : vector<1x21xf32>, vector<600x21xf32>, vector<1x21xf32> -> vector<602x21xf32>
    %get3A_5 = arith.constant 0 : index
    %get3A_6 = arith.constant 0 : index
    %get3A_7 = arith.constant 0 : index
    %get3A_8 = vector.load %arg2[%get3A_5, %get3A_6, %get3A_7] : memref<3x21x100xf32, #tpu.memory_space<vmem>>, vector<3x21x100xf32>
    %get3A_9 = arith.constant 0 : index
    %get3A_10 = arith.constant 0 : index
    %get3A_11 = vector.load %arg3[%get3A_9, %get3A_10] : memref<1x100xf32, #tpu.memory_space<vmem>>, vector<1x100xf32>
    %slice3A = vector.extract_strided_slice %concatenate3A {offsets = [0, 0], sizes = [600, 21], strides = [1, 1]} : vector<602x21xf32> to vector<600x21xf32>
    %slice3A_12 = vector.extract_strided_slice %get3A_8 {offsets = [0, 0, 0], sizes = [1, 21, 100], strides = [1, 1, 1]} : vector<3x21x100xf32> to vector<1x21x100xf32>
    %squeeze3A = vector.shape_cast %slice3A_12 : vector<1x21x100xf32> to vector<21x100xf32>
    %dot_general3A = arith.constant dense<0.000000e+00> : vector<600x100xf32>
    %dot_general3A_13 = tpu.matmul %slice3A, %squeeze3A, %dot_general3A {dimension_numbers = #tpu.dot_dimension_numbers<[1], [0], [0], [1], [0, 0, 1, 1], [], []>, precision = #tpu.contract_precision<fp32>, transpose_lhs_hint = false} : vector<600x21xf32>, vector<21x100xf32>, vector<600x100xf32> -> vector<600x100xf32>
    %slice3A_14 = vector.extract_strided_slice %concatenate3A {offsets = [1, 0], sizes = [600, 21], strides = [1, 1]} : vector<602x21xf32> to vector<600x21xf32>
    %slice3A_15 = vector.extract_strided_slice %get3A_8 {offsets = [1, 0, 0], sizes = [1, 21, 100], strides = [1, 1, 1]} : vector<3x21x100xf32> to vector<1x21x100xf32>
    %squeeze3A_16 = vector.shape_cast %slice3A_15 : vector<1x21x100xf32> to vector<21x100xf32>
    %dot_general3A_17 = arith.constant dense<0.000000e+00> : vector<600x100xf32>
    %dot_general3A_18 = tpu.matmul %slice3A_14, %squeeze3A_16, %dot_general3A_17 {dimension_numbers = #tpu.dot_dimension_numbers<[1], [0], [0], [1], [0, 0, 1, 1], [], []>, precision = #tpu.contract_precision<fp32>, transpose_lhs_hint = false} : vector<600x21xf32>, vector<21x100xf32>, vector<600x100xf32> -> vector<600x100xf32>
    %add3A = arith.addf %dot_general3A_13, %dot_general3A_18 : vector<600x100xf32>
    %slice3A_19 = vector.extract_strided_slice %concatenate3A {offsets = [2, 0], sizes = [600, 21], strides = [1, 1]} : vector<602x21xf32> to vector<600x21xf32>
    %slice3A_20 = vector.extract_strided_slice %get3A_8 {offsets = [2, 0, 0], sizes = [1, 21, 100], strides = [1, 1, 1]} : vector<3x21x100xf32> to vector<1x21x100xf32>
    %squeeze3A_21 = vector.shape_cast %slice3A_20 : vector<1x21x100xf32> to vector<21x100xf32>
    %dot_general3A_22 = arith.constant dense<0.000000e+00> : vector<600x100xf32>
    %dot_general3A_23 = tpu.matmul %slice3A_19, %squeeze3A_21, %dot_general3A_22 {dimension_numbers = #tpu.dot_dimension_numbers<[1], [0], [0], [1], [0, 0, 1, 1], [], []>, precision = #tpu.contract_precision<fp32>, transpose_lhs_hint = false} : vector<600x21xf32>, vector<21x100xf32>, vector<600x100xf32> -> vector<600x100xf32>
    %add3A_24 = arith.addf %add3A, %dot_general3A_23 : vector<600x100xf32>
    %add3A_25 = vector.broadcast %get3A_11 : vector<1x100xf32> to vector<600x100xf32>
    %add3A_26 = arith.addf %add3A_24, %add3A_25 : vector<600x100xf32>
    %ge3A = arith.constant 0.000000e+00 : f32
    %ge3A_27 = vector.broadcast %ge3A : f32 to vector<600x100xf32>
    %ge3A_28 = arith.cmpf oge, %add3A_26, %ge3A_27 : vector<600x100xf32>
    %mul3A = arith.constant 0.00999999977 : f32
    %mul3A_29 = vector.broadcast %mul3A : f32 to vector<600x100xf32>
    %mul3A_30 = arith.mulf %mul3A_29, %add3A_26 : vector<600x100xf32>
    %select_n3A = arith.select %ge3A_28, %add3A_26, %mul3A_30 : vector<600x100xi1>, vector<600x100xf32>
    %reshape3A = vector.shape_cast %select_n3A : vector<600x100xf32> to vector<200x3x100xf32>
    %reduce_max3A = arith.constant dense<0xFF800000> : vector<200x100xf32>
    %reduce_max3A_31 = vector.multi_reduction <maximumf>, %reshape3A, %reduce_max3A [1] : vector<200x3x100xf32> to vector<200x100xf32>
    %broadcast_in_dim3A_32 = arith.constant 0.000000e+00 : f32
    %broadcast_in_dim3A_33 = vector.broadcast %broadcast_in_dim3A_32 : f32 to vector<1x100xf32>
    %concatenate3A_34 = tpu.concatenate %broadcast_in_dim3A_33, %reduce_max3A_31, %broadcast_in_dim3A_33 in 0 : vector<1x100xf32>, vector<200x100xf32>, vector<1x100xf32> -> vector<202x100xf32>
    %get3A_35 = arith.constant 0 : index
    %get3A_36 = arith.constant 0 : index
    %get3A_37 = arith.constant 0 : index
    %get3A_38 = vector.load %arg4[%get3A_35, %get3A_36, %get3A_37] : memref<3x100x100xf32, #tpu.memory_space<vmem>>, vector<3x100x100xf32>
    %get3A_39 = arith.constant 0 : index
    %get3A_40 = arith.constant 0 : index
    %get3A_41 = vector.load %arg5[%get3A_39, %get3A_40] : memref<1x100xf32, #tpu.memory_space<vmem>>, vector<1x100xf32>
    %slice3A_42 = vector.extract_strided_slice %concatenate3A_34 {offsets = [0, 0], sizes = [200, 100], strides = [1, 1]} : vector<202x100xf32> to vector<200x100xf32>
    %slice3A_43 = vector.extract_strided_slice %get3A_38 {offsets = [0, 0, 0], sizes = [1, 100, 100], strides = [1, 1, 1]} : vector<3x100x100xf32> to vector<1x100x100xf32>
    %squeeze3A_44 = vector.shape_cast %slice3A_43 : vector<1x100x100xf32> to vector<100x100xf32>
    %dot_general3A_45 = arith.constant dense<0.000000e+00> : vector<200x100xf32>
    %dot_general3A_46 = tpu.matmul %slice3A_42, %squeeze3A_44, %dot_general3A_45 {dimension_numbers = #tpu.dot_dimension_numbers<[1], [0], [0], [1], [0, 0, 1, 1], [], []>, precision = #tpu.contract_precision<fp32>, transpose_lhs_hint = false} : vector<200x100xf32>, vector<100x100xf32>, vector<200x100xf32> -> vector<200x100xf32>
    %slice3A_47 = vector.extract_strided_slice %concatenate3A_34 {offsets = [1, 0], sizes = [200, 100], strides = [1, 1]} : vector<202x100xf32> to vector<200x100xf32>
    %slice3A_48 = vector.extract_strided_slice %get3A_38 {offsets = [1, 0, 0], sizes = [1, 100, 100], strides = [1, 1, 1]} : vector<3x100x100xf32> to vector<1x100x100xf32>
    %squeeze3A_49 = vector.shape_cast %slice3A_48 : vector<1x100x100xf32> to vector<100x100xf32>
    %dot_general3A_50 = arith.constant dense<0.000000e+00> : vector<200x100xf32>
    %dot_general3A_51 = tpu.matmul %slice3A_47, %squeeze3A_49, %dot_general3A_50 {dimension_numbers = #tpu.dot_dimension_numbers<[1], [0], [0], [1], [0, 0, 1, 1], [], []>, precision = #tpu.contract_precision<fp32>, transpose_lhs_hint = false} : vector<200x100xf32>, vector<100x100xf32>, vector<200x100xf32> -> vector<200x100xf32>
    %add3A_52 = arith.addf %dot_general3A_46, %dot_general3A_51 : vector<200x100xf32>
    %slice3A_53 = vector.extract_strided_slice %concatenate3A_34 {offsets = [2, 0], sizes = [200, 100], strides = [1, 1]} : vector<202x100xf32> to vector<200x100xf32>
    %slice3A_54 = vector.extract_strided_slice %get3A_38 {offsets = [2, 0, 0], sizes = [1, 100, 100], strides = [1, 1, 1]} : vector<3x100x100xf32> to vector<1x100x100xf32>
    %squeeze3A_55 = vector.shape_cast %slice3A_54 : vector<1x100x100xf32> to vector<100x100xf32>
    %dot_general3A_56 = arith.constant dense<0.000000e+00> : vector<200x100xf32>
    %dot_general3A_57 = tpu.matmul %slice3A_53, %squeeze3A_55, %dot_general3A_56 {dimension_numbers = #tpu.dot_dimension_numbers<[1], [0], [0], [1], [0, 0, 1, 1], [], []>, precision = #tpu.contract_precision<fp32>, transpose_lhs_hint = false} : vector<200x100xf32>, vector<100x100xf32>, vector<200x100xf32> -> vector<200x100xf32>
    %add3A_58 = arith.addf %add3A_52, %dot_general3A_57 : vector<200x100xf32>
    %add3A_59 = vector.broadcast %get3A_41 : vector<1x100xf32> to vector<200x100xf32>
    %add3A_60 = arith.addf %add3A_58, %add3A_59 : vector<200x100xf32>
    %ge3A_61 = arith.constant 0.000000e+00 : f32
    %ge3A_62 = vector.broadcast %ge3A_61 : f32 to vector<200x100xf32>
    %ge3A_63 = arith.cmpf oge, %add3A_60, %ge3A_62 : vector<200x100xf32>
    %mul3A_64 = arith.constant 0.00999999977 : f32
    %mul3A_65 = vector.broadcast %mul3A_64 : f32 to vector<200x100xf32>
    %mul3A_66 = arith.mulf %mul3A_65, %add3A_60 : vector<200x100xf32>
    %select_n3A_67 = arith.select %ge3A_63, %add3A_60, %mul3A_66 : vector<200x100xi1>, vector<200x100xf32>
    %broadcast_in_dim3A_68 = arith.constant 0xFF800000 : f32
    %broadcast_in_dim3A_69 = vector.broadcast %broadcast_in_dim3A_68 : f32 to vector<1x100xf32>
    %concatenate3A_70 = tpu.concatenate %broadcast_in_dim3A_69, %select_n3A_67, %broadcast_in_dim3A_69 in 0 : vector<1x100xf32>, vector<200x100xf32>, vector<1x100xf32> -> vector<202x100xf32>
    %slice3A_71 = vector.extract_strided_slice %concatenate3A_70 {offsets = [0, 0], sizes = [201, 100], strides = [1, 1]} : vector<202x100xf32> to vector<201x100xf32>
    %reshape3A_72 = vector.shape_cast %slice3A_71 : vector<201x100xf32> to vector<67x3x100xf32>
    %reduce_max3A_73 = arith.constant dense<0xFF800000> : vector<67x100xf32>
    %reduce_max3A_74 = vector.multi_reduction <maximumf>, %reshape3A_72, %reduce_max3A_73 [1] : vector<67x3x100xf32> to vector<67x100xf32>
    %broadcast_in_dim3A_75 = arith.constant 0.000000e+00 : f32
    %broadcast_in_dim3A_76 = vector.broadcast %broadcast_in_dim3A_75 : f32 to vector<1x100xf32>
    %concatenate3A_77 = tpu.concatenate %broadcast_in_dim3A_76, %reduce_max3A_74, %broadcast_in_dim3A_76 in 0 : vector<1x100xf32>, vector<67x100xf32>, vector<1x100xf32> -> vector<69x100xf32>
    %get3A_78 = arith.constant 0 : index
    %get3A_79 = arith.constant 0 : index
    %get3A_80 = arith.constant 0 : index
    %get3A_81 = vector.load %arg6[%get3A_78, %get3A_79, %get3A_80] : memref<3x100x100xf32, #tpu.memory_space<vmem>>, vector<3x100x100xf32>
    %get3A_82 = arith.constant 0 : index
    %get3A_83 = arith.constant 0 : index
    %get3A_84 = vector.load %arg7[%get3A_82, %get3A_83] : memref<1x100xf32, #tpu.memory_space<vmem>>, vector<1x100xf32>
    %slice3A_85 = vector.extract_strided_slice %concatenate3A_77 {offsets = [0, 0], sizes = [67, 100], strides = [1, 1]} : vector<69x100xf32> to vector<67x100xf32>
    %slice3A_86 = vector.extract_strided_slice %get3A_81 {offsets = [0, 0, 0], sizes = [1, 100, 100], strides = [1, 1, 1]} : vector<3x100x100xf32> to vector<1x100x100xf32>
    %squeeze3A_87 = vector.shape_cast %slice3A_86 : vector<1x100x100xf32> to vector<100x100xf32>
    %dot_general3A_88 = arith.constant dense<0.000000e+00> : vector<67x100xf32>
    %dot_general3A_89 = tpu.matmul %slice3A_85, %squeeze3A_87, %dot_general3A_88 {dimension_numbers = #tpu.dot_dimension_numbers<[1], [0], [0], [1], [0, 0, 1, 1], [], []>, precision = #tpu.contract_precision<fp32>, transpose_lhs_hint = false} : vector<67x100xf32>, vector<100x100xf32>, vector<67x100xf32> -> vector<67x100xf32>
    %slice3A_90 = vector.extract_strided_slice %concatenate3A_77 {offsets = [1, 0], sizes = [67, 100], strides = [1, 1]} : vector<69x100xf32> to vector<67x100xf32>
    %slice3A_91 = vector.extract_strided_slice %get3A_81 {offsets = [1, 0, 0], sizes = [1, 100, 100], strides = [1, 1, 1]} : vector<3x100x100xf32> to vector<1x100x100xf32>
    %squeeze3A_92 = vector.shape_cast %slice3A_91 : vector<1x100x100xf32> to vector<100x100xf32>
    %dot_general3A_93 = arith.constant dense<0.000000e+00> : vector<67x100xf32>
    %dot_general3A_94 = tpu.matmul %slice3A_90, %squeeze3A_92, %dot_general3A_93 {dimension_numbers = #tpu.dot_dimension_numbers<[1], [0], [0], [1], [0, 0, 1, 1], [], []>, precision = #tpu.contract_precision<fp32>, transpose_lhs_hint = false} : vector<67x100xf32>, vector<100x100xf32>, vector<67x100xf32> -> vector<67x100xf32>
    %add3A_95 = arith.addf %dot_general3A_89, %dot_general3A_94 : vector<67x100xf32>
    %slice3A_96 = vector.extract_strided_slice %concatenate3A_77 {offsets = [2, 0], sizes = [67, 100], strides = [1, 1]} : vector<69x100xf32> to vector<67x100xf32>
    %slice3A_97 = vector.extract_strided_slice %get3A_81 {offsets = [2, 0, 0], sizes = [1, 100, 100], strides = [1, 1, 1]} : vector<3x100x100xf32> to vector<1x100x100xf32>
    %squeeze3A_98 = vector.shape_cast %slice3A_97 : vector<1x100x100xf32> to vector<100x100xf32>
    %dot_general3A_99 = arith.constant dense<0.000000e+00> : vector<67x100xf32>
    %dot_general3A_100 = tpu.matmul %slice3A_96, %squeeze3A_98, %dot_general3A_99 {dimension_numbers = #tpu.dot_dimension_numbers<[1], [0], [0], [1], [0, 0, 1, 1], [], []>, precision = #tpu.contract_precision<fp32>, transpose_lhs_hint = false} : vector<67x100xf32>, vector<100x100xf32>, vector<67x100xf32> -> vector<67x100xf32>
    %add3A_101 = arith.addf %add3A_95, %dot_general3A_100 : vector<67x100xf32>
    %add3A_102 = vector.broadcast %get3A_84 : vector<1x100xf32> to vector<67x100xf32>
    %add3A_103 = arith.addf %add3A_101, %add3A_102 : vector<67x100xf32>
    %ge3A_104 = arith.constant 0.000000e+00 : f32
    %ge3A_105 = vector.broadcast %ge3A_104 : f32 to vector<67x100xf32>
    %ge3A_106 = arith.cmpf oge, %add3A_103, %ge3A_105 : vector<67x100xf32>
    %mul3A_107 = arith.constant 0.00999999977 : f32
    %mul3A_108 = vector.broadcast %mul3A_107 : f32 to vector<67x100xf32>
    %mul3A_109 = arith.mulf %mul3A_108, %add3A_103 : vector<67x100xf32>
    %select_n3A_110 = arith.select %ge3A_106, %add3A_103, %mul3A_109 : vector<67x100xi1>, vector<67x100xf32>
    %broadcast_in_dim3A_111 = arith.constant 0xFF800000 : f32
    %broadcast_in_dim3A_112 = vector.broadcast %broadcast_in_dim3A_111 : f32 to vector<1x100xf32>
    %concatenate3A_113 = tpu.concatenate %broadcast_in_dim3A_112, %select_n3A_110, %broadcast_in_dim3A_112 in 0 : vector<1x100xf32>, vector<67x100xf32>, vector<1x100xf32> -> vector<69x100xf32>
    %reshape3A_114 = vector.shape_cast %concatenate3A_113 : vector<69x100xf32> to vector<23x3x100xf32>
    %reduce_max3A_115 = arith.constant dense<0xFF800000> : vector<23x100xf32>
    %reduce_max3A_116 = vector.multi_reduction <maximumf>, %reshape3A_114, %reduce_max3A_115 [1] : vector<23x3x100xf32> to vector<23x100xf32>
    %broadcast_in_dim3A_117 = arith.constant 0.000000e+00 : f32
    %broadcast_in_dim3A_118 = vector.broadcast %broadcast_in_dim3A_117 : f32 to vector<1x100xf32>
    %concatenate3A_119 = tpu.concatenate %broadcast_in_dim3A_118, %reduce_max3A_116, %broadcast_in_dim3A_118 in 0 : vector<1x100xf32>, vector<23x100xf32>, vector<1x100xf32> -> vector<25x100xf32>
    %get3A_120 = arith.constant 0 : index
    %get3A_121 = arith.constant 0 : index
    %get3A_122 = arith.constant 0 : index
    %get3A_123 = vector.load %arg8[%get3A_120, %get3A_121, %get3A_122] : memref<3x100x100xf32, #tpu.memory_space<vmem>>, vector<3x100x100xf32>
    %get3A_124 = arith.constant 0 : index
    %get3A_125 = arith.constant 0 : index
    %get3A_126 = vector.load %arg9[%get3A_124, %get3A_125] : memref<1x100xf32, #tpu.memory_space<vmem>>, vector<1x100xf32>
    %slice3A_127 = vector.extract_strided_slice %concatenate3A_119 {offsets = [0, 0], sizes = [23, 100], strides = [1, 1]} : vector<25x100xf32> to vector<23x100xf32>
    %slice3A_128 = vector.extract_strided_slice %get3A_123 {offsets = [0, 0, 0], sizes = [1, 100, 100], strides = [1, 1, 1]} : vector<3x100x100xf32> to vector<1x100x100xf32>
    %squeeze3A_129 = vector.shape_cast %slice3A_128 : vector<1x100x100xf32> to vector<100x100xf32>
    %dot_general3A_130 = arith.constant dense<0.000000e+00> : vector<23x100xf32>
    %dot_general3A_131 = tpu.matmul %slice3A_127, %squeeze3A_129, %dot_general3A_130 {dimension_numbers = #tpu.dot_dimension_numbers<[1], [0], [0], [1], [0, 0, 1, 1], [], []>, precision = #tpu.contract_precision<fp32>, transpose_lhs_hint = false} : vector<23x100xf32>, vector<100x100xf32>, vector<23x100xf32> -> vector<23x100xf32>
    %slice3A_132 = vector.extract_strided_slice %concatenate3A_119 {offsets = [1, 0], sizes = [23, 100], strides = [1, 1]} : vector<25x100xf32> to vector<23x100xf32>
    %slice3A_133 = vector.extract_strided_slice %get3A_123 {offsets = [1, 0, 0], sizes = [1, 100, 100], strides = [1, 1, 1]} : vector<3x100x100xf32> to vector<1x100x100xf32>
    %squeeze3A_134 = vector.shape_cast %slice3A_133 : vector<1x100x100xf32> to vector<100x100xf32>
    %dot_general3A_135 = arith.constant dense<0.000000e+00> : vector<23x100xf32>
    %dot_general3A_136 = tpu.matmul %slice3A_132, %squeeze3A_134, %dot_general3A_135 {dimension_numbers = #tpu.dot_dimension_numbers<[1], [0], [0], [1], [0, 0, 1, 1], [], []>, precision = #tpu.contract_precision<fp32>, transpose_lhs_hint = false} : vector<23x100xf32>, vector<100x100xf32>, vector<23x100xf32> -> vector<23x100xf32>
    %add3A_137 = arith.addf %dot_general3A_131, %dot_general3A_136 : vector<23x100xf32>
    %slice3A_138 = vector.extract_strided_slice %concatenate3A_119 {offsets = [2, 0], sizes = [23, 100], strides = [1, 1]} : vector<25x100xf32> to vector<23x100xf32>
    %slice3A_139 = vector.extract_strided_slice %get3A_123 {offsets = [2, 0, 0], sizes = [1, 100, 100], strides = [1, 1, 1]} : vector<3x100x100xf32> to vector<1x100x100xf32>
    %squeeze3A_140 = vector.shape_cast %slice3A_139 : vector<1x100x100xf32> to vector<100x100xf32>
    %dot_general3A_141 = arith.constant dense<0.000000e+00> : vector<23x100xf32>
    %dot_general3A_142 = tpu.matmul %slice3A_138, %squeeze3A_140, %dot_general3A_141 {dimension_numbers = #tpu.dot_dimension_numbers<[1], [0], [0], [1], [0, 0, 1, 1], [], []>, precision = #tpu.contract_precision<fp32>, transpose_lhs_hint = false} : vector<23x100xf32>, vector<100x100xf32>, vector<23x100xf32> -> vector<23x100xf32>
    %add3A_143 = arith.addf %add3A_137, %dot_general3A_142 : vector<23x100xf32>
    %add3A_144 = vector.broadcast %get3A_126 : vector<1x100xf32> to vector<23x100xf32>
    %add3A_145 = arith.addf %add3A_143, %add3A_144 : vector<23x100xf32>
    %ge3A_146 = arith.constant 0.000000e+00 : f32
    %ge3A_147 = vector.broadcast %ge3A_146 : f32 to vector<23x100xf32>
    %ge3A_148 = arith.cmpf oge, %add3A_145, %ge3A_147 : vector<23x100xf32>
    %mul3A_149 = arith.constant 0.00999999977 : f32
    %mul3A_150 = vector.broadcast %mul3A_149 : f32 to vector<23x100xf32>
    %mul3A_151 = arith.mulf %mul3A_150, %add3A_145 : vector<23x100xf32>
    %select_n3A_152 = arith.select %ge3A_148, %add3A_145, %mul3A_151 : vector<23x100xi1>, vector<23x100xf32>
    %broadcast_in_dim3A_153 = arith.constant 0xFF800000 : f32
    %broadcast_in_dim3A_154 = vector.broadcast %broadcast_in_dim3A_153 : f32 to vector<1x100xf32>
    %concatenate3A_155 = tpu.concatenate %broadcast_in_dim3A_154, %select_n3A_152, %broadcast_in_dim3A_154 in 0 : vector<1x100xf32>, vector<23x100xf32>, vector<1x100xf32> -> vector<25x100xf32>
    %slice3A_156 = vector.extract_strided_slice %concatenate3A_155 {offsets = [0, 0], sizes = [24, 100], strides = [1, 1]} : vector<25x100xf32> to vector<24x100xf32>
    %reshape3A_157 = vector.shape_cast %slice3A_156 : vector<24x100xf32> to vector<8x3x100xf32>
    %reduce_max3A_158 = arith.constant dense<0xFF800000> : vector<8x100xf32>
    %reduce_max3A_159 = vector.multi_reduction <maximumf>, %reshape3A_157, %reduce_max3A_158 [1] : vector<8x3x100xf32> to vector<8x100xf32>
    %swap3A = arith.constant 0 : index
    %swap3A_160 = arith.constant 0 : index
    %swap3A_161 = arith.constant 0 : index
    %swap3A_162 = vector.load %arg10[%swap3A, %swap3A_160, %swap3A_161] : memref<8x8x100xf32, #tpu.memory_space<vmem>>, vector<1x8x100xf32>
    %swap3A_163 = vector.shape_cast %swap3A_162 : vector<1x8x100xf32> to vector<8x100xf32>
    %swap3A_164 = vector.shape_cast %reduce_max3A_159 : vector<8x100xf32> to vector<1x8x100xf32>
    tpu.vector_store %arg10[%swap3A, %swap3A_160, %swap3A_161], %swap3A_164 {strides = array<i32>} : memref<8x8x100xf32, #tpu.memory_space<vmem>>, vector<1x8x100xf32>,
    %get3A_165 = arith.constant 1 : index
    %get3A_166 = arith.constant 0 : index
    %get3A_167 = arith.constant 0 : index
    %get3A_168 = vector.load %arg1[%get3A_165, %get3A_166, %get3A_167] : memref<8x600x21xf32, #tpu.memory_space<vmem>>, vector<1x600x21xf32>
    %get3A_169 = vector.shape_cast %get3A_168 : vector<1x600x21xf32> to vector<600x21xf32>
    %broadcast_in_dim3A_170 = arith.constant 0.000000e+00 : f32
    %broadcast_in_dim3A_171 = vector.broadcast %broadcast_in_dim3A_170 : f32 to vector<1x21xf32>
    %concatenate3A_172 = tpu.concatenate %broadcast_in_dim3A_171, %get3A_169, %broadcast_in_dim3A_171 in 0 : vector<1x21xf32>, vector<600x21xf32>, vector<1x21xf32> -> vector<602x21xf32>
    %get3A_173 = arith.constant 0 : index
    %get3A_174 = arith.constant 0 : index
    %get3A_175 = arith.constant 0 : index
    %get3A_176 = vector.load %arg2[%get3A_173, %get3A_174, %get3A_175] : memref<3x21x100xf32, #tpu.memory_space<vmem>>, vector<3x21x100xf32>
    %get3A_177 = arith.constant 0 : index
    %get3A_178 = arith.constant 0 : index
    %get3A_179 = vector.load %arg3[%get3A_177, %get3A_178] : memref<1x100xf32, #tpu.memory_space<vmem>>, vector<1x100xf32>
    %slice3A_180 = vector.extract_strided_slice %concatenate3A_172 {offsets = [0, 0], sizes = [600, 21], strides = [1, 1]} : vector<602x21xf32> to vector<600x21xf32>
    %slice3A_181 = vector.extract_strided_slice %get3A_176 {offsets = [0, 0, 0], sizes = [1, 21, 100], strides = [1, 1, 1]} : vector<3x21x100xf32> to vector<1x21x100xf32>
    %squeeze3A_182 = vector.shape_cast %slice3A_181 : vector<1x21x100xf32> to vector<21x100xf32>
    %dot_general3A_183 = arith.constant dense<0.000000e+00> : vector<600x100xf32>
    %dot_general3A_184 = tpu.matmul %slice3A_180, %squeeze3A_182, %dot_general3A_183 {dimension_numbers = #tpu.dot_dimension_numbers<[1], [0], [0], [1], [0, 0, 1, 1], [], []>, precision = #tpu.contract_precision<fp32>, transpose_lhs_hint = false} : vector<600x21xf32>, vector<21x100xf32>, vector<600x100xf32> -> vector<600x100xf32>
    %slice3A_185 = vector.extract_strided_slice %concatenate3A_172 {offsets = [1, 0], sizes = [600, 21], strides = [1, 1]} : vector<602x21xf32> to vector<600x21xf32>
    %slice3A_186 = vector.extract_strided_slice %get3A_176 {offsets = [1, 0, 0], sizes = [1, 21, 100], strides = [1, 1, 1]} : vector<3x21x100xf32> to vector<1x21x100xf32>
    %squeeze3A_187 = vector.shape_cast %slice3A_186 : vector<1x21x100xf32> to vector<21x100xf32>
    %dot_general3A_188 = arith.constant dense<0.000000e+00> : vector<600x100xf32>
    %dot_general3A_189 = tpu.matmul %slice3A_185, %squeeze3A_187, %dot_general3A_188 {dimension_numbers = #tpu.dot_dimension_numbers<[1], [0], [0], [1], [0, 0, 1, 1], [], []>, precision = #tpu.contract_precision<fp32>, transpose_lhs_hint = false} : vector<600x21xf32>, vector<21x100xf32>, vector<600x100xf32> -> vector<600x100xf32>
    %add3A_190 = arith.addf %dot_general3A_184, %dot_general3A_189 : vector<600x100xf32>
    %slice3A_191 = vector.extract_strided_slice %concatenate3A_172 {offsets = [2, 0], sizes = [600, 21], strides = [1, 1]} : vector<602x21xf32> to vector<600x21xf32>
    %slice3A_192 = vector.extract_strided_slice %get3A_176 {offsets = [2, 0, 0], sizes = [1, 21, 100], strides = [1, 1, 1]} : vector<3x21x100xf32> to vector<1x21x100xf32>
    %squeeze3A_193 = vector.shape_cast %slice3A_192 : vector<1x21x100xf32> to vector<21x100xf32>
    %dot_general3A_194 = arith.constant dense<0.000000e+00> : vector<600x100xf32>
    %dot_general3A_195 = tpu.matmul %slice3A_191, %squeeze3A_193, %dot_general3A_194 {dimension_numbers = #tpu.dot_dimension_numbers<[1], [0], [0], [1], [0, 0, 1, 1], [], []>, precision = #tpu.contract_precision<fp32>, transpose_lhs_hint = false} : vector<600x21xf32>, vector<21x100xf32>, vector<600x100xf32> -> vector<600x100xf32>
    %add3A_196 = arith.addf %add3A_190, %dot_general3A_195 : vector<600x100xf32>
    %add3A_197 = vector.broadcast %get3A_179 : vector<1x100xf32> to vector<600x100xf32>
    %add3A_198 = arith.addf %add3A_196, %add3A_197 : vector<600x100xf32>
    %ge3A_199 = arith.constant 0.000000e+00 : f32
    %ge3A_200 = vector.broadcast %ge3A_199 : f32 to vector<600x100xf32>
    %ge3A_201 = arith.cmpf oge, %add3A_198, %ge3A_200 : vector<600x100xf32>
    %mul3A_202 = arith.constant 0.00999999977 : f32
    %mul3A_203 = vector.broadcast %mul3A_202 : f32 to vector<600x100xf32>
    %mul3A_204 = arith.mulf %mul3A_203, %add3A_198 : vector<600x100xf32>
    %select_n3A_205 = arith.select %ge3A_201, %add3A_198, %mul3A_204 : vector<600x100xi1>, vector<600x100xf32>
    %reshape3A_206 = vector.shape_cast %select_n3A_205 : vector<600x100xf32> to vector<200x3x100xf32>
    %reduce_max3A_207 = arith.constant dense<0xFF800000> : vector<200x100xf32>
    %reduce_max3A_208 = vector.multi_reduction <maximumf>, %reshape3A_206, %reduce_max3A_207 [1] : vector<200x3x100xf32> to vector<200x100xf32>
    %broadcast_in_dim3A_209 = arith.constant 0.000000e+00 : f32
    %broadcast_in_dim3A_210 = vector.broadcast %broadcast_in_dim3A_209 : f32 to vector<1x100xf32>
    %concatenate3A_211 = tpu.concatenate %broadcast_in_dim3A_210, %reduce_max3A_208, %broadcast_in_dim3A_210 in 0 : vector<1x100xf32>, vector<200x100xf32>, vector<1x100xf32> -> vector<202x100xf32>
    %get3A_212 = arith.constant 0 : index
    %get3A_213 = arith.constant 0 : index
    %get3A_214 = arith.constant 0 : index
    %get3A_215 = vector.load %arg4[%get3A_212, %get3A_213, %get3A_214] : memref<3x100x100xf32, #tpu.memory_space<vmem>>, vector<3x100x100xf32>
    %get3A_216 = arith.constant 0 : index
    %get3A_217 = arith.constant 0 : index
    %get3A_218 = vector.load %arg5[%get3A_216, %get3A_217] : memref<1x100xf32, #tpu.memory_space<vmem>>, vector<1x100xf32>
    %slice3A_219 = vector.extract_strided_slice %concatenate3A_211 {offsets = [0, 0], sizes = [200, 100], strides = [1, 1]} : vector<202x100xf32> to vector<200x100xf32>
    %slice3A_220 = vector.extract_strided_slice %get3A_215 {offsets = [0, 0, 0], sizes = [1, 100, 100], strides = [1, 1, 1]} : vector<3x100x100xf32> to vector<1x100x100xf32>
    %squeeze3A_221 = vector.shape_cast %slice3A_220 : vector<1x100x100xf32> to vector<100x100xf32>
    %dot_general3A_222 = arith.constant dense<0.000000e+00> : vector<200x100xf32>
    %dot_general3A_223 = tpu.matmul %slice3A_219, %squeeze3A_221, %dot_general3A_222 {dimension_numbers = #tpu.dot_dimension_numbers<[1], [0], [0], [1], [0, 0, 1, 1], [], []>, precision = #tpu.contract_precision<fp32>, transpose_lhs_hint = false} : vector<200x100xf32>, vector<100x100xf32>, vector<200x100xf32> -> vector<200x100xf32>
    %slice3A_224 = vector.extract_strided_slice %concatenate3A_211 {offsets = [1, 0], sizes = [200, 100], strides = [1, 1]} : vector<202x100xf32> to vector<200x100xf32>
    %slice3A_225 = vector.extract_strided_slice %get3A_215 {offsets = [1, 0, 0], sizes = [1, 100, 100], strides = [1, 1, 1]} : vector<3x100x100xf32> to vector<1x100x100xf32>
    %squeeze3A_226 = vector.shape_cast %slice3A_225 : vector<1x100x100xf32> to vector<100x100xf32>
    %dot_general3A_227 = arith.constant dense<0.000000e+00> : vector<200x100xf32>
    %dot_general3A_228 = tpu.matmul %slice3A_224, %squeeze3A_226, %dot_general3A_227 {dimension_numbers = #tpu.dot_dimension_numbers<[1], [0], [0], [1], [0, 0, 1, 1], [], []>, precision = #tpu.contract_precision<fp32>, transpose_lhs_hint = false} : vector<200x100xf32>, vector<100x100xf32>, vector<200x100xf32> -> vector<200x100xf32>
    %add3A_229 = arith.addf %dot_general3A_223, %dot_general3A_228 : vector<200x100xf32>
    %slice3A_230 = vector.extract_strided_slice %concatenate3A_211 {offsets = [2, 0], sizes = [200, 100], strides = [1, 1]} : vector<202x100xf32> to vector<200x100xf32>
    %slice3A_231 = vector.extract_strided_slice %get3A_215 {offsets = [2, 0, 0], sizes = [1, 100, 100], strides = [1, 1, 1]} : vector<3x100x100xf32> to vector<1x100x100xf32>
    %squeeze3A_232 = vector.shape_cast %slice3A_231 : vector<1x100x100xf32> to vector<100x100xf32>
    %dot_general3A_233 = arith.constant dense<0.000000e+00> : vector<200x100xf32>
    %dot_general3A_234 = tpu.matmul %slice3A_230, %squeeze3A_232, %dot_general3A_233 {dimension_numbers = #tpu.dot_dimension_numbers<[1], [0], [0], [1], [0, 0, 1, 1], [], []>, precision = #tpu.contract_precision<fp32>, transpose_lhs_hint = false} : vector<200x100xf32>, vector<100x100xf32>, vector<200x100xf32> -> vector<200x100xf32>
    %add3A_235 = arith.addf %add3A_229, %dot_general3A_234 : vector<200x100xf32>
    %add3A_236 = vector.broadcast %get3A_218 : vector<1x100xf32> to vector<200x100xf32>
    %add3A_237 = arith.addf %add3A_235, %add3A_236 : vector<200x100xf32>
    %ge3A_238 = arith.constant 0.000000e+00 : f32
    %ge3A_239 = vector.broadcast %ge3A_238 : f32 to vector<200x100xf32>
    %ge3A_240 = arith.cmpf oge, %add3A_237, %ge3A_239 : vector<200x100xf32>
    %mul3A_241 = arith.constant 0.00999999977 : f32
    %mul3A_242 = vector.broadcast %mul3A_241 : f32 to vector<200x100xf32>
    %mul3A_243 = arith.mulf %mul3A_242, %add3A_237 : vector<200x100xf32>
    %select_n3A_244 = arith.select %ge3A_240, %add3A_237, %mul3A_243 : vector<200x100xi1>, vector<200x100xf32>
    %broadcast_in_dim3A_245 = arith.constant 0xFF800000 : f32
    %broadcast_in_dim3A_246 = vector.broadcast %broadcast_in_dim3A_245 : f32 to vector<1x100xf32>
    %concatenate3A_247 = tpu.concatenate %broadcast_in_dim3A_246, %select_n3A_244, %broadcast_in_dim3A_246 in 0 : vector<1x100xf32>, vector<200x100xf32>, vector<1x100xf32> -> vector<202x100xf32>
    %slice3A_248 = vector.extract_strided_slice %concatenate3A_247 {offsets = [0, 0], sizes = [201, 100], strides = [1, 1]} : vector<202x100xf32> to vector<201x100xf32>
    %reshape3A_249 = vector.shape_cast %slice3A_248 : vector<201x100xf32> to vector<67x3x100xf32>
    %reduce_max3A_250 = arith.constant dense<0xFF800000> : vector<67x100xf32>
    %reduce_max3A_251 = vector.multi_reduction <maximumf>, %reshape3A_249, %reduce_max3A_250 [1] : vector<67x3x100xf32> to vector<67x100xf32>
    %broadcast_in_dim3A_252 = arith.constant 0.000000e+00 : f32
    %broadcast_in_dim3A_253 = vector.broadcast %broadcast_in_dim3A_252 : f32 to vector<1x100xf32>
    %concatenate3A_254 = tpu.concatenate %broadcast_in_dim3A_253, %reduce_max3A_251, %broadcast_in_dim3A_253 in 0 : vector<1x100xf32>, vector<67x100xf32>, vector<1x100xf32> -> vector<69x100xf32>
    %get3A_255 = arith.constant 0 : index
    %get3A_256 = arith.constant 0 : index
    %get3A_257 = arith.constant 0 : index
    %get3A_258 = vector.load %arg6[%get3A_255, %get3A_256, %get3A_257] : memref<3x100x100xf32, #tpu.memory_space<vmem>>, vector<3x100x100xf32>
    %get3A_259 = arith.constant 0 : index
    %get3A_260 = arith.constant 0 : index
    %get3A_261 = vector.load %arg7[%get3A_259, %get3A_260] : memref<1x100xf32, #tpu.memory_space<vmem>>, vector<1x100xf32>
    %slice3A_262 = vector.extract_strided_slice %concatenate3A_254 {offsets = [0, 0], sizes = [67, 100], strides = [1, 1]} : vector<69x100xf32> to vector<67x100xf32>
    %slice3A_263 = vector.extract_strided_slice %get3A_258 {offsets = [0, 0, 0], sizes = [1, 100, 100], strides = [1, 1, 1]} : vector<3x100x100xf32> to vector<1x100x100xf32>
    %squeeze3A_264 = vector.shape_cast %slice3A_263 : vector<1x100x100xf32> to vector<100x100xf32>
    %dot_general3A_265 = arith.constant dense<0.000000e+00> : vector<67x100xf32>
    %dot_general3A_266 = tpu.matmul %slice3A_262, %squeeze3A_264, %dot_general3A_265 {dimension_numbers = #tpu.dot_dimension_numbers<[1], [0], [0], [1], [0, 0, 1, 1], [], []>, precision = #tpu.contract_precision<fp32>, transpose_lhs_hint = false} : vector<67x100xf32>, vector<100x100xf32>, vector<67x100xf32> -> vector<67x100xf32>
    %slice3A_267 = vector.extract_strided_slice %concatenate3A_254 {offsets = [1, 0], sizes = [67, 100], strides = [1, 1]} : vector<69x100xf32> to vector<67x100xf32>
    %slice3A_268 = vector.extract_strided_slice %get3A_258 {offsets = [1, 0, 0], sizes = [1, 100, 100], strides = [1, 1, 1]} : vector<3x100x100xf32> to vector<1x100x100xf32>
    %squeeze3A_269 = vector.shape_cast %slice3A_268 : vector<1x100x100xf32> to vector<100x100xf32>
    %dot_general3A_270 = arith.constant dense<0.000000e+00> : vector<67x100xf32>
    %dot_general3A_271 = tpu.matmul %slice3A_267, %squeeze3A_269, %dot_general3A_270 {dimension_numbers = #tpu.dot_dimension_numbers<[1], [0], [0], [1], [0, 0, 1, 1], [], []>, precision = #tpu.contract_precision<fp32>, transpose_lhs_hint = false} : vector<67x100xf32>, vector<100x100xf32>, vector<67x100xf32> -> vector<67x100xf32>
    %add3A_272 = arith.addf %dot_general3A_266, %dot_general3A_271 : vector<67x100xf32>
    %slice3A_273 = vector.extract_strided_slice %concatenate3A_254 {offsets = [2, 0], sizes = [67, 100], strides = [1, 1]} : vector<69x100xf32> to vector<67x100xf32>
    %slice3A_274 = vector.extract_strided_slice %get3A_258 {offsets = [2, 0, 0], sizes = [1, 100, 100], strides = [1, 1, 1]} : vector<3x100x100xf32> to vector<1x100x100xf32>
    %squeeze3A_275 = vector.shape_cast %slice3A_274 : vector<1x100x100xf32> to vector<100x100xf32>
    %dot_general3A_276 = arith.constant dense<0.000000e+00> : vector<67x100xf32>
    %dot_general3A_277 = tpu.matmul %slice3A_273, %squeeze3A_275, %dot_general3A_276 {dimension_numbers = #tpu.dot_dimension_numbers<[1], [0], [0], [1], [0, 0, 1, 1], [], []>, precision = #tpu.contract_precision<fp32>, transpose_lhs_hint = false} : vector<67x100xf32>, vector<100x100xf32>, vector<67x100xf32> -> vector<67x100xf32>
    %add3A_278 = arith.addf %add3A_272, %dot_general3A_277 : vector<67x100xf32>
    %add3A_279 = vector.broadcast %get3A_261 : vector<1x100xf32> to vector<67x100xf32>
    %add3A_280 = arith.addf %add3A_278, %add3A_279 : vector<67x100xf32>
    %ge3A_281 = arith.constant 0.000000e+00 : f32
    %ge3A_282 = vector.broadcast %ge3A_281 : f32 to vector<67x100xf32>
    %ge3A_283 = arith.cmpf oge, %add3A_280, %ge3A_282 : vector<67x100xf32>
    %mul3A_284 = arith.constant 0.00999999977 : f32
    %mul3A_285 = vector.broadcast %mul3A_284 : f32 to vector<67x100xf32>
    %mul3A_286 = arith.mulf %mul3A_285, %add3A_280 : vector<67x100xf32>
    %select_n3A_287 = arith.select %ge3A_283, %add3A_280, %mul3A_286 : vector<67x100xi1>, vector<67x100xf32>
    %broadcast_in_dim3A_288 = arith.constant 0xFF800000 : f32
    %broadcast_in_dim3A_289 = vector.broadcast %broadcast_in_dim3A_288 : f32 to vector<1x100xf32>
    %concatenate3A_290 = tpu.concatenate %broadcast_in_dim3A_289, %select_n3A_287, %broadcast_in_dim3A_289 in 0 : vector<1x100xf32>, vector<67x100xf32>, vector<1x100xf32> -> vector<69x100xf32>
    %reshape3A_291 = vector.shape_cast %concatenate3A_290 : vector<69x100xf32> to vector<23x3x100xf32>
    %reduce_max3A_292 = arith.constant dense<0xFF800000> : vector<23x100xf32>
    %reduce_max3A_293 = vector.multi_reduction <maximumf>, %reshape3A_291, %reduce_max3A_292 [1] : vector<23x3x100xf32> to vector<23x100xf32>
    %broadcast_in_dim3A_294 = arith.constant 0.000000e+00 : f32
    %broadcast_in_dim3A_295 = vector.broadcast %broadcast_in_dim3A_294 : f32 to vector<1x100xf32>
    %concatenate3A_296 = tpu.concatenate %broadcast_in_dim3A_295, %reduce_max3A_293, %broadcast_in_dim3A_295 in 0 : vector<1x100xf32>, vector<23x100xf32>, vector<1x100xf32> -> vector<25x100xf32>
    %get3A_297 = arith.constant 0 : index
    %get3A_298 = arith.constant 0 : index
    %get3A_299 = arith.constant 0 : index
    %get3A_300 = vector.load %arg8[%get3A_297, %get3A_298, %get3A_299] : memref<3x100x100xf32, #tpu.memory_space<vmem>>, vector<3x100x100xf32>
    %get3A_301 = arith.constant 0 : index
    %get3A_302 = arith.constant 0 : index
    %get3A_303 = vector.load %arg9[%get3A_301, %get3A_302] : memref<1x100xf32, #tpu.memory_space<vmem>>, vector<1x100xf32>
    %slice3A_304 = vector.extract_strided_slice %concatenate3A_296 {offsets = [0, 0], sizes = [23, 100], strides = [1, 1]} : vector<25x100xf32> to vector<23x100xf32>
    %slice3A_305 = vector.extract_strided_slice %get3A_300 {offsets = [0, 0, 0], sizes = [1, 100, 100], strides = [1, 1, 1]} : vector<3x100x100xf32> to vector<1x100x100xf32>
    %squeeze3A_306 = vector.shape_cast %slice3A_305 : vector<1x100x100xf32> to vector<100x100xf32>
    %dot_general3A_307 = arith.constant dense<0.000000e+00> : vector<23x100xf32>
    %dot_general3A_308 = tpu.matmul %slice3A_304, %squeeze3A_306, %dot_general3A_307 {dimension_numbers = #tpu.dot_dimension_numbers<[1], [0], [0], [1], [0, 0, 1, 1], [], []>, precision = #tpu.contract_precision<fp32>, transpose_lhs_hint = false} : vector<23x100xf32>, vector<100x100xf32>, vector<23x100xf32> -> vector<23x100xf32>
    %slice3A_309 = vector.extract_strided_slice %concatenate3A_296 {offsets = [1, 0], sizes = [23, 100], strides = [1, 1]} : vector<25x100xf32> to vector<23x100xf32>
    %slice3A_310 = vector.extract_strided_slice %get3A_300 {offsets = [1, 0, 0], sizes = [1, 100, 100], strides = [1, 1, 1]} : vector<3x100x100xf32> to vector<1x100x100xf32>
    %squeeze3A_311 = vector.shape_cast %slice3A_310 : vector<1x100x100xf32> to vector<100x100xf32>
    %dot_general3A_312 = arith.constant dense<0.000000e+00> : vector<23x100xf32>
    %dot_general3A_313 = tpu.matmul %slice3A_309, %squeeze3A_311, %dot_general3A_312 {dimension_numbers = #tpu.dot_dimension_numbers<[1], [0], [0], [1], [0, 0, 1, 1], [], []>, precision = #tpu.contract_precision<fp32>, transpose_lhs_hint = false} : vector<23x100xf32>, vector<100x100xf32>, vector<23x100xf32> -> vector<23x100xf32>
    %add3A_314 = arith.addf %dot_general3A_308, %dot_general3A_313 : vector<23x100xf32>
    %slice3A_315 = vector.extract_strided_slice %concatenate3A_296 {offsets = [2, 0], sizes = [23, 100], strides = [1, 1]} : vector<25x100xf32> to vector<23x100xf32>
    %slice3A_316 = vector.extract_strided_slice %get3A_300 {offsets = [2, 0, 0], sizes = [1, 100, 100], strides = [1, 1, 1]} : vector<3x100x100xf32> to vector<1x100x100xf32>
    %squeeze3A_317 = vector.shape_cast %slice3A_316 : vector<1x100x100xf32> to vector<100x100xf32>
    %dot_general3A_318 = arith.constant dense<0.000000e+00> : vector<23x100xf32>
    %dot_general3A_319 = tpu.matmul %slice3A_315, %squeeze3A_317, %dot_general3A_318 {dimension_numbers = #tpu.dot_dimension_numbers<[1], [0], [0], [1], [0, 0, 1, 1], [], []>, precision = #tpu.contract_precision<fp32>, transpose_lhs_hint = false} : vector<23x100xf32>, vector<100x100xf32>, vector<23x100xf32> -> vector<23x100xf32>
    %add3A_320 = arith.addf %add3A_314, %dot_general3A_319 : vector<23x100xf32>
    %add3A_321 = vector.broadcast %get3A_303 : vector<1x100xf32> to vector<23x100xf32>
    %add3A_322 = arith.addf %add3A_320, %add3A_321 : vector<23x100xf32>
    %ge3A_323 = arith.constant 0.000000e+00 : f32
    %ge3A_324 = vector.broadcast %ge3A_323 : f32 to vector<23x100xf32>
    %ge3A_325 = arith.cmpf oge, %add3A_322, %ge3A_324 : vector<23x100xf32>
    %mul3A_326 = arith.constant 0.00999999977 : f32
    %mul3A_327 = vector.broadcast %mul3A_326 : f32 to vector<23x100xf32>
    %mul3A_328 = arith.mulf %mul3A_327, %add3A_322 : vector<23x100xf32>
    %select_n3A_329 = arith.select %ge3A_325, %add3A_322, %mul3A_328 : vector<23x100xi1>, vector<23x100xf32>
    %broadcast_in_dim3A_330 = arith.constant 0xFF800000 : f32
    %broadcast_in_dim3A_331 = vector.broadcast %broadcast_in_dim3A_330 : f32 to vector<1x100xf32>
    %concatenate3A_332 = tpu.concatenate %broadcast_in_dim3A_331, %select_n3A_329, %broadcast_in_dim3A_331 in 0 : vector<1x100xf32>, vector<23x100xf32>, vector<1x100xf32> -> vector<25x100xf32>
    %slice3A_333 = vector.extract_strided_slice %concatenate3A_332 {offsets = [0, 0], sizes = [24, 100], strides = [1, 1]} : vector<25x100xf32> to vector<24x100xf32>
    %reshape3A_334 = vector.shape_cast %slice3A_333 : vector<24x100xf32> to vector<8x3x100xf32>
    %reduce_max3A_335 = arith.constant dense<0xFF800000> : vector<8x100xf32>
    %reduce_max3A_336 = vector.multi_reduction <maximumf>, %reshape3A_334, %reduce_max3A_335 [1] : vector<8x3x100xf32> to vector<8x100xf32>
    %swap3A_337 = arith.constant 1 : index
    %swap3A_338 = arith.constant 0 : index
    %swap3A_339 = arith.constant 0 : index
    %swap3A_340 = vector.load %arg10[%swap3A_337, %swap3A_338, %swap3A_339] : memref<8x8x100xf32, #tpu.memory_space<vmem>>, vector<1x8x100xf32>
    %swap3A_341 = vector.shape_cast %swap3A_340 : vector<1x8x100xf32> to vector<8x100xf32>
    %swap3A_342 = vector.shape_cast %reduce_max3A_336 : vector<8x100xf32> to vector<1x8x100xf32>
    tpu.vector_store %arg10[%swap3A_337, %swap3A_338, %swap3A_339], %swap3A_342 {strides = array<i32>} : memref<8x8x100xf32, #tpu.memory_space<vmem>>, vector<1x8x100xf32>,
    %get3A_343 = arith.constant 2 : index
    %get3A_344 = arith.constant 0 : index
    %get3A_345 = arith.constant 0 : index
    %get3A_346 = vector.load %arg1[%get3A_343, %get3A_344, %get3A_345] : memref<8x600x21xf32, #tpu.memory_space<vmem>>, vector<1x600x21xf32>
    %get3A_347 = vector.shape_cast %get3A_346 : vector<1x600x21xf32> to vector<600x21xf32>
    %broadcast_in_dim3A_348 = arith.constant 0.000000e+00 : f32
    %broadcast_in_dim3A_349 = vector.broadcast %broadcast_in_dim3A_348 : f32 to vector<1x21xf32>
    %concatenate3A_350 = tpu.concatenate %broadcast_in_dim3A_349, %get3A_347, %broadcast_in_dim3A_349 in 0 : vector<1x21xf32>, vector<600x21xf32>, vector<1x21xf32> -> vector<602x21xf32>
    %get3A_351 = arith.constant 0 : index
    %get3A_352 = arith.constant 0 : index
    %get3A_353 = arith.constant 0 : index
    %get3A_354 = vector.load %arg2[%get3A_351, %get3A_352, %get3A_353] : memref<3x21x100xf32, #tpu.memory_space<vmem>>, vector<3x21x100xf32>
    %get3A_355 = arith.constant 0 : index
    %get3A_356 = arith.constant 0 : index
    %get3A_357 = vector.load %arg3[%get3A_355, %get3A_356] : memref<1x100xf32, #tpu.memory_space<vmem>>, vector<1x100xf32>
    %slice3A_358 = vector.extract_strided_slice %concatenate3A_350 {offsets = [0, 0], sizes = [600, 21], strides = [1, 1]} : vector<602x21xf32> to vector<600x21xf32>
    %slice3A_359 = vector.extract_strided_slice %get3A_354 {offsets = [0, 0, 0], sizes = [1, 21, 100], strides = [1, 1, 1]} : vector<3x21x100xf32> to vector<1x21x100xf32>
    %squeeze3A_360 = vector.shape_cast %slice3A_359 : vector<1x21x100xf32> to vector<21x100xf32>
    %dot_general3A_361 = arith.constant dense<0.000000e+00> : vector<600x100xf32>
    %dot_general3A_362 = tpu.matmul %slice3A_358, %squeeze3A_360, %dot_general3A_361 {dimension_numbers = #tpu.dot_dimension_numbers<[1], [0], [0], [1], [0, 0, 1, 1], [], []>, precision = #tpu.contract_precision<fp32>, transpose_lhs_hint = false} : vector<600x21xf32>, vector<21x100xf32>, vector<600x100xf32> -> vector<600x100xf32>
    %slice3A_363 = vector.extract_strided_slice %concatenate3A_350 {offsets = [1, 0], sizes = [600, 21], strides = [1, 1]} : vector<602x21xf32> to vector<600x21xf32>
    %slice3A_364 = vector.extract_strided_slice %get3A_354 {offsets = [1, 0, 0], sizes = [1, 21, 100], strides = [1, 1, 1]} : vector<3x21x100xf32> to vector<1x21x100xf32>
    %squeeze3A_365 = vector.shape_cast %slice3A_364 : vector<1x21x100xf32> to vector<21x100xf32>
    %dot_general3A_366 = arith.constant dense<0.000000e+00> : vector<600x100xf32>
    %dot_general3A_367 = tpu.matmul %slice3A_363, %squeeze3A_365, %dot_general3A_366 {dimension_numbers = #tpu.dot_dimension_numbers<[1], [0], [0], [1], [0, 0, 1, 1], [], []>, precision = #tpu.contract_precision<fp32>, transpose_lhs_hint = false} : vector<600x21xf32>, vector<21x100xf32>, vector<600x100xf32> -> vector<600x100xf32>
    %add3A_368 = arith.addf %dot_general3A_362, %dot_general3A_367 : vector<600x100xf32>
    %slice3A_369 = vector.extract_strided_slice %concatenate3A_350 {offsets = [2, 0], sizes = [600, 21], strides = [1, 1]} : vector<602x21xf32> to vector<600x21xf32>
    %slice3A_370 = vector.extract_strided_slice %get3A_354 {offsets = [2, 0, 0], sizes = [1, 21, 100], strides = [1, 1, 1]} : vector<3x21x100xf32> to vector<1x21x100xf32>
    %squeeze3A_371 = vector.shape_cast %slice3A_370 : vector<1x21x100xf32> to vector<21x100xf32>
    %dot_general3A_372 = arith.constant dense<0.000000e+00> : vector<600x100xf32>
    %dot_general3A_373 = tpu.matmul %slice3A_369, %squeeze3A_371, %dot_general3A_372 {dimension_numbers = #tpu.dot_dimension_numbers<[1], [0], [0], [1], [0, 0, 1, 1], [], []>, precision = #tpu.contract_precision<fp32>, transpose_lhs_hint = false} : vector<600x21xf32>, vector<21x100xf32>, vector<600x100xf32> -> vector<600x100xf32>
    %add3A_374 = arith.addf %add3A_368, %dot_general3A_373 : vector<600x100xf32>
    %add3A_375 = vector.broadcast %get3A_357 : vector<1x100xf32> to vector<600x100xf32>
    %add3A_376 = arith.addf %add3A_374, %add3A_375 : vector<600x100xf32>
    %ge3A_377 = arith.constant 0.000000e+00 : f32
    %ge3A_378 = vector.broadcast %ge3A_377 : f32 to vector<600x100xf32>
    %ge3A_379 = arith.cmpf oge, %add3A_376, %ge3A_378 : vector<600x100xf32>
    %mul3A_380 = arith.constant 0.00999999977 : f32
    %mul3A_381 = vector.broadcast %mul3A_380 : f32 to vector<600x100xf32>
    %mul3A_382 = arith.mulf %mul3A_381, %add3A_376 : vector<600x100xf32>
    %select_n3A_383 = arith.select %ge3A_379, %add3A_376, %mul3A_382 : vector<600x100xi1>, vector<600x100xf32>
    %reshape3A_384 = vector.shape_cast %select_n3A_383 : vector<600x100xf32> to vector<200x3x100xf32>
    %reduce_max3A_385 = arith.constant dense<0xFF800000> : vector<200x100xf32>
    %reduce_max3A_386 = vector.multi_reduction <maximumf>, %reshape3A_384, %reduce_max3A_385 [1] : vector<200x3x100xf32> to vector<200x100xf32>
    %broadcast_in_dim3A_387 = arith.constant 0.000000e+00 : f32
    %broadcast_in_dim3A_388 = vector.broadcast %broadcast_in_dim3A_387 : f32 to vector<1x100xf32>
    %concatenate3A_389 = tpu.concatenate %broadcast_in_dim3A_388, %reduce_max3A_386, %broadcast_in_dim3A_388 in 0 : vector<1x100xf32>, vector<200x100xf32>, vector<1x100xf32> -> vector<202x100xf32>
    %get3A_390 = arith.constant 0 : index
    %get3A_391 = arith.constant 0 : index
    %get3A_392 = arith.constant 0 : index
    %get3A_393 = vector.load %arg4[%get3A_390, %get3A_391, %get3A_392] : memref<3x100x100xf32, #tpu.memory_space<vmem>>, vector<3x100x100xf32>
    %get3A_394 = arith.constant 0 : index
    %get3A_395 = arith.constant 0 : index
    %get3A_396 = vector.load %arg5[%get3A_394, %get3A_395] : memref<1x100xf32, #tpu.memory_space<vmem>>, vector<1x100xf32>
    %slice3A_397 = vector.extract_strided_slice %concatenate3A_389 {offsets = [0, 0], sizes = [200, 100], strides = [1, 1]} : vector<202x100xf32> to vector<200x100xf32>
    %slice3A_398 = vector.extract_strided_slice %get3A_393 {offsets = [0, 0, 0], sizes = [1, 100, 100], strides = [1, 1, 1]} : vector<3x100x100xf32> to vector<1x100x100xf32>
    %squeeze3A_399 = vector.shape_cast %slice3A_398 : vector<1x100x100xf32> to vector<100x100xf32>
    %dot_general3A_400 = arith.constant dense<0.000000e+00> : vector<200x100xf32>
    %dot_general3A_401 = tpu.matmul %slice3A_397, %squeeze3A_399, %dot_general3A_400 {dimension_numbers = #tpu.dot_dimension_numbers<[1], [0], [0], [1], [0, 0, 1, 1], [], []>, precision = #tpu.contract_precision<fp32>, transpose_lhs_hint = false} : vector<200x100xf32>, vector<100x100xf32>, vector<200x100xf32> -> vector<200x100xf32>
    %slice3A_402 = vector.extract_strided_slice %concatenate3A_389 {offsets = [1, 0], sizes = [200, 100], strides = [1, 1]} : vector<202x100xf32> to vector<200x100xf32>
    %slice3A_403 = vector.extract_strided_slice %get3A_393 {offsets = [1, 0, 0], sizes = [1, 100, 100], strides = [1, 1, 1]} : vector<3x100x100xf32> to vector<1x100x100xf32>
    %squeeze3A_404 = vector.shape_cast %slice3A_403 : vector<1x100x100xf32> to vector<100x100xf32>
    %dot_general3A_405 = arith.constant dense<0.000000e+00> : vector<200x100xf32>
    %dot_general3A_406 = tpu.matmul %slice3A_402, %squeeze3A_404, %dot_general3A_405 {dimension_numbers = #tpu.dot_dimension_numbers<[1], [0], [0], [1], [0, 0, 1, 1], [], []>, precision = #tpu.contract_precision<fp32>, transpose_lhs_hint = false} : vector<200x100xf32>, vector<100x100xf32>, vector<200x100xf32> -> vector<200x100xf32>
    %add3A_407 = arith.addf %dot_general3A_401, %dot_general3A_406 : vector<200x100xf32>
    %slice3A_408 = vector.extract_strided_slice %concatenate3A_389 {offsets = [2, 0], sizes = [200, 100], strides = [1, 1]} : vector<202x100xf32> to vector<200x100xf32>
    %slice3A_409 = vector.extract_strided_slice %get3A_393 {offsets = [2, 0, 0], sizes = [1, 100, 100], strides = [1, 1, 1]} : vector<3x100x100xf32> to vector<1x100x100xf32>
    %squeeze3A_410 = vector.shape_cast %slice3A_409 : vector<1x100x100xf32> to vector<100x100xf32>
    %dot_general3A_411 = arith.constant dense<0.000000e+00> : vector<200x100xf32>
    %dot_general3A_412 = tpu.matmul %slice3A_408, %squeeze3A_410, %dot_general3A_411 {dimension_numbers = #tpu.dot_dimension_numbers<[1], [0], [0], [1], [0, 0, 1, 1], [], []>, precision = #tpu.contract_precision<fp32>, transpose_lhs_hint = false} : vector<200x100xf32>, vector<100x100xf32>, vector<200x100xf32> -> vector<200x100xf32>
    %add3A_413 = arith.addf %add3A_407, %dot_general3A_412 : vector<200x100xf32>
    %add3A_414 = vector.broadcast %get3A_396 : vector<1x100xf32> to vector<200x100xf32>
    %add3A_415 = arith.addf %add3A_413, %add3A_414 : vector<200x100xf32>
    %ge3A_416 = arith.constant 0.000000e+00 : f32
    %ge3A_417 = vector.broadcast %ge3A_416 : f32 to vector<200x100xf32>
    %ge3A_418 = arith.cmpf oge, %add3A_415, %ge3A_417 : vector<200x100xf32>
    %mul3A_419 = arith.constant 0.00999999977 : f32
    %mul3A_420 = vector.broadcast %mul3A_419 : f32 to vector<200x100xf32>
    %mul3A_421 = arith.mulf %mul3A_420, %add3A_415 : vector<200x100xf32>
    %select_n3A_422 = arith.select %ge3A_418, %add3A_415, %mul3A_421 : vector<200x100xi1>, vector<200x100xf32>
    %broadcast_in_dim3A_423 = arith.constant 0xFF800000 : f32
    %broadcast_in_dim3A_424 = vector.broadcast %broadcast_in_dim3A_423 : f32 to vector<1x100xf32>
    %concatenate3A_425 = tpu.concatenate %broadcast_in_dim3A_424, %select_n3A_422, %broadcast_in_dim3A_424 in 0 : vector<1x100xf32>, vector<200x100xf32>, vector<1x100xf32> -> vector<202x100xf32>
    %slice3A_426 = vector.extract_strided_slice %concatenate3A_425 {offsets = [0, 0], sizes = [201, 100], strides = [1, 1]} : vector<202x100xf32> to vector<201x100xf32>
    %reshape3A_427 = vector.shape_cast %slice3A_426 : vector<201x100xf32> to vector<67x3x100xf32>
    %reduce_max3A_428 = arith.constant dense<0xFF800000> : vector<67x100xf32>
    %reduce_max3A_429 = vector.multi_reduction <maximumf>, %reshape3A_427, %reduce_max3A_428 [1] : vector<67x3x100xf32> to vector<67x100xf32>
    %broadcast_in_dim3A_430 = arith.constant 0.000000e+00 : f32
    %broadcast_in_dim3A_431 = vector.broadcast %broadcast_in_dim3A_430 : f32 to vector<1x100xf32>
    %concatenate3A_432 = tpu.concatenate %broadcast_in_dim3A_431, %reduce_max3A_429, %broadcast_in_dim3A_431 in 0 : vector<1x100xf32>, vector<67x100xf32>, vector<1x100xf32> -> vector<69x100xf32>
    %get3A_433 = arith.constant 0 : index
    %get3A_434 = arith.constant 0 : index
    %get3A_435 = arith.constant 0 : index
    %get3A_436 = vector.load %arg6[%get3A_433, %get3A_434, %get3A_435] : memref<3x100x100xf32, #tpu.memory_space<vmem>>, vector<3x100x100xf32>
    %get3A_437 = arith.constant 0 : index
    %get3A_438 = arith.constant 0 : index
    %get3A_439 = vector.load %arg7[%get3A_437, %get3A_438] : memref<1x100xf32, #tpu.memory_space<vmem>>, vector<1x100xf32>
    %slice3A_440 = vector.extract_strided_slice %concatenate3A_432 {offsets = [0, 0], sizes = [67, 100], strides = [1, 1]} : vector<69x100xf32> to vector<67x100xf32>
    %slice3A_441 = vector.extract_strided_slice %get3A_436 {offsets = [0, 0, 0], sizes = [1, 100, 100], strides = [1, 1, 1]} : vector<3x100x100xf32> to vector<1x100x100xf32>
    %squeeze3A_442 = vector.shape_cast %slice3A_441 : vector<1x100x100xf32> to vector<100x100xf32>
    %dot_general3A_443 = arith.constant dense<0.000000e+00> : vector<67x100xf32>
    %dot_general3A_444 = tpu.matmul %slice3A_440, %squeeze3A_442, %dot_general3A_443 {dimension_numbers = #tpu.dot_dimension_numbers<[1], [0], [0], [1], [0, 0, 1, 1], [], []>, precision = #tpu.contract_precision<fp32>, transpose_lhs_hint = false} : vector<67x100xf32>, vector<100x100xf32>, vector<67x100xf32> -> vector<67x100xf32>
    %slice3A_445 = vector.extract_strided_slice %concatenate3A_432 {offsets = [1, 0], sizes = [67, 100], strides = [1, 1]} : vector<69x100xf32> to vector<67x100xf32>
    %slice3A_446 = vector.extract_strided_slice %get3A_436 {offsets = [1, 0, 0], sizes = [1, 100, 100], strides = [1, 1, 1]} : vector<3x100x100xf32> to vector<1x100x100xf32>
    %squeeze3A_447 = vector.shape_cast %slice3A_446 : vector<1x100x100xf32> to vector<100x100xf32>
    %dot_general3A_448 = arith.constant dense<0.000000e+00> : vector<67x100xf32>
    %dot_general3A_449 = tpu.matmul %slice3A_445, %squeeze3A_447, %dot_general3A_448 {dimension_numbers = #tpu.dot_dimension_numbers<[1], [0], [0], [1], [0, 0, 1, 1], [], []>, precision = #tpu.contract_precision<fp32>, transpose_lhs_hint = false} : vector<67x100xf32>, vector<100x100xf32>, vector<67x100xf32> -> vector<67x100xf32>
    %add3A_450 = arith.addf %dot_general3A_444, %dot_general3A_449 : vector<67x100xf32>
    %slice3A_451 = vector.extract_strided_slice %concatenate3A_432 {offsets = [2, 0], sizes = [67, 100], strides = [1, 1]} : vector<69x100xf32> to vector<67x100xf32>
    %slice3A_452 = vector.extract_strided_slice %get3A_436 {offsets = [2, 0, 0], sizes = [1, 100, 100], strides = [1, 1, 1]} : vector<3x100x100xf32> to vector<1x100x100xf32>
    %squeeze3A_453 = vector.shape_cast %slice3A_452 : vector<1x100x100xf32> to vector<100x100xf32>
    %dot_general3A_454 = arith.constant dense<0.000000e+00> : vector<67x100xf32>
    %dot_general3A_455 = tpu.matmul %slice3A_451, %squeeze3A_453, %dot_general3A_454 {dimension_numbers = #tpu.dot_dimension_numbers<[1], [0], [0], [1], [0, 0, 1, 1], [], []>, precision = #tpu.contract_precision<fp32>, transpose_lhs_hint = false} : vector<67x100xf32>, vector<100x100xf32>, vector<67x100xf32> -> vector<67x100xf32>
    %add3A_456 = arith.addf %add3A_450, %dot_general3A_455 : vector<67x100xf32>
    %add3A_457 = vector.broadcast %get3A_439 : vector<1x100xf32> to vector<67x100xf32>
    %add3A_458 = arith.addf %add3A_456, %add3A_457 : vector<67x100xf32>
    %ge3A_459 = arith.constant 0.000000e+00 : f32
    %ge3A_460 = vector.broadcast %ge3A_459 : f32 to vector<67x100xf32>
    %ge3A_461 = arith.cmpf oge, %add3A_458, %ge3A_460 : vector<67x100xf32>
    %mul3A_462 = arith.constant 0.00999999977 : f32
    %mul3A_463 = vector.broadcast %mul3A_462 : f32 to vector<67x100xf32>
    %mul3A_464 = arith.mulf %mul3A_463, %add3A_458 : vector<67x100xf32>
    %select_n3A_465 = arith.select %ge3A_461, %add3A_458, %mul3A_464 : vector<67x100xi1>, vector<67x100xf32>
    %broadcast_in_dim3A_466 = arith.constant 0xFF800000 : f32
    %broadcast_in_dim3A_467 = vector.broadcast %broadcast_in_dim3A_466 : f32 to vector<1x100xf32>
    %concatenate3A_468 = tpu.concatenate %broadcast_in_dim3A_467, %select_n3A_465, %broadcast_in_dim3A_467 in 0 : vector<1x100xf32>, vector<67x100xf32>, vector<1x100xf32> -> vector<69x100xf32>
    %reshape3A_469 = vector.shape_cast %concatenate3A_468 : vector<69x100xf32> to vector<23x3x100xf32>
    %reduce_max3A_470 = arith.constant dense<0xFF800000> : vector<23x100xf32>
    %reduce_max3A_471 = vector.multi_reduction <maximumf>, %reshape3A_469, %reduce_max3A_470 [1] : vector<23x3x100xf32> to vector<23x100xf32>
    %broadcast_in_dim3A_472 = arith.constant 0.000000e+00 : f32
    %broadcast_in_dim3A_473 = vector.broadcast %broadcast_in_dim3A_472 : f32 to vector<1x100xf32>
    %concatenate3A_474 = tpu.concatenate %broadcast_in_dim3A_473, %reduce_max3A_471, %broadcast_in_dim3A_473 in 0 : vector<1x100xf32>, vector<23x100xf32>, vector<1x100xf32> -> vector<25x100xf32>
    %get3A_475 = arith.constant 0 : index
    %get3A_476 = arith.constant 0 : index
    %get3A_477 = arith.constant 0 : index
    %get3A_478 = vector.load %arg8[%get3A_475, %get3A_476, %get3A_477] : memref<3x100x100xf32, #tpu.memory_space<vmem>>, vector<3x100x100xf32>
    %get3A_479 = arith.constant 0 : index
    %get3A_480 = arith.constant 0 : index
    %get3A_481 = vector.load %arg9[%get3A_479, %get3A_480] : memref<1x100xf32, #tpu.memory_space<vmem>>, vector<1x100xf32>
    %slice3A_482 = vector.extract_strided_slice %concatenate3A_474 {offsets = [0, 0], sizes = [23, 100], strides = [1, 1]} : vector<25x100xf32> to vector<23x100xf32>
    %slice3A_483 = vector.extract_strided_slice %get3A_478 {offsets = [0, 0, 0], sizes = [1, 100, 100], strides = [1, 1, 1]} : vector<3x100x100xf32> to vector<1x100x100xf32>
    %squeeze3A_484 = vector.shape_cast %slice3A_483 : vector<1x100x100xf32> to vector<100x100xf32>
    %dot_general3A_485 = arith.constant dense<0.000000e+00> : vector<23x100xf32>
    %dot_general3A_486 = tpu.matmul %slice3A_482, %squeeze3A_484, %dot_general3A_485 {dimension_numbers = #tpu.dot_dimension_numbers<[1], [0], [0], [1], [0, 0, 1, 1], [], []>, precision = #tpu.contract_precision<fp32>, transpose_lhs_hint = false} : vector<23x100xf32>, vector<100x100xf32>, vector<23x100xf32> -> vector<23x100xf32>
    %slice3A_487 = vector.extract_strided_slice %concatenate3A_474 {offsets = [1, 0], sizes = [23, 100], strides = [1, 1]} : vector<25x100xf32> to vector<23x100xf32>
    %slice3A_488 = vector.extract_strided_slice %get3A_478 {offsets = [1, 0, 0], sizes = [1, 100, 100], strides = [1, 1, 1]} : vector<3x100x100xf32> to vector<1x100x100xf32>
    %squeeze3A_489 = vector.shape_cast %slice3A_488 : vector<1x100x100xf32> to vector<100x100xf32>
    %dot_general3A_490 = arith.constant dense<0.000000e+00> : vector<23x100xf32>
    %dot_general3A_491 = tpu.matmul %slice3A_487, %squeeze3A_489, %dot_general3A_490 {dimension_numbers = #tpu.dot_dimension_numbers<[1], [0], [0], [1], [0, 0, 1, 1], [], []>, precision = #tpu.contract_precision<fp32>, transpose_lhs_hint = false} : vector<23x100xf32>, vector<100x100xf32>, vector<23x100xf32> -> vector<23x100xf32>
    %add3A_492 = arith.addf %dot_general3A_486, %dot_general3A_491 : vector<23x100xf32>
    %slice3A_493 = vector.extract_strided_slice %concatenate3A_474 {offsets = [2, 0], sizes = [23, 100], strides = [1, 1]} : vector<25x100xf32> to vector<23x100xf32>
    %slice3A_494 = vector.extract_strided_slice %get3A_478 {offsets = [2, 0, 0], sizes = [1, 100, 100], strides = [1, 1, 1]} : vector<3x100x100xf32> to vector<1x100x100xf32>
    %squeeze3A_495 = vector.shape_cast %slice3A_494 : vector<1x100x100xf32> to vector<100x100xf32>
    %dot_general3A_496 = arith.constant dense<0.000000e+00> : vector<23x100xf32>
    %dot_general3A_497 = tpu.matmul %slice3A_493, %squeeze3A_495, %dot_general3A_496 {dimension_numbers = #tpu.dot_dimension_numbers<[1], [0], [0], [1], [0, 0, 1, 1], [], []>, precision = #tpu.contract_precision<fp32>, transpose_lhs_hint = false} : vector<23x100xf32>, vector<100x100xf32>, vector<23x100xf32> -> vector<23x100xf32>
    %add3A_498 = arith.addf %add3A_492, %dot_general3A_497 : vector<23x100xf32>
    %add3A_499 = vector.broadcast %get3A_481 : vector<1x100xf32> to vector<23x100xf32>
    %add3A_500 = arith.addf %add3A_498, %add3A_499 : vector<23x100xf32>
    %ge3A_501 = arith.constant 0.000000e+00 : f32
    %ge3A_502 = vector.broadcast %ge3A_501 : f32 to vector<23x100xf32>
    %ge3A_503 = arith.cmpf oge, %add3A_500, %ge3A_502 : vector<23x100xf32>
    %mul3A_504 = arith.constant 0.00999999977 : f32
    %mul3A_505 = vector.broadcast %mul3A_504 : f32 to vector<23x100xf32>
    %mul3A_506 = arith.mulf %mul3A_505, %add3A_500 : vector<23x100xf32>
    %select_n3A_507 = arith.select %ge3A_503, %add3A_500, %mul3A_506 : vector<23x100xi1>, vector<23x100xf32>
    %broadcast_in_dim3A_508 = arith.constant 0xFF800000 : f32
    %broadcast_in_dim3A_509 = vector.broadcast %broadcast_in_dim3A_508 : f32 to vector<1x100xf32>
    %concatenate3A_510 = tpu.concatenate %broadcast_in_dim3A_509, %select_n3A_507, %broadcast_in_dim3A_509 in 0 : vector<1x100xf32>, vector<23x100xf32>, vector<1x100xf32> -> vector<25x100xf32>
    %slice3A_511 = vector.extract_strided_slice %concatenate3A_510 {offsets = [0, 0], sizes = [24, 100], strides = [1, 1]} : vector<25x100xf32> to vector<24x100xf32>
    %reshape3A_512 = vector.shape_cast %slice3A_511 : vector<24x100xf32> to vector<8x3x100xf32>
    %reduce_max3A_513 = arith.constant dense<0xFF800000> : vector<8x100xf32>
    %reduce_max3A_514 = vector.multi_reduction <maximumf>, %reshape3A_512, %reduce_max3A_513 [1] : vector<8x3x100xf32> to vector<8x100xf32>
    %swap3A_515 = arith.constant 2 : index
    %swap3A_516 = arith.constant 0 : index
    %swap3A_517 = arith.constant 0 : index
    %swap3A_518 = vector.load %arg10[%swap3A_515, %swap3A_516, %swap3A_517] : memref<8x8x100xf32, #tpu.memory_space<vmem>>, vector<1x8x100xf32>
    %swap3A_519 = vector.shape_cast %swap3A_518 : vector<1x8x100xf32> to vector<8x100xf32>
    %swap3A_520 = vector.shape_cast %reduce_max3A_514 : vector<8x100xf32> to vector<1x8x100xf32>
    tpu.vector_store %arg10[%swap3A_515, %swap3A_516, %swap3A_517], %swap3A_520 {strides = array<i32>} : memref<8x8x100xf32, #tpu.memory_space<vmem>>, vector<1x8x100xf32>,
    %get3A_521 = arith.constant 3 : index
    %get3A_522 = arith.constant 0 : index
    %get3A_523 = arith.constant 0 : index
    %get3A_524 = vector.load %arg1[%get3A_521, %get3A_522, %get3A_523] : memref<8x600x21xf32, #tpu.memory_space<vmem>>, vector<1x600x21xf32>
    %get3A_525 = vector.shape_cast %get3A_524 : vector<1x600x21xf32> to vector<600x21xf32>
    %broadcast_in_dim3A_526 = arith.constant 0.000000e+00 : f32
    %broadcast_in_dim3A_527 = vector.broadcast %broadcast_in_dim3A_526 : f32 to vector<1x21xf32>
    %concatenate3A_528 = tpu.concatenate %broadcast_in_dim3A_527, %get3A_525, %broadcast_in_dim3A_527 in 0 : vector<1x21xf32>, vector<600x21xf32>, vector<1x21xf32> -> vector<602x21xf32>
    %get3A_529 = arith.constant 0 : index
    %get3A_530 = arith.constant 0 : index
    %get3A_531 = arith.constant 0 : index
    %get3A_532 = vector.load %arg2[%get3A_529, %get3A_530, %get3A_531] : memref<3x21x100xf32, #tpu.memory_space<vmem>>, vector<3x21x100xf32>
    %get3A_533 = arith.constant 0 : index
    %get3A_534 = arith.constant 0 : index
    %get3A_535 = vector.load %arg3[%get3A_533, %get3A_534] : memref<1x100xf32, #tpu.memory_space<vmem>>, vector<1x100xf32>
    %slice3A_536 = vector.extract_strided_slice %concatenate3A_528 {offsets = [0, 0], sizes = [600, 21], strides = [1, 1]} : vector<602x21xf32> to vector<600x21xf32>
    %slice3A_537 = vector.extract_strided_slice %get3A_532 {offsets = [0, 0, 0], sizes = [1, 21, 100], strides = [1, 1, 1]} : vector<3x21x100xf32> to vector<1x21x100xf32>
    %squeeze3A_538 = vector.shape_cast %slice3A_537 : vector<1x21x100xf32> to vector<21x100xf32>
    %dot_general3A_539 = arith.constant dense<0.000000e+00> : vector<600x100xf32>
    %dot_general3A_540 = tpu.matmul %slice3A_536, %squeeze3A_538, %dot_general3A_539 {dimension_numbers = #tpu.dot_dimension_numbers<[1], [0], [0], [1], [0, 0, 1, 1], [], []>, precision = #tpu.contract_precision<fp32>, transpose_lhs_hint = false} : vector<600x21xf32>, vector<21x100xf32>, vector<600x100xf32> -> vector<600x100xf32>
    %slice3A_541 = vector.extract_strided_slice %concatenate3A_528 {offsets = [1, 0], sizes = [600, 21], strides = [1, 1]} : vector<602x21xf32> to vector<600x21xf32>
    %slice3A_542 = vector.extract_strided_slice %get3A_532 {offsets = [1, 0, 0], sizes = [1, 21, 100], strides = [1, 1, 1]} : vector<3x21x100xf32> to vector<1x21x100xf32>
    %squeeze3A_543 = vector.shape_cast %slice3A_542 : vector<1x21x100xf32> to vector<21x100xf32>
    %dot_general3A_544 = arith.constant dense<0.000000e+00> : vector<600x100xf32>
    %dot_general3A_545 = tpu.matmul %slice3A_541, %squeeze3A_543, %dot_general3A_544 {dimension_numbers = #tpu.dot_dimension_numbers<[1], [0], [0], [1], [0, 0, 1, 1], [], []>, precision = #tpu.contract_precision<fp32>, transpose_lhs_hint = false} : vector<600x21xf32>, vector<21x100xf32>, vector<600x100xf32> -> vector<600x100xf32>
    %add3A_546 = arith.addf %dot_general3A_540, %dot_general3A_545 : vector<600x100xf32>
    %slice3A_547 = vector.extract_strided_slice %concatenate3A_528 {offsets = [2, 0], sizes = [600, 21], strides = [1, 1]} : vector<602x21xf32> to vector<600x21xf32>
    %slice3A_548 = vector.extract_strided_slice %get3A_532 {offsets = [2, 0, 0], sizes = [1, 21, 100], strides = [1, 1, 1]} : vector<3x21x100xf32> to vector<1x21x100xf32>
    %squeeze3A_549 = vector.shape_cast %slice3A_548 : vector<1x21x100xf32> to vector<21x100xf32>
    %dot_general3A_550 = arith.constant dense<0.000000e+00> : vector<600x100xf32>
    %dot_general3A_551 = tpu.matmul %slice3A_547, %squeeze3A_549, %dot_general3A_550 {dimension_numbers = #tpu.dot_dimension_numbers<[1], [0], [0], [1], [0, 0, 1, 1], [], []>, precision = #tpu.contract_precision<fp32>, transpose_lhs_hint = false} : vector<600x21xf32>, vector<21x100xf32>, vector<600x100xf32> -> vector<600x100xf32>
    %add3A_552 = arith.addf %add3A_546, %dot_general3A_551 : vector<600x100xf32>
    %add3A_553 = vector.broadcast %get3A_535 : vector<1x100xf32> to vector<600x100xf32>
    %add3A_554 = arith.addf %add3A_552, %add3A_553 : vector<600x100xf32>
    %ge3A_555 = arith.constant 0.000000e+00 : f32
    %ge3A_556 = vector.broadcast %ge3A_555 : f32 to vector<600x100xf32>
    %ge3A_557 = arith.cmpf oge, %add3A_554, %ge3A_556 : vector<600x100xf32>
    %mul3A_558 = arith.constant 0.00999999977 : f32
    %mul3A_559 = vector.broadcast %mul3A_558 : f32 to vector<600x100xf32>
    %mul3A_560 = arith.mulf %mul3A_559, %add3A_554 : vector<600x100xf32>
    %select_n3A_561 = arith.select %ge3A_557, %add3A_554, %mul3A_560 : vector<600x100xi1>, vector<600x100xf32>
    %reshape3A_562 = vector.shape_cast %select_n3A_561 : vector<600x100xf32> to vector<200x3x100xf32>
    %reduce_max3A_563 = arith.constant dense<0xFF800000> : vector<200x100xf32>
    %reduce_max3A_564 = vector.multi_reduction <maximumf>, %reshape3A_562, %reduce_max3A_563 [1] : vector<200x3x100xf32> to vector<200x100xf32>
    %broadcast_in_dim3A_565 = arith.constant 0.000000e+00 : f32
    %broadcast_in_dim3A_566 = vector.broadcast %broadcast_in_dim3A_565 : f32 to vector<1x100xf32>
    %concatenate3A_567 = tpu.concatenate %broadcast_in_dim3A_566, %reduce_max3A_564, %broadcast_in_dim3A_566 in 0 : vector<1x100xf32>, vector<200x100xf32>, vector<1x100xf32> -> vector<202x100xf32>
    %get3A_568 = arith.constant 0 : index
    %get3A_569 = arith.constant 0 : index
    %get3A_570 = arith.constant 0 : index
    %get3A_571 = vector.load %arg4[%get3A_568, %get3A_569, %get3A_570] : memref<3x100x100xf32, #tpu.memory_space<vmem>>, vector<3x100x100xf32>
    %get3A_572 = arith.constant 0 : index
    %get3A_573 = arith.constant 0 : index
    %get3A_574 = vector.load %arg5[%get3A_572, %get3A_573] : memref<1x100xf32, #tpu.memory_space<vmem>>, vector<1x100xf32>
    %slice3A_575 = vector.extract_strided_slice %concatenate3A_567 {offsets = [0, 0], sizes = [200, 100], strides = [1, 1]} : vector<202x100xf32> to vector<200x100xf32>
    %slice3A_576 = vector.extract_strided_slice %get3A_571 {offsets = [0, 0, 0], sizes = [1, 100, 100], strides = [1, 1, 1]} : vector<3x100x100xf32> to vector<1x100x100xf32>
    %squeeze3A_577 = vector.shape_cast %slice3A_576 : vector<1x100x100xf32> to vector<100x100xf32>
    %dot_general3A_578 = arith.constant dense<0.000000e+00> : vector<200x100xf32>
    %dot_general3A_579 = tpu.matmul %slice3A_575, %squeeze3A_577, %dot_general3A_578 {dimension_numbers = #tpu.dot_dimension_numbers<[1], [0], [0], [1], [0, 0, 1, 1], [], []>, precision = #tpu.contract_precision<fp32>, transpose_lhs_hint = false} : vector<200x100xf32>, vector<100x100xf32>, vector<200x100xf32> -> vector<200x100xf32>
    %slice3A_580 = vector.extract_strided_slice %concatenate3A_567 {offsets = [1, 0], sizes = [200, 100], strides = [1, 1]} : vector<202x100xf32> to vector<200x100xf32>
    %slice3A_581 = vector.extract_strided_slice %get3A_571 {offsets = [1, 0, 0], sizes = [1, 100, 100], strides = [1, 1, 1]} : vector<3x100x100xf32> to vector<1x100x100xf32>
    %squeeze3A_582 = vector.shape_cast %slice3A_581 : vector<1x100x100xf32> to vector<100x100xf32>
    %dot_general3A_583 = arith.constant dense<0.000000e+00> : vector<200x100xf32>
    %dot_general3A_584 = tpu.matmul %slice3A_580, %squeeze3A_582, %dot_general3A_583 {dimension_numbers = #tpu.dot_dimension_numbers<[1], [0], [0], [1], [0, 0, 1, 1], [], []>, precision = #tpu.contract_precision<fp32>, transpose_lhs_hint = false} : vector<200x100xf32>, vector<100x100xf32>, vector<200x100xf32> -> vector<200x100xf32>
    %add3A_585 = arith.addf %dot_general3A_579, %dot_general3A_584 : vector<200x100xf32>
    %slice3A_586 = vector.extract_strided_slice %concatenate3A_567 {offsets = [2, 0], sizes = [200, 100], strides = [1, 1]} : vector<202x100xf32> to vector<200x100xf32>
    %slice3A_587 = vector.extract_strided_slice %get3A_571 {offsets = [2, 0, 0], sizes = [1, 100, 100], strides = [1, 1, 1]} : vector<3x100x100xf32> to vector<1x100x100xf32>
    %squeeze3A_588 = vector.shape_cast %slice3A_587 : vector<1x100x100xf32> to vector<100x100xf32>
    %dot_general3A_589 = arith.constant dense<0.000000e+00> : vector<200x100xf32>
    %dot_general3A_590 = tpu.matmul %slice3A_586, %squeeze3A_588, %dot_general3A_589 {dimension_numbers = #tpu.dot_dimension_numbers<[1], [0], [0], [1], [0, 0, 1, 1], [], []>, precision = #tpu.contract_precision<fp32>, transpose_lhs_hint = false} : vector<200x100xf32>, vector<100x100xf32>, vector<200x100xf32> -> vector<200x100xf32>
    %add3A_591 = arith.addf %add3A_585, %dot_general3A_590 : vector<200x100xf32>
    %add3A_592 = vector.broadcast %get3A_574 : vector<1x100xf32> to vector<200x100xf32>
    %add3A_593 = arith.addf %add3A_591, %add3A_592 : vector<200x100xf32>
    %ge3A_594 = arith.constant 0.000000e+00 : f32
    %ge3A_595 = vector.broadcast %ge3A_594 : f32 to vector<200x100xf32>
    %ge3A_596 = arith.cmpf oge, %add3A_593, %ge3A_595 : vector<200x100xf32>
    %mul3A_597 = arith.constant 0.00999999977 : f32
    %mul3A_598 = vector.broadcast %mul3A_597 : f32 to vector<200x100xf32>
    %mul3A_599 = arith.mulf %mul3A_598, %add3A_593 : vector<200x100xf32>
    %select_n3A_600 = arith.select %ge3A_596, %add3A_593, %mul3A_599 : vector<200x100xi1>, vector<200x100xf32>
    %broadcast_in_dim3A_601 = arith.constant 0xFF800000 : f32
    %broadcast_in_dim3A_602 = vector.broadcast %broadcast_in_dim3A_601 : f32 to vector<1x100xf32>
    %concatenate3A_603 = tpu.concatenate %broadcast_in_dim3A_602, %select_n3A_600, %broadcast_in_dim3A_602 in 0 : vector<1x100xf32>, vector<200x100xf32>, vector<1x100xf32> -> vector<202x100xf32>
    %slice3A_604 = vector.extract_strided_slice %concatenate3A_603 {offsets = [0, 0], sizes = [201, 100], strides = [1, 1]} : vector<202x100xf32> to vector<201x100xf32>
    %reshape3A_605 = vector.shape_cast %slice3A_604 : vector<201x100xf32> to vector<67x3x100xf32>
    %reduce_max3A_606 = arith.constant dense<0xFF800000> : vector<67x100xf32>
    %reduce_max3A_607 = vector.multi_reduction <maximumf>, %reshape3A_605, %reduce_max3A_606 [1] : vector<67x3x100xf32> to vector<67x100xf32>
    %broadcast_in_dim3A_608 = arith.constant 0.000000e+00 : f32
    %broadcast_in_dim3A_609 = vector.broadcast %broadcast_in_dim3A_608 : f32 to vector<1x100xf32>
    %concatenate3A_610 = tpu.concatenate %broadcast_in_dim3A_609, %reduce_max3A_607, %broadcast_in_dim3A_609 in 0 : vector<1x100xf32>, vector<67x100xf32>, vector<1x100xf32> -> vector<69x100xf32>
    %get3A_611 = arith.constant 0 : index
    %get3A_612 = arith.constant 0 : index
    %get3A_613 = arith.constant 0 : index
    %get3A_614 = vector.load %arg6[%get3A_611, %get3A_612, %get3A_613] : memref<3x100x100xf32, #tpu.memory_space<vmem>>, vector<3x100x100xf32>
    %get3A_615 = arith.constant 0 : index
    %get3A_616 = arith.constant 0 : index
    %get3A_617 = vector.load %arg7[%get3A_615, %get3A_616] : memref<1x100xf32, #tpu.memory_space<vmem>>, vector<1x100xf32>
    %slice3A_618 = vector.extract_strided_slice %concatenate3A_610 {offsets = [0, 0], sizes = [67, 100], strides = [1, 1]} : vector<69x100xf32> to vector<67x100xf32>
    %slice3A_619 = vector.extract_strided_slice %get3A_614 {offsets = [0, 0, 0], sizes = [1, 100, 100], strides = [1, 1, 1]} : vector<3x100x100xf32> to vector<1x100x100xf32>
    %squeeze3A_620 = vector.shape_cast %slice3A_619 : vector<1x100x100xf32> to vector<100x100xf32>
    %dot_general3A_621 = arith.constant dense<0.000000e+00> : vector<67x100xf32>
    %dot_general3A_622 = tpu.matmul %slice3A_618, %squeeze3A_620, %dot_general3A_621 {dimension_numbers = #tpu.dot_dimension_numbers<[1], [0], [0], [1], [0, 0, 1, 1], [], []>, precision = #tpu.contract_precision<fp32>, transpose_lhs_hint = false} : vector<67x100xf32>, vector<100x100xf32>, vector<67x100xf32> -> vector<67x100xf32>
    %slice3A_623 = vector.extract_strided_slice %concatenate3A_610 {offsets = [1, 0], sizes = [67, 100], strides = [1, 1]} : vector<69x100xf32> to vector<67x100xf32>
    %slice3A_624 = vector.extract_strided_slice %get3A_614 {offsets = [1, 0, 0], sizes = [1, 100, 100], strides = [1, 1, 1]} : vector<3x100x100xf32> to vector<1x100x100xf32>
    %squeeze3A_625 = vector.shape_cast %slice3A_624 : vector<1x100x100xf32> to vector<100x100xf32>
    %dot_general3A_626 = arith.constant dense<0.000000e+00> : vector<67x100xf32>
    %dot_general3A_627 = tpu.matmul %slice3A_623, %squeeze3A_625, %dot_general3A_626 {dimension_numbers = #tpu.dot_dimension_numbers<[1], [0], [0], [1], [0, 0, 1, 1], [], []>, precision = #tpu.contract_precision<fp32>, transpose_lhs_hint = false} : vector<67x100xf32>, vector<100x100xf32>, vector<67x100xf32> -> vector<67x100xf32>
    %add3A_628 = arith.addf %dot_general3A_622, %dot_general3A_627 : vector<67x100xf32>
    %slice3A_629 = vector.extract_strided_slice %concatenate3A_610 {offsets = [2, 0], sizes = [67, 100], strides = [1, 1]} : vector<69x100xf32> to vector<67x100xf32>
    %slice3A_630 = vector.extract_strided_slice %get3A_614 {offsets = [2, 0, 0], sizes = [1, 100, 100], strides = [1, 1, 1]} : vector<3x100x100xf32> to vector<1x100x100xf32>
    %squeeze3A_631 = vector.shape_cast %slice3A_630 : vector<1x100x100xf32> to vector<100x100xf32>
    %dot_general3A_632 = arith.constant dense<0.000000e+00> : vector<67x100xf32>
    %dot_general3A_633 = tpu.matmul %slice3A_629, %squeeze3A_631, %dot_general3A_632 {dimension_numbers = #tpu.dot_dimension_numbers<[1], [0], [0], [1], [0, 0, 1, 1], [], []>, precision = #tpu.contract_precision<fp32>, transpose_lhs_hint = false} : vector<67x100xf32>, vector<100x100xf32>, vector<67x100xf32> -> vector<67x100xf32>
    %add3A_634 = arith.addf %add3A_628, %dot_general3A_633 : vector<67x100xf32>
    %add3A_635 = vector.broadcast %get3A_617 : vector<1x100xf32> to vector<67x100xf32>
    %add3A_636 = arith.addf %add3A_634, %add3A_635 : vector<67x100xf32>
    %ge3A_637 = arith.constant 0.000000e+00 : f32
    %ge3A_638 = vector.broadcast %ge3A_637 : f32 to vector<67x100xf32>
    %ge3A_639 = arith.cmpf oge, %add3A_636, %ge3A_638 : vector<67x100xf32>
    %mul3A_640 = arith.constant 0.00999999977 : f32
    %mul3A_641 = vector.broadcast %mul3A_640 : f32 to vector<67x100xf32>
    %mul3A_642 = arith.mulf %mul3A_641, %add3A_636 : vector<67x100xf32>
    %select_n3A_643 = arith.select %ge3A_639, %add3A_636, %mul3A_642 : vector<67x100xi1>, vector<67x100xf32>
    %broadcast_in_dim3A_644 = arith.constant 0xFF800000 : f32
    %broadcast_in_dim3A_645 = vector.broadcast %broadcast_in_dim3A_644 : f32 to vector<1x100xf32>
    %concatenate3A_646 = tpu.concatenate %broadcast_in_dim3A_645, %select_n3A_643, %broadcast_in_dim3A_645 in 0 : vector<1x100xf32>, vector<67x100xf32>, vector<1x100xf32> -> vector<69x100xf32>
    %reshape3A_647 = vector.shape_cast %concatenate3A_646 : vector<69x100xf32> to vector<23x3x100xf32>
    %reduce_max3A_648 = arith.constant dense<0xFF800000> : vector<23x100xf32>
    %reduce_max3A_649 = vector.multi_reduction <maximumf>, %reshape3A_647, %reduce_max3A_648 [1] : vector<23x3x100xf32> to vector<23x100xf32>
    %broadcast_in_dim3A_650 = arith.constant 0.000000e+00 : f32
    %broadcast_in_dim3A_651 = vector.broadcast %broadcast_in_dim3A_650 : f32 to vector<1x100xf32>
    %concatenate3A_652 = tpu.concatenate %broadcast_in_dim3A_651, %reduce_max3A_649, %broadcast_in_dim3A_651 in 0 : vector<1x100xf32>, vector<23x100xf32>, vector<1x100xf32> -> vector<25x100xf32>
    %get3A_653 = arith.constant 0 : index
    %get3A_654 = arith.constant 0 : index
    %get3A_655 = arith.constant 0 : index
    %get3A_656 = vector.load %arg8[%get3A_653, %get3A_654, %get3A_655] : memref<3x100x100xf32, #tpu.memory_space<vmem>>, vector<3x100x100xf32>
    %get3A_657 = arith.constant 0 : index
    %get3A_658 = arith.constant 0 : index
    %get3A_659 = vector.load %arg9[%get3A_657, %get3A_658] : memref<1x100xf32, #tpu.memory_space<vmem>>, vector<1x100xf32>
    %slice3A_660 = vector.extract_strided_slice %concatenate3A_652 {offsets = [0, 0], sizes = [23, 100], strides = [1, 1]} : vector<25x100xf32> to vector<23x100xf32>
    %slice3A_661 = vector.extract_strided_slice %get3A_656 {offsets = [0, 0, 0], sizes = [1, 100, 100], strides = [1, 1, 1]} : vector<3x100x100xf32> to vector<1x100x100xf32>
    %squeeze3A_662 = vector.shape_cast %slice3A_661 : vector<1x100x100xf32> to vector<100x100xf32>
    %dot_general3A_663 = arith.constant dense<0.000000e+00> : vector<23x100xf32>
    %dot_general3A_664 = tpu.matmul %slice3A_660, %squeeze3A_662, %dot_general3A_663 {dimension_numbers = #tpu.dot_dimension_numbers<[1], [0], [0], [1], [0, 0, 1, 1], [], []>, precision = #tpu.contract_precision<fp32>, transpose_lhs_hint = false} : vector<23x100xf32>, vector<100x100xf32>, vector<23x100xf32> -> vector<23x100xf32>
    %slice3A_665 = vector.extract_strided_slice %concatenate3A_652 {offsets = [1, 0], sizes = [23, 100], strides = [1, 1]} : vector<25x100xf32> to vector<23x100xf32>
    %slice3A_666 = vector.extract_strided_slice %get3A_656 {offsets = [1, 0, 0], sizes = [1, 100, 100], strides = [1, 1, 1]} : vector<3x100x100xf32> to vector<1x100x100xf32>
    %squeeze3A_667 = vector.shape_cast %slice3A_666 : vector<1x100x100xf32> to vector<100x100xf32>
    %dot_general3A_668 = arith.constant dense<0.000000e+00> : vector<23x100xf32>
    %dot_general3A_669 = tpu.matmul %slice3A_665, %squeeze3A_667, %dot_general3A_668 {dimension_numbers = #tpu.dot_dimension_numbers<[1], [0], [0], [1], [0, 0, 1, 1], [], []>, precision = #tpu.contract_precision<fp32>, transpose_lhs_hint = false} : vector<23x100xf32>, vector<100x100xf32>, vector<23x100xf32> -> vector<23x100xf32>
    %add3A_670 = arith.addf %dot_general3A_664, %dot_general3A_669 : vector<23x100xf32>
    %slice3A_671 = vector.extract_strided_slice %concatenate3A_652 {offsets = [2, 0], sizes = [23, 100], strides = [1, 1]} : vector<25x100xf32> to vector<23x100xf32>
    %slice3A_672 = vector.extract_strided_slice %get3A_656 {offsets = [2, 0, 0], sizes = [1, 100, 100], strides = [1, 1, 1]} : vector<3x100x100xf32> to vector<1x100x100xf32>
    %squeeze3A_673 = vector.shape_cast %slice3A_672 : vector<1x100x100xf32> to vector<100x100xf32>
    %dot_general3A_674 = arith.constant dense<0.000000e+00> : vector<23x100xf32>
    %dot_general3A_675 = tpu.matmul %slice3A_671, %squeeze3A_673, %dot_general3A_674 {dimension_numbers = #tpu.dot_dimension_numbers<[1], [0], [0], [1], [0, 0, 1, 1], [], []>, precision = #tpu.contract_precision<fp32>, transpose_lhs_hint = false} : vector<23x100xf32>, vector<100x100xf32>, vector<23x100xf32> -> vector<23x100xf32>
    %add3A_676 = arith.addf %add3A_670, %dot_general3A_675 : vector<23x100xf32>
    %add3A_677 = vector.broadcast %get3A_659 : vector<1x100xf32> to vector<23x100xf32>
    %add3A_678 = arith.addf %add3A_676, %add3A_677 : vector<23x100xf32>
    %ge3A_679 = arith.constant 0.000000e+00 : f32
    %ge3A_680 = vector.broadcast %ge3A_679 : f32 to vector<23x100xf32>
    %ge3A_681 = arith.cmpf oge, %add3A_678, %ge3A_680 : vector<23x100xf32>
    %mul3A_682 = arith.constant 0.00999999977 : f32
    %mul3A_683 = vector.broadcast %mul3A_682 : f32 to vector<23x100xf32>
    %mul3A_684 = arith.mulf %mul3A_683, %add3A_678 : vector<23x100xf32>
    %select_n3A_685 = arith.select %ge3A_681, %add3A_678, %mul3A_684 : vector<23x100xi1>, vector<23x100xf32>
    %broadcast_in_dim3A_686 = arith.constant 0xFF800000 : f32
    %broadcast_in_dim3A_687 = vector.broadcast %broadcast_in_dim3A_686 : f32 to vector<1x100xf32>
    %concatenate3A_688 = tpu.concatenate %broadcast_in_dim3A_687, %select_n3A_685, %broadcast_in_dim3A_687 in 0 : vector<1x100xf32>, vector<23x100xf32>, vector<1x100xf32> -> vector<25x100xf32>
    %slice3A_689 = vector.extract_strided_slice %concatenate3A_688 {offsets = [0, 0], sizes = [24, 100], strides = [1, 1]} : vector<25x100xf32> to vector<24x100xf32>
    %reshape3A_690 = vector.shape_cast %slice3A_689 : vector<24x100xf32> to vector<8x3x100xf32>
    %reduce_max3A_691 = arith.constant dense<0xFF800000> : vector<8x100xf32>
    %reduce_max3A_692 = vector.multi_reduction <maximumf>, %reshape3A_690, %reduce_max3A_691 [1] : vector<8x3x100xf32> to vector<8x100xf32>
    %swap3A_693 = arith.constant 3 : index
    %swap3A_694 = arith.constant 0 : index
    %swap3A_695 = arith.constant 0 : index
    %swap3A_696 = vector.load %arg10[%swap3A_693, %swap3A_694, %swap3A_695] : memref<8x8x100xf32, #tpu.memory_space<vmem>>, vector<1x8x100xf32>
    %swap3A_697 = vector.shape_cast %swap3A_696 : vector<1x8x100xf32> to vector<8x100xf32>
    %swap3A_698 = vector.shape_cast %reduce_max3A_692 : vector<8x100xf32> to vector<1x8x100xf32>
    tpu.vector_store %arg10[%swap3A_693, %swap3A_694, %swap3A_695], %swap3A_698 {strides = array<i32>} : memref<8x8x100xf32, #tpu.memory_space<vmem>>, vector<1x8x100xf32>,
    %get3A_699 = arith.constant 4 : index
    %get3A_700 = arith.constant 0 : index
    %get3A_701 = arith.constant 0 : index
    %get3A_702 = vector.load %arg1[%get3A_699, %get3A_700, %get3A_701] : memref<8x600x21xf32, #tpu.memory_space<vmem>>, vector<1x600x21xf32>
    %get3A_703 = vector.shape_cast %get3A_702 : vector<1x600x21xf32> to vector<600x21xf32>
    %broadcast_in_dim3A_704 = arith.constant 0.000000e+00 : f32
    %broadcast_in_dim3A_705 = vector.broadcast %broadcast_in_dim3A_704 : f32 to vector<1x21xf32>
    %concatenate3A_706 = tpu.concatenate %broadcast_in_dim3A_705, %get3A_703, %broadcast_in_dim3A_705 in 0 : vector<1x21xf32>, vector<600x21xf32>, vector<1x21xf32> -> vector<602x21xf32>
    %get3A_707 = arith.constant 0 : index
    %get3A_708 = arith.constant 0 : index
    %get3A_709 = arith.constant 0 : index
    %get3A_710 = vector.load %arg2[%get3A_707, %get3A_708, %get3A_709] : memref<3x21x100xf32, #tpu.memory_space<vmem>>, vector<3x21x100xf32>
    %get3A_711 = arith.constant 0 : index
    %get3A_712 = arith.constant 0 : index
    %get3A_713 = vector.load %arg3[%get3A_711, %get3A_712] : memref<1x100xf32, #tpu.memory_space<vmem>>, vector<1x100xf32>
    %slice3A_714 = vector.extract_strided_slice %concatenate3A_706 {offsets = [0, 0], sizes = [600, 21], strides = [1, 1]} : vector<602x21xf32> to vector<600x21xf32>
    %slice3A_715 = vector.extract_strided_slice %get3A_710 {offsets = [0, 0, 0], sizes = [1, 21, 100], strides = [1, 1, 1]} : vector<3x21x100xf32> to vector<1x21x100xf32>
    %squeeze3A_716 = vector.shape_cast %slice3A_715 : vector<1x21x100xf32> to vector<21x100xf32>
    %dot_general3A_717 = arith.constant dense<0.000000e+00> : vector<600x100xf32>
    %dot_general3A_718 = tpu.matmul %slice3A_714, %squeeze3A_716, %dot_general3A_717 {dimension_numbers = #tpu.dot_dimension_numbers<[1], [0], [0], [1], [0, 0, 1, 1], [], []>, precision = #tpu.contract_precision<fp32>, transpose_lhs_hint = false} : vector<600x21xf32>, vector<21x100xf32>, vector<600x100xf32> -> vector<600x100xf32>
    %slice3A_719 = vector.extract_strided_slice %concatenate3A_706 {offsets = [1, 0], sizes = [600, 21], strides = [1, 1]} : vector<602x21xf32> to vector<600x21xf32>
    %slice3A_720 = vector.extract_strided_slice %get3A_710 {offsets = [1, 0, 0], sizes = [1, 21, 100], strides = [1, 1, 1]} : vector<3x21x100xf32> to vector<1x21x100xf32>
    %squeeze3A_721 = vector.shape_cast %slice3A_720 : vector<1x21x100xf32> to vector<21x100xf32>
    %dot_general3A_722 = arith.constant dense<0.000000e+00> : vector<600x100xf32>
    %dot_general3A_723 = tpu.matmul %slice3A_719, %squeeze3A_721, %dot_general3A_722 {dimension_numbers = #tpu.dot_dimension_numbers<[1], [0], [0], [1], [0, 0, 1, 1], [], []>, precision = #tpu.contract_precision<fp32>, transpose_lhs_hint = false} : vector<600x21xf32>, vector<21x100xf32>, vector<600x100xf32> -> vector<600x100xf32>
    %add3A_724 = arith.addf %dot_general3A_718, %dot_general3A_723 : vector<600x100xf32>
    %slice3A_725 = vector.extract_strided_slice %concatenate3A_706 {offsets = [2, 0], sizes = [600, 21], strides = [1, 1]} : vector<602x21xf32> to vector<600x21xf32>
    %slice3A_726 = vector.extract_strided_slice %get3A_710 {offsets = [2, 0, 0], sizes = [1, 21, 100], strides = [1, 1, 1]} : vector<3x21x100xf32> to vector<1x21x100xf32>
    %squeeze3A_727 = vector.shape_cast %slice3A_726 : vector<1x21x100xf32> to vector<21x100xf32>
    %dot_general3A_728 = arith.constant dense<0.000000e+00> : vector<600x100xf32>
    %dot_general3A_729 = tpu.matmul %slice3A_725, %squeeze3A_727, %dot_general3A_728 {dimension_numbers = #tpu.dot_dimension_numbers<[1], [0], [0], [1], [0, 0, 1, 1], [], []>, precision = #tpu.contract_precision<fp32>, transpose_lhs_hint = false} : vector<600x21xf32>, vector<21x100xf32>, vector<600x100xf32> -> vector<600x100xf32>
    %add3A_730 = arith.addf %add3A_724, %dot_general3A_729 : vector<600x100xf32>
    %add3A_731 = vector.broadcast %get3A_713 : vector<1x100xf32> to vector<600x100xf32>
    %add3A_732 = arith.addf %add3A_730, %add3A_731 : vector<600x100xf32>
    %ge3A_733 = arith.constant 0.000000e+00 : f32
    %ge3A_734 = vector.broadcast %ge3A_733 : f32 to vector<600x100xf32>
    %ge3A_735 = arith.cmpf oge, %add3A_732, %ge3A_734 : vector<600x100xf32>
    %mul3A_736 = arith.constant 0.00999999977 : f32
    %mul3A_737 = vector.broadcast %mul3A_736 : f32 to vector<600x100xf32>
    %mul3A_738 = arith.mulf %mul3A_737, %add3A_732 : vector<600x100xf32>
    %select_n3A_739 = arith.select %ge3A_735, %add3A_732, %mul3A_738 : vector<600x100xi1>, vector<600x100xf32>
    %reshape3A_740 = vector.shape_cast %select_n3A_739 : vector<600x100xf32> to vector<200x3x100xf32>
    %reduce_max3A_741 = arith.constant dense<0xFF800000> : vector<200x100xf32>
    %reduce_max3A_742 = vector.multi_reduction <maximumf>, %reshape3A_740, %reduce_max3A_741 [1] : vector<200x3x100xf32> to vector<200x100xf32>
    %broadcast_in_dim3A_743 = arith.constant 0.000000e+00 : f32
    %broadcast_in_dim3A_744 = vector.broadcast %broadcast_in_dim3A_743 : f32 to vector<1x100xf32>
    %concatenate3A_745 = tpu.concatenate %broadcast_in_dim3A_744, %reduce_max3A_742, %broadcast_in_dim3A_744 in 0 : vector<1x100xf32>, vector<200x100xf32>, vector<1x100xf32> -> vector<202x100xf32>
    %get3A_746 = arith.constant 0 : index
    %get3A_747 = arith.constant 0 : index
    %get3A_748 = arith.constant 0 : index
    %get3A_749 = vector.load %arg4[%get3A_746, %get3A_747, %get3A_748] : memref<3x100x100xf32, #tpu.memory_space<vmem>>, vector<3x100x100xf32>
    %get3A_750 = arith.constant 0 : index
    %get3A_751 = arith.constant 0 : index
    %get3A_752 = vector.load %arg5[%get3A_750, %get3A_751] : memref<1x100xf32, #tpu.memory_space<vmem>>, vector<1x100xf32>
    %slice3A_753 = vector.extract_strided_slice %concatenate3A_745 {offsets = [0, 0], sizes = [200, 100], strides = [1, 1]} : vector<202x100xf32> to vector<200x100xf32>
    %slice3A_754 = vector.extract_strided_slice %get3A_749 {offsets = [0, 0, 0], sizes = [1, 100, 100], strides = [1, 1, 1]} : vector<3x100x100xf32> to vector<1x100x100xf32>
    %squeeze3A_755 = vector.shape_cast %slice3A_754 : vector<1x100x100xf32> to vector<100x100xf32>
    %dot_general3A_756 = arith.constant dense<0.000000e+00> : vector<200x100xf32>
    %dot_general3A_757 = tpu.matmul %slice3A_753, %squeeze3A_755, %dot_general3A_756 {dimension_numbers = #tpu.dot_dimension_numbers<[1], [0], [0], [1], [0, 0, 1, 1], [], []>, precision = #tpu.contract_precision<fp32>, transpose_lhs_hint = false} : vector<200x100xf32>, vector<100x100xf32>, vector<200x100xf32> -> vector<200x100xf32>
    %slice3A_758 = vector.extract_strided_slice %concatenate3A_745 {offsets = [1, 0], sizes = [200, 100], strides = [1, 1]} : vector<202x100xf32> to vector<200x100xf32>
    %slice3A_759 = vector.extract_strided_slice %get3A_749 {offsets = [1, 0, 0], sizes = [1, 100, 100], strides = [1, 1, 1]} : vector<3x100x100xf32> to vector<1x100x100xf32>
    %squeeze3A_760 = vector.shape_cast %slice3A_759 : vector<1x100x100xf32> to vector<100x100xf32>
    %dot_general3A_761 = arith.constant dense<0.000000e+00> : vector<200x100xf32>
    %dot_general3A_762 = tpu.matmul %slice3A_758, %squeeze3A_760, %dot_general3A_761 {dimension_numbers = #tpu.dot_dimension_numbers<[1], [0], [0], [1], [0, 0, 1, 1], [], []>, precision = #tpu.contract_precision<fp32>, transpose_lhs_hint = false} : vector<200x100xf32>, vector<100x100xf32>, vector<200x100xf32> -> vector<200x100xf32>
    %add3A_763 = arith.addf %dot_general3A_757, %dot_general3A_762 : vector<200x100xf32>
    %slice3A_764 = vector.extract_strided_slice %concatenate3A_745 {offsets = [2, 0], sizes = [200, 100], strides = [1, 1]} : vector<202x100xf32> to vector<200x100xf32>
    %slice3A_765 = vector.extract_strided_slice %get3A_749 {offsets = [2, 0, 0], sizes = [1, 100, 100], strides = [1, 1, 1]} : vector<3x100x100xf32> to vector<1x100x100xf32>
    %squeeze3A_766 = vector.shape_cast %slice3A_765 : vector<1x100x100xf32> to vector<100x100xf32>
    %dot_general3A_767 = arith.constant dense<0.000000e+00> : vector<200x100xf32>
    %dot_general3A_768 = tpu.matmul %slice3A_764, %squeeze3A_766, %dot_general3A_767 {dimension_numbers = #tpu.dot_dimension_numbers<[1], [0], [0], [1], [0, 0, 1, 1], [], []>, precision = #tpu.contract_precision<fp32>, transpose_lhs_hint = false} : vector<200x100xf32>, vector<100x100xf32>, vector<200x100xf32> -> vector<200x100xf32>
    %add3A_769 = arith.addf %add3A_763, %dot_general3A_768 : vector<200x100xf32>
    %add3A_770 = vector.broadcast %get3A_752 : vector<1x100xf32> to vector<200x100xf32>
    %add3A_771 = arith.addf %add3A_769, %add3A_770 : vector<200x100xf32>
    %ge3A_772 = arith.constant 0.000000e+00 : f32
    %ge3A_773 = vector.broadcast %ge3A_772 : f32 to vector<200x100xf32>
    %ge3A_774 = arith.cmpf oge, %add3A_771, %ge3A_773 : vector<200x100xf32>
    %mul3A_775 = arith.constant 0.00999999977 : f32
    %mul3A_776 = vector.broadcast %mul3A_775 : f32 to vector<200x100xf32>
    %mul3A_777 = arith.mulf %mul3A_776, %add3A_771 : vector<200x100xf32>
    %select_n3A_778 = arith.select %ge3A_774, %add3A_771, %mul3A_777 : vector<200x100xi1>, vector<200x100xf32>
    %broadcast_in_dim3A_779 = arith.constant 0xFF800000 : f32
    %broadcast_in_dim3A_780 = vector.broadcast %broadcast_in_dim3A_779 : f32 to vector<1x100xf32>
    %concatenate3A_781 = tpu.concatenate %broadcast_in_dim3A_780, %select_n3A_778, %broadcast_in_dim3A_780 in 0 : vector<1x100xf32>, vector<200x100xf32>, vector<1x100xf32> -> vector<202x100xf32>
    %slice3A_782 = vector.extract_strided_slice %concatenate3A_781 {offsets = [0, 0], sizes = [201, 100], strides = [1, 1]} : vector<202x100xf32> to vector<201x100xf32>
    %reshape3A_783 = vector.shape_cast %slice3A_782 : vector<201x100xf32> to vector<67x3x100xf32>
    %reduce_max3A_784 = arith.constant dense<0xFF800000> : vector<67x100xf32>
    %reduce_max3A_785 = vector.multi_reduction <maximumf>, %reshape3A_783, %reduce_max3A_784 [1] : vector<67x3x100xf32> to vector<67x100xf32>
    %broadcast_in_dim3A_786 = arith.constant 0.000000e+00 : f32
    %broadcast_in_dim3A_787 = vector.broadcast %broadcast_in_dim3A_786 : f32 to vector<1x100xf32>
    %concatenate3A_788 = tpu.concatenate %broadcast_in_dim3A_787, %reduce_max3A_785, %broadcast_in_dim3A_787 in 0 : vector<1x100xf32>, vector<67x100xf32>, vector<1x100xf32> -> vector<69x100xf32>
    %get3A_789 = arith.constant 0 : index
    %get3A_790 = arith.constant 0 : index
    %get3A_791 = arith.constant 0 : index
    %get3A_792 = vector.load %arg6[%get3A_789, %get3A_790, %get3A_791] : memref<3x100x100xf32, #tpu.memory_space<vmem>>, vector<3x100x100xf32>
    %get3A_793 = arith.constant 0 : index
    %get3A_794 = arith.constant 0 : index
    %get3A_795 = vector.load %arg7[%get3A_793, %get3A_794] : memref<1x100xf32, #tpu.memory_space<vmem>>, vector<1x100xf32>
    %slice3A_796 = vector.extract_strided_slice %concatenate3A_788 {offsets = [0, 0], sizes = [67, 100], strides = [1, 1]} : vector<69x100xf32> to vector<67x100xf32>
    %slice3A_797 = vector.extract_strided_slice %get3A_792 {offsets = [0, 0, 0], sizes = [1, 100, 100], strides = [1, 1, 1]} : vector<3x100x100xf32> to vector<1x100x100xf32>
    %squeeze3A_798 = vector.shape_cast %slice3A_797 : vector<1x100x100xf32> to vector<100x100xf32>
    %dot_general3A_799 = arith.constant dense<0.000000e+00> : vector<67x100xf32>
    %dot_general3A_800 = tpu.matmul %slice3A_796, %squeeze3A_798, %dot_general3A_799 {dimension_numbers = #tpu.dot_dimension_numbers<[1], [0], [0], [1], [0, 0, 1, 1], [], []>, precision = #tpu.contract_precision<fp32>, transpose_lhs_hint = false} : vector<67x100xf32>, vector<100x100xf32>, vector<67x100xf32> -> vector<67x100xf32>
    %slice3A_801 = vector.extract_strided_slice %concatenate3A_788 {offsets = [1, 0], sizes = [67, 100], strides = [1, 1]} : vector<69x100xf32> to vector<67x100xf32>
    %slice3A_802 = vector.extract_strided_slice %get3A_792 {offsets = [1, 0, 0], sizes = [1, 100, 100], strides = [1, 1, 1]} : vector<3x100x100xf32> to vector<1x100x100xf32>
    %squeeze3A_803 = vector.shape_cast %slice3A_802 : vector<1x100x100xf32> to vector<100x100xf32>
    %dot_general3A_804 = arith.constant dense<0.000000e+00> : vector<67x100xf32>
    %dot_general3A_805 = tpu.matmul %slice3A_801, %squeeze3A_803, %dot_general3A_804 {dimension_numbers = #tpu.dot_dimension_numbers<[1], [0], [0], [1], [0, 0, 1, 1], [], []>, precision = #tpu.contract_precision<fp32>, transpose_lhs_hint = false} : vector<67x100xf32>, vector<100x100xf32>, vector<67x100xf32> -> vector<67x100xf32>
    %add3A_806 = arith.addf %dot_general3A_800, %dot_general3A_805 : vector<67x100xf32>
    %slice3A_807 = vector.extract_strided_slice %concatenate3A_788 {offsets = [2, 0], sizes = [67, 100], strides = [1, 1]} : vector<69x100xf32> to vector<67x100xf32>
    %slice3A_808 = vector.extract_strided_slice %get3A_792 {offsets = [2, 0, 0], sizes = [1, 100, 100], strides = [1, 1, 1]} : vector<3x100x100xf32> to vector<1x100x100xf32>
    %squeeze3A_809 = vector.shape_cast %slice3A_808 : vector<1x100x100xf32> to vector<100x100xf32>
    %dot_general3A_810 = arith.constant dense<0.000000e+00> : vector<67x100xf32>
    %dot_general3A_811 = tpu.matmul %slice3A_807, %squeeze3A_809, %dot_general3A_810 {dimension_numbers = #tpu.dot_dimension_numbers<[1], [0], [0], [1], [0, 0, 1, 1], [], []>, precision = #tpu.contract_precision<fp32>, transpose_lhs_hint = false} : vector<67x100xf32>, vector<100x100xf32>, vector<67x100xf32> -> vector<67x100xf32>
    %add3A_812 = arith.addf %add3A_806, %dot_general3A_811 : vector<67x100xf32>
    %add3A_813 = vector.broadcast %get3A_795 : vector<1x100xf32> to vector<67x100xf32>
    %add3A_814 = arith.addf %add3A_812, %add3A_813 : vector<67x100xf32>
    %ge3A_815 = arith.constant 0.000000e+00 : f32
    %ge3A_816 = vector.broadcast %ge3A_815 : f32 to vector<67x100xf32>
    %ge3A_817 = arith.cmpf oge, %add3A_814, %ge3A_816 : vector<67x100xf32>
    %mul3A_818 = arith.constant 0.00999999977 : f32
    %mul3A_819 = vector.broadcast %mul3A_818 : f32 to vector<67x100xf32>
    %mul3A_820 = arith.mulf %mul3A_819, %add3A_814 : vector<67x100xf32>
    %select_n3A_821 = arith.select %ge3A_817, %add3A_814, %mul3A_820 : vector<67x100xi1>, vector<67x100xf32>
    %broadcast_in_dim3A_822 = arith.constant 0xFF800000 : f32
    %broadcast_in_dim3A_823 = vector.broadcast %broadcast_in_dim3A_822 : f32 to vector<1x100xf32>
    %concatenate3A_824 = tpu.concatenate %broadcast_in_dim3A_823, %select_n3A_821, %broadcast_in_dim3A_823 in 0 : vector<1x100xf32>, vector<67x100xf32>, vector<1x100xf32> -> vector<69x100xf32>
    %reshape3A_825 = vector.shape_cast %concatenate3A_824 : vector<69x100xf32> to vector<23x3x100xf32>
    %reduce_max3A_826 = arith.constant dense<0xFF800000> : vector<23x100xf32>
    %reduce_max3A_827 = vector.multi_reduction <maximumf>, %reshape3A_825, %reduce_max3A_826 [1] : vector<23x3x100xf32> to vector<23x100xf32>
    %broadcast_in_dim3A_828 = arith.constant 0.000000e+00 : f32
    %broadcast_in_dim3A_829 = vector.broadcast %broadcast_in_dim3A_828 : f32 to vector<1x100xf32>
    %concatenate3A_830 = tpu.concatenate %broadcast_in_dim3A_829, %reduce_max3A_827, %broadcast_in_dim3A_829 in 0 : vector<1x100xf32>, vector<23x100xf32>, vector<1x100xf32> -> vector<25x100xf32>
    %get3A_831 = arith.constant 0 : index
    %get3A_832 = arith.constant 0 : index
    %get3A_833 = arith.constant 0 : index
    %get3A_834 = vector.load %arg8[%get3A_831, %get3A_832, %get3A_833] : memref<3x100x100xf32, #tpu.memory_space<vmem>>, vector<3x100x100xf32>
    %get3A_835 = arith.constant 0 : index
    %get3A_836 = arith.constant 0 : index
    %get3A_837 = vector.load %arg9[%get3A_835, %get3A_836] : memref<1x100xf32, #tpu.memory_space<vmem>>, vector<1x100xf32>
    %slice3A_838 = vector.extract_strided_slice %concatenate3A_830 {offsets = [0, 0], sizes = [23, 100], strides = [1, 1]} : vector<25x100xf32> to vector<23x100xf32>
    %slice3A_839 = vector.extract_strided_slice %get3A_834 {offsets = [0, 0, 0], sizes = [1, 100, 100], strides = [1, 1, 1]} : vector<3x100x100xf32> to vector<1x100x100xf32>
    %squeeze3A_840 = vector.shape_cast %slice3A_839 : vector<1x100x100xf32> to vector<100x100xf32>
    %dot_general3A_841 = arith.constant dense<0.000000e+00> : vector<23x100xf32>
    %dot_general3A_842 = tpu.matmul %slice3A_838, %squeeze3A_840, %dot_general3A_841 {dimension_numbers = #tpu.dot_dimension_numbers<[1], [0], [0], [1], [0, 0, 1, 1], [], []>, precision = #tpu.contract_precision<fp32>, transpose_lhs_hint = false} : vector<23x100xf32>, vector<100x100xf32>, vector<23x100xf32> -> vector<23x100xf32>
    %slice3A_843 = vector.extract_strided_slice %concatenate3A_830 {offsets = [1, 0], sizes = [23, 100], strides = [1, 1]} : vector<25x100xf32> to vector<23x100xf32>
    %slice3A_844 = vector.extract_strided_slice %get3A_834 {offsets = [1, 0, 0], sizes = [1, 100, 100], strides = [1, 1, 1]} : vector<3x100x100xf32> to vector<1x100x100xf32>
    %squeeze3A_845 = vector.shape_cast %slice3A_844 : vector<1x100x100xf32> to vector<100x100xf32>
    %dot_general3A_846 = arith.constant dense<0.000000e+00> : vector<23x100xf32>
    %dot_general3A_847 = tpu.matmul %slice3A_843, %squeeze3A_845, %dot_general3A_846 {dimension_numbers = #tpu.dot_dimension_numbers<[1], [0], [0], [1], [0, 0, 1, 1], [], []>, precision = #tpu.contract_precision<fp32>, transpose_lhs_hint = false} : vector<23x100xf32>, vector<100x100xf32>, vector<23x100xf32> -> vector<23x100xf32>
    %add3A_848 = arith.addf %dot_general3A_842, %dot_general3A_847 : vector<23x100xf32>
    %slice3A_849 = vector.extract_strided_slice %concatenate3A_830 {offsets = [2, 0], sizes = [23, 100], strides = [1, 1]} : vector<25x100xf32> to vector<23x100xf32>
    %slice3A_850 = vector.extract_strided_slice %get3A_834 {offsets = [2, 0, 0], sizes = [1, 100, 100], strides = [1, 1, 1]} : vector<3x100x100xf32> to vector<1x100x100xf32>
    %squeeze3A_851 = vector.shape_cast %slice3A_850 : vector<1x100x100xf32> to vector<100x100xf32>
    %dot_general3A_852 = arith.constant dense<0.000000e+00> : vector<23x100xf32>
    %dot_general3A_853 = tpu.matmul %slice3A_849, %squeeze3A_851, %dot_general3A_852 {dimension_numbers = #tpu.dot_dimension_numbers<[1], [0], [0], [1], [0, 0, 1, 1], [], []>, precision = #tpu.contract_precision<fp32>, transpose_lhs_hint = false} : vector<23x100xf32>, vector<100x100xf32>, vector<23x100xf32> -> vector<23x100xf32>
    %add3A_854 = arith.addf %add3A_848, %dot_general3A_853 : vector<23x100xf32>
    %add3A_855 = vector.broadcast %get3A_837 : vector<1x100xf32> to vector<23x100xf32>
    %add3A_856 = arith.addf %add3A_854, %add3A_855 : vector<23x100xf32>
    %ge3A_857 = arith.constant 0.000000e+00 : f32
    %ge3A_858 = vector.broadcast %ge3A_857 : f32 to vector<23x100xf32>
    %ge3A_859 = arith.cmpf oge, %add3A_856, %ge3A_858 : vector<23x100xf32>
    %mul3A_860 = arith.constant 0.00999999977 : f32
    %mul3A_861 = vector.broadcast %mul3A_860 : f32 to vector<23x100xf32>
    %mul3A_862 = arith.mulf %mul3A_861, %add3A_856 : vector<23x100xf32>
    %select_n3A_863 = arith.select %ge3A_859, %add3A_856, %mul3A_862 : vector<23x100xi1>, vector<23x100xf32>
    %broadcast_in_dim3A_864 = arith.constant 0xFF800000 : f32
    %broadcast_in_dim3A_865 = vector.broadcast %broadcast_in_dim3A_864 : f32 to vector<1x100xf32>
    %concatenate3A_866 = tpu.concatenate %broadcast_in_dim3A_865, %select_n3A_863, %broadcast_in_dim3A_865 in 0 : vector<1x100xf32>, vector<23x100xf32>, vector<1x100xf32> -> vector<25x100xf32>
    %slice3A_867 = vector.extract_strided_slice %concatenate3A_866 {offsets = [0, 0], sizes = [24, 100], strides = [1, 1]} : vector<25x100xf32> to vector<24x100xf32>
    %reshape3A_868 = vector.shape_cast %slice3A_867 : vector<24x100xf32> to vector<8x3x100xf32>
    %reduce_max3A_869 = arith.constant dense<0xFF800000> : vector<8x100xf32>
    %reduce_max3A_870 = vector.multi_reduction <maximumf>, %reshape3A_868, %reduce_max3A_869 [1] : vector<8x3x100xf32> to vector<8x100xf32>
    %swap3A_871 = arith.constant 4 : index
    %swap3A_872 = arith.constant 0 : index
    %swap3A_873 = arith.constant 0 : index
    %swap3A_874 = vector.load %arg10[%swap3A_871, %swap3A_872, %swap3A_873] : memref<8x8x100xf32, #tpu.memory_space<vmem>>, vector<1x8x100xf32>
    %swap3A_875 = vector.shape_cast %swap3A_874 : vector<1x8x100xf32> to vector<8x100xf32>
    %swap3A_876 = vector.shape_cast %reduce_max3A_870 : vector<8x100xf32> to vector<1x8x100xf32>
    tpu.vector_store %arg10[%swap3A_871, %swap3A_872, %swap3A_873], %swap3A_876 {strides = array<i32>} : memref<8x8x100xf32, #tpu.memory_space<vmem>>, vector<1x8x100xf32>,
    %get3A_877 = arith.constant 5 : index
    %get3A_878 = arith.constant 0 : index
    %get3A_879 = arith.constant 0 : index
    %get3A_880 = vector.load %arg1[%get3A_877, %get3A_878, %get3A_879] : memref<8x600x21xf32, #tpu.memory_space<vmem>>, vector<1x600x21xf32>
    %get3A_881 = vector.shape_cast %get3A_880 : vector<1x600x21xf32> to vector<600x21xf32>
    %broadcast_in_dim3A_882 = arith.constant 0.000000e+00 : f32
    %broadcast_in_dim3A_883 = vector.broadcast %broadcast_in_dim3A_882 : f32 to vector<1x21xf32>
    %concatenate3A_884 = tpu.concatenate %broadcast_in_dim3A_883, %get3A_881, %broadcast_in_dim3A_883 in 0 : vector<1x21xf32>, vector<600x21xf32>, vector<1x21xf32> -> vector<602x21xf32>
    %get3A_885 = arith.constant 0 : index
    %get3A_886 = arith.constant 0 : index
    %get3A_887 = arith.constant 0 : index
    %get3A_888 = vector.load %arg2[%get3A_885, %get3A_886, %get3A_887] : memref<3x21x100xf32, #tpu.memory_space<vmem>>, vector<3x21x100xf32>
    %get3A_889 = arith.constant 0 : index
    %get3A_890 = arith.constant 0 : index
    %get3A_891 = vector.load %arg3[%get3A_889, %get3A_890] : memref<1x100xf32, #tpu.memory_space<vmem>>, vector<1x100xf32>
    %slice3A_892 = vector.extract_strided_slice %concatenate3A_884 {offsets = [0, 0], sizes = [600, 21], strides = [1, 1]} : vector<602x21xf32> to vector<600x21xf32>
    %slice3A_893 = vector.extract_strided_slice %get3A_888 {offsets = [0, 0, 0], sizes = [1, 21, 100], strides = [1, 1, 1]} : vector<3x21x100xf32> to vector<1x21x100xf32>
    %squeeze3A_894 = vector.shape_cast %slice3A_893 : vector<1x21x100xf32> to vector<21x100xf32>
    %dot_general3A_895 = arith.constant dense<0.000000e+00> : vector<600x100xf32>
    %dot_general3A_896 = tpu.matmul %slice3A_892, %squeeze3A_894, %dot_general3A_895 {dimension_numbers = #tpu.dot_dimension_numbers<[1], [0], [0], [1], [0, 0, 1, 1], [], []>, precision = #tpu.contract_precision<fp32>, transpose_lhs_hint = false} : vector<600x21xf32>, vector<21x100xf32>, vector<600x100xf32> -> vector<600x100xf32>
    %slice3A_897 = vector.extract_strided_slice %concatenate3A_884 {offsets = [1, 0], sizes = [600, 21], strides = [1, 1]} : vector<602x21xf32> to vector<600x21xf32>
    %slice3A_898 = vector.extract_strided_slice %get3A_888 {offsets = [1, 0, 0], sizes = [1, 21, 100], strides = [1, 1, 1]} : vector<3x21x100xf32> to vector<1x21x100xf32>
    %squeeze3A_899 = vector.shape_cast %slice3A_898 : vector<1x21x100xf32> to vector<21x100xf32>
    %dot_general3A_900 = arith.constant dense<0.000000e+00> : vector<600x100xf32>
    %dot_general3A_901 = tpu.matmul %slice3A_897, %squeeze3A_899, %dot_general3A_900 {dimension_numbers = #tpu.dot_dimension_numbers<[1], [0], [0], [1], [0, 0, 1, 1], [], []>, precision = #tpu.contract_precision<fp32>, transpose_lhs_hint = false} : vector<600x21xf32>, vector<21x100xf32>, vector<600x100xf32> -> vector<600x100xf32>
    %add3A_902 = arith.addf %dot_general3A_896, %dot_general3A_901 : vector<600x100xf32>
    %slice3A_903 = vector.extract_strided_slice %concatenate3A_884 {offsets = [2, 0], sizes = [600, 21], strides = [1, 1]} : vector<602x21xf32> to vector<600x21xf32>
    %slice3A_904 = vector.extract_strided_slice %get3A_888 {offsets = [2, 0, 0], sizes = [1, 21, 100], strides = [1, 1, 1]} : vector<3x21x100xf32> to vector<1x21x100xf32>
    %squeeze3A_905 = vector.shape_cast %slice3A_904 : vector<1x21x100xf32> to vector<21x100xf32>
    %dot_general3A_906 = arith.constant dense<0.000000e+00> : vector<600x100xf32>
    %dot_general3A_907 = tpu.matmul %slice3A_903, %squeeze3A_905, %dot_general3A_906 {dimension_numbers = #tpu.dot_dimension_numbers<[1], [0], [0], [1], [0, 0, 1, 1], [], []>, precision = #tpu.contract_precision<fp32>, transpose_lhs_hint = false} : vector<600x21xf32>, vector<21x100xf32>, vector<600x100xf32> -> vector<600x100xf32>
    %add3A_908 = arith.addf %add3A_902, %dot_general3A_907 : vector<600x100xf32>
    %add3A_909 = vector.broadcast %get3A_891 : vector<1x100xf32> to vector<600x100xf32>
    %add3A_910 = arith.addf %add3A_908, %add3A_909 : vector<600x100xf32>
    %ge3A_911 = arith.constant 0.000000e+00 : f32
    %ge3A_912 = vector.broadcast %ge3A_911 : f32 to vector<600x100xf32>
    %ge3A_913 = arith.cmpf oge, %add3A_910, %ge3A_912 : vector<600x100xf32>
    %mul3A_914 = arith.constant 0.00999999977 : f32
    %mul3A_915 = vector.broadcast %mul3A_914 : f32 to vector<600x100xf32>
    %mul3A_916 = arith.mulf %mul3A_915, %add3A_910 : vector<600x100xf32>
    %select_n3A_917 = arith.select %ge3A_913, %add3A_910, %mul3A_916 : vector<600x100xi1>, vector<600x100xf32>
    %reshape3A_918 = vector.shape_cast %select_n3A_917 : vector<600x100xf32> to vector<200x3x100xf32>
    %reduce_max3A_919 = arith.constant dense<0xFF800000> : vector<200x100xf32>
    %reduce_max3A_920 = vector.multi_reduction <maximumf>, %reshape3A_918, %reduce_max3A_919 [1] : vector<200x3x100xf32> to vector<200x100xf32>
    %broadcast_in_dim3A_921 = arith.constant 0.000000e+00 : f32
    %broadcast_in_dim3A_922 = vector.broadcast %broadcast_in_dim3A_921 : f32 to vector<1x100xf32>
    %concatenate3A_923 = tpu.concatenate %broadcast_in_dim3A_922, %reduce_max3A_920, %broadcast_in_dim3A_922 in 0 : vector<1x100xf32>, vector<200x100xf32>, vector<1x100xf32> -> vector<202x100xf32>
    %get3A_924 = arith.constant 0 : index
    %get3A_925 = arith.constant 0 : index
    %get3A_926 = arith.constant 0 : index
    %get3A_927 = vector.load %arg4[%get3A_924, %get3A_925, %get3A_926] : memref<3x100x100xf32, #tpu.memory_space<vmem>>, vector<3x100x100xf32>
    %get3A_928 = arith.constant 0 : index
    %get3A_929 = arith.constant 0 : index
    %get3A_930 = vector.load %arg5[%get3A_928, %get3A_929] : memref<1x100xf32, #tpu.memory_space<vmem>>, vector<1x100xf32>
    %slice3A_931 = vector.extract_strided_slice %concatenate3A_923 {offsets = [0, 0], sizes = [200, 100], strides = [1, 1]} : vector<202x100xf32> to vector<200x100xf32>
    %slice3A_932 = vector.extract_strided_slice %get3A_927 {offsets = [0, 0, 0], sizes = [1, 100, 100], strides = [1, 1, 1]} : vector<3x100x100xf32> to vector<1x100x100xf32>
    %squeeze3A_933 = vector.shape_cast %slice3A_932 : vector<1x100x100xf32> to vector<100x100xf32>
    %dot_general3A_934 = arith.constant dense<0.000000e+00> : vector<200x100xf32>
    %dot_general3A_935 = tpu.matmul %slice3A_931, %squeeze3A_933, %dot_general3A_934 {dimension_numbers = #tpu.dot_dimension_numbers<[1], [0], [0], [1], [0, 0, 1, 1], [], []>, precision = #tpu.contract_precision<fp32>, transpose_lhs_hint = false} : vector<200x100xf32>, vector<100x100xf32>, vector<200x100xf32> -> vector<200x100xf32>
    %slice3A_936 = vector.extract_strided_slice %concatenate3A_923 {offsets = [1, 0], sizes = [200, 100], strides = [1, 1]} : vector<202x100xf32> to vector<200x100xf32>
    %slice3A_937 = vector.extract_strided_slice %get3A_927 {offsets = [1, 0, 0], sizes = [1, 100, 100], strides = [1, 1, 1]} : vector<3x100x100xf32> to vector<1x100x100xf32>
    %squeeze3A_938 = vector.shape_cast %slice3A_937 : vector<1x100x100xf32> to vector<100x100xf32>
    %dot_general3A_939 = arith.constant dense<0.000000e+00> : vector<200x100xf32>
    %dot_general3A_940 = tpu.matmul %slice3A_936, %squeeze3A_938, %dot_general3A_939 {dimension_numbers = #tpu.dot_dimension_numbers<[1], [0], [0], [1], [0, 0, 1, 1], [], []>, precision = #tpu.contract_precision<fp32>, transpose_lhs_hint = false} : vector<200x100xf32>, vector<100x100xf32>, vector<200x100xf32> -> vector<200x100xf32>
    %add3A_941 = arith.addf %dot_general3A_935, %dot_general3A_940 : vector<200x100xf32>
    %slice3A_942 = vector.extract_strided_slice %concatenate3A_923 {offsets = [2, 0], sizes = [200, 100], strides = [1, 1]} : vector<202x100xf32> to vector<200x100xf32>
    %slice3A_943 = vector.extract_strided_slice %get3A_927 {offsets = [2, 0, 0], sizes = [1, 100, 100], strides = [1, 1, 1]} : vector<3x100x100xf32> to vector<1x100x100xf32>
    %squeeze3A_944 = vector.shape_cast %slice3A_943 : vector<1x100x100xf32> to vector<100x100xf32>
    %dot_general3A_945 = arith.constant dense<0.000000e+00> : vector<200x100xf32>
    %dot_general3A_946 = tpu.matmul %slice3A_942, %squeeze3A_944, %dot_general3A_945 {dimension_numbers = #tpu.dot_dimension_numbers<[1], [0], [0], [1], [0, 0, 1, 1], [], []>, precision = #tpu.contract_precision<fp32>, transpose_lhs_hint = false} : vector<200x100xf32>, vector<100x100xf32>, vector<200x100xf32> -> vector<200x100xf32>
    %add3A_947 = arith.addf %add3A_941, %dot_general3A_946 : vector<200x100xf32>
    %add3A_948 = vector.broadcast %get3A_930 : vector<1x100xf32> to vector<200x100xf32>
    %add3A_949 = arith.addf %add3A_947, %add3A_948 : vector<200x100xf32>
    %ge3A_950 = arith.constant 0.000000e+00 : f32
    %ge3A_951 = vector.broadcast %ge3A_950 : f32 to vector<200x100xf32>
    %ge3A_952 = arith.cmpf oge, %add3A_949, %ge3A_951 : vector<200x100xf32>
    %mul3A_953 = arith.constant 0.00999999977 : f32
    %mul3A_954 = vector.broadcast %mul3A_953 : f32 to vector<200x100xf32>
    %mul3A_955 = arith.mulf %mul3A_954, %add3A_949 : vector<200x100xf32>
    %select_n3A_956 = arith.select %ge3A_952, %add3A_949, %mul3A_955 : vector<200x100xi1>, vector<200x100xf32>
    %broadcast_in_dim3A_957 = arith.constant 0xFF800000 : f32
    %broadcast_in_dim3A_958 = vector.broadcast %broadcast_in_dim3A_957 : f32 to vector<1x100xf32>
    %concatenate3A_959 = tpu.concatenate %broadcast_in_dim3A_958, %select_n3A_956, %broadcast_in_dim3A_958 in 0 : vector<1x100xf32>, vector<200x100xf32>, vector<1x100xf32> -> vector<202x100xf32>
    %slice3A_960 = vector.extract_strided_slice %concatenate3A_959 {offsets = [0, 0], sizes = [201, 100], strides = [1, 1]} : vector<202x100xf32> to vector<201x100xf32>
    %reshape3A_961 = vector.shape_cast %slice3A_960 : vector<201x100xf32> to vector<67x3x100xf32>
    %reduce_max3A_962 = arith.constant dense<0xFF800000> : vector<67x100xf32>
    %reduce_max3A_963 = vector.multi_reduction <maximumf>, %reshape3A_961, %reduce_max3A_962 [1] : vector<67x3x100xf32> to vector<67x100xf32>
    %broadcast_in_dim3A_964 = arith.constant 0.000000e+00 : f32
    %broadcast_in_dim3A_965 = vector.broadcast %broadcast_in_dim3A_964 : f32 to vector<1x100xf32>
    %concatenate3A_966 = tpu.concatenate %broadcast_in_dim3A_965, %reduce_max3A_963, %broadcast_in_dim3A_965 in 0 : vector<1x100xf32>, vector<67x100xf32>, vector<1x100xf32> -> vector<69x100xf32>
    %get3A_967 = arith.constant 0 : index
    %get3A_968 = arith.constant 0 : index
    %get3A_969 = arith.constant 0 : index
    %get3A_970 = vector.load %arg6[%get3A_967, %get3A_968, %get3A_969] : memref<3x100x100xf32, #tpu.memory_space<vmem>>, vector<3x100x100xf32>
    %get3A_971 = arith.constant 0 : index
    %get3A_972 = arith.constant 0 : index
    %get3A_973 = vector.load %arg7[%get3A_971, %get3A_972] : memref<1x100xf32, #tpu.memory_space<vmem>>, vector<1x100xf32>
    %slice3A_974 = vector.extract_strided_slice %concatenate3A_966 {offsets = [0, 0], sizes = [67, 100], strides = [1, 1]} : vector<69x100xf32> to vector<67x100xf32>
    %slice3A_975 = vector.extract_strided_slice %get3A_970 {offsets = [0, 0, 0], sizes = [1, 100, 100], strides = [1, 1, 1]} : vector<3x100x100xf32> to vector<1x100x100xf32>
    %squeeze3A_976 = vector.shape_cast %slice3A_975 : vector<1x100x100xf32> to vector<100x100xf32>
    %dot_general3A_977 = arith.constant dense<0.000000e+00> : vector<67x100xf32>
    %dot_general3A_978 = tpu.matmul %slice3A_974, %squeeze3A_976, %dot_general3A_977 {dimension_numbers = #tpu.dot_dimension_numbers<[1], [0], [0], [1], [0, 0, 1, 1], [], []>, precision = #tpu.contract_precision<fp32>, transpose_lhs_hint = false} : vector<67x100xf32>, vector<100x100xf32>, vector<67x100xf32> -> vector<67x100xf32>
    %slice3A_979 = vector.extract_strided_slice %concatenate3A_966 {offsets = [1, 0], sizes = [67, 100], strides = [1, 1]} : vector<69x100xf32> to vector<67x100xf32>
    %slice3A_980 = vector.extract_strided_slice %get3A_970 {offsets = [1, 0, 0], sizes = [1, 100, 100], strides = [1, 1, 1]} : vector<3x100x100xf32> to vector<1x100x100xf32>
    %squeeze3A_981 = vector.shape_cast %slice3A_980 : vector<1x100x100xf32> to vector<100x100xf32>
    %dot_general3A_982 = arith.constant dense<0.000000e+00> : vector<67x100xf32>
    %dot_general3A_983 = tpu.matmul %slice3A_979, %squeeze3A_981, %dot_general3A_982 {dimension_numbers = #tpu.dot_dimension_numbers<[1], [0], [0], [1], [0, 0, 1, 1], [], []>, precision = #tpu.contract_precision<fp32>, transpose_lhs_hint = false} : vector<67x100xf32>, vector<100x100xf32>, vector<67x100xf32> -> vector<67x100xf32>
    %add3A_984 = arith.addf %dot_general3A_978, %dot_general3A_983 : vector<67x100xf32>
    %slice3A_985 = vector.extract_strided_slice %concatenate3A_966 {offsets = [2, 0], sizes = [67, 100], strides = [1, 1]} : vector<69x100xf32> to vector<67x100xf32>
    %slice3A_986 = vector.extract_strided_slice %get3A_970 {offsets = [2, 0, 0], sizes = [1, 100, 100], strides = [1, 1, 1]} : vector<3x100x100xf32> to vector<1x100x100xf32>
    %squeeze3A_987 = vector.shape_cast %slice3A_986 : vector<1x100x100xf32> to vector<100x100xf32>
    %dot_general3A_988 = arith.constant dense<0.000000e+00> : vector<67x100xf32>
    %dot_general3A_989 = tpu.matmul %slice3A_985, %squeeze3A_987, %dot_general3A_988 {dimension_numbers = #tpu.dot_dimension_numbers<[1], [0], [0], [1], [0, 0, 1, 1], [], []>, precision = #tpu.contract_precision<fp32>, transpose_lhs_hint = false} : vector<67x100xf32>, vector<100x100xf32>, vector<67x100xf32> -> vector<67x100xf32>
    %add3A_990 = arith.addf %add3A_984, %dot_general3A_989 : vector<67x100xf32>
    %add3A_991 = vector.broadcast %get3A_973 : vector<1x100xf32> to vector<67x100xf32>
    %add3A_992 = arith.addf %add3A_990, %add3A_991 : vector<67x100xf32>
    %ge3A_993 = arith.constant 0.000000e+00 : f32
    %ge3A_994 = vector.broadcast %ge3A_993 : f32 to vector<67x100xf32>
    %ge3A_995 = arith.cmpf oge, %add3A_992, %ge3A_994 : vector<67x100xf32>
    %mul3A_996 = arith.constant 0.00999999977 : f32
    %mul3A_997 = vector.broadcast %mul3A_996 : f32 to vector<67x100xf32>
    %mul3A_998 = arith.mulf %mul3A_997, %add3A_992 : vector<67x100xf32>
    %select_n3A_999 = arith.select %ge3A_995, %add3A_992, %mul3A_998 : vector<67x100xi1>, vector<67x100xf32>
    %broadcast_in_dim3A_1000 = arith.constant 0xFF800000 : f32
    %broadcast_in_dim3A_1001 = vector.broadcast %broadcast_in_dim3A_1000 : f32 to vector<1x100xf32>
    %concatenate3A_1002 = tpu.concatenate %broadcast_in_dim3A_1001, %select_n3A_999, %broadcast_in_dim3A_1001 in 0 : vector<1x100xf32>, vector<67x100xf32>, vector<1x100xf32> -> vector<69x100xf32>
    %reshape3A_1003 = vector.shape_cast %concatenate3A_1002 : vector<69x100xf32> to vector<23x3x100xf32>
    %reduce_max3A_1004 = arith.constant dense<0xFF800000> : vector<23x100xf32>
    %reduce_max3A_1005 = vector.multi_reduction <maximumf>, %reshape3A_1003, %reduce_max3A_1004 [1] : vector<23x3x100xf32> to vector<23x100xf32>
    %broadcast_in_dim3A_1006 = arith.constant 0.000000e+00 : f32
    %broadcast_in_dim3A_1007 = vector.broadcast %broadcast_in_dim3A_1006 : f32 to vector<1x100xf32>
    %concatenate3A_1008 = tpu.concatenate %broadcast_in_dim3A_1007, %reduce_max3A_1005, %broadcast_in_dim3A_1007 in 0 : vector<1x100xf32>, vector<23x100xf32>, vector<1x100xf32> -> vector<25x100xf32>
    %get3A_1009 = arith.constant 0 : index
    %get3A_1010 = arith.constant 0 : index
    %get3A_1011 = arith.constant 0 : index
    %get3A_1012 = vector.load %arg8[%get3A_1009, %get3A_1010, %get3A_1011] : memref<3x100x100xf32, #tpu.memory_space<vmem>>, vector<3x100x100xf32>
    %get3A_1013 = arith.constant 0 : index
    %get3A_1014 = arith.constant 0 : index
    %get3A_1015 = vector.load %arg9[%get3A_1013, %get3A_1014] : memref<1x100xf32, #tpu.memory_space<vmem>>, vector<1x100xf32>
    %slice3A_1016 = vector.extract_strided_slice %concatenate3A_1008 {offsets = [0, 0], sizes = [23, 100], strides = [1, 1]} : vector<25x100xf32> to vector<23x100xf32>
    %slice3A_1017 = vector.extract_strided_slice %get3A_1012 {offsets = [0, 0, 0], sizes = [1, 100, 100], strides = [1, 1, 1]} : vector<3x100x100xf32> to vector<1x100x100xf32>
    %squeeze3A_1018 = vector.shape_cast %slice3A_1017 : vector<1x100x100xf32> to vector<100x100xf32>
    %dot_general3A_1019 = arith.constant dense<0.000000e+00> : vector<23x100xf32>
    %dot_general3A_1020 = tpu.matmul %slice3A_1016, %squeeze3A_1018, %dot_general3A_1019 {dimension_numbers = #tpu.dot_dimension_numbers<[1], [0], [0], [1], [0, 0, 1, 1], [], []>, precision = #tpu.contract_precision<fp32>, transpose_lhs_hint = false} : vector<23x100xf32>, vector<100x100xf32>, vector<23x100xf32> -> vector<23x100xf32>
    %slice3A_1021 = vector.extract_strided_slice %concatenate3A_1008 {offsets = [1, 0], sizes = [23, 100], strides = [1, 1]} : vector<25x100xf32> to vector<23x100xf32>
    %slice3A_1022 = vector.extract_strided_slice %get3A_1012 {offsets = [1, 0, 0], sizes = [1, 100, 100], strides = [1, 1, 1]} : vector<3x100x100xf32> to vector<1x100x100xf32>
    %squeeze3A_1023 = vector.shape_cast %slice3A_1022 : vector<1x100x100xf32> to vector<100x100xf32>
    %dot_general3A_1024 = arith.constant dense<0.000000e+00> : vector<23x100xf32>
    %dot_general3A_1025 = tpu.matmul %slice3A_1021, %squeeze3A_1023, %dot_general3A_1024 {dimension_numbers = #tpu.dot_dimension_numbers<[1], [0], [0], [1], [0, 0, 1, 1], [], []>, precision = #tpu.contract_precision<fp32>, transpose_lhs_hint = false} : vector<23x100xf32>, vector<100x100xf32>, vector<23x100xf32> -> vector<23x100xf32>
    %add3A_1026 = arith.addf %dot_general3A_1020, %dot_general3A_1025 : vector<23x100xf32>
    %slice3A_1027 = vector.extract_strided_slice %concatenate3A_1008 {offsets = [2, 0], sizes = [23, 100], strides = [1, 1]} : vector<25x100xf32> to vector<23x100xf32>
    %slice3A_1028 = vector.extract_strided_slice %get3A_1012 {offsets = [2, 0, 0], sizes = [1, 100, 100], strides = [1, 1, 1]} : vector<3x100x100xf32> to vector<1x100x100xf32>
    %squeeze3A_1029 = vector.shape_cast %slice3A_1028 : vector<1x100x100xf32> to vector<100x100xf32>
    %dot_general3A_1030 = arith.constant dense<0.000000e+00> : vector<23x100xf32>
    %dot_general3A_1031 = tpu.matmul %slice3A_1027, %squeeze3A_1029, %dot_general3A_1030 {dimension_numbers = #tpu.dot_dimension_numbers<[1], [0], [0], [1], [0, 0, 1, 1], [], []>, precision = #tpu.contract_precision<fp32>, transpose_lhs_hint = false} : vector<23x100xf32>, vector<100x100xf32>, vector<23x100xf32> -> vector<23x100xf32>
    %add3A_1032 = arith.addf %add3A_1026, %dot_general3A_1031 : vector<23x100xf32>
    %add3A_1033 = vector.broadcast %get3A_1015 : vector<1x100xf32> to vector<23x100xf32>
    %add3A_1034 = arith.addf %add3A_1032, %add3A_1033 : vector<23x100xf32>
    %ge3A_1035 = arith.constant 0.000000e+00 : f32
    %ge3A_1036 = vector.broadcast %ge3A_1035 : f32 to vector<23x100xf32>
    %ge3A_1037 = arith.cmpf oge, %add3A_1034, %ge3A_1036 : vector<23x100xf32>
    %mul3A_1038 = arith.constant 0.00999999977 : f32
    %mul3A_1039 = vector.broadcast %mul3A_1038 : f32 to vector<23x100xf32>
    %mul3A_1040 = arith.mulf %mul3A_1039, %add3A_1034 : vector<23x100xf32>
    %select_n3A_1041 = arith.select %ge3A_1037, %add3A_1034, %mul3A_1040 : vector<23x100xi1>, vector<23x100xf32>
    %broadcast_in_dim3A_1042 = arith.constant 0xFF800000 : f32
    %broadcast_in_dim3A_1043 = vector.broadcast %broadcast_in_dim3A_1042 : f32 to vector<1x100xf32>
    %concatenate3A_1044 = tpu.concatenate %broadcast_in_dim3A_1043, %select_n3A_1041, %broadcast_in_dim3A_1043 in 0 : vector<1x100xf32>, vector<23x100xf32>, vector<1x100xf32> -> vector<25x100xf32>
    %slice3A_1045 = vector.extract_strided_slice %concatenate3A_1044 {offsets = [0, 0], sizes = [24, 100], strides = [1, 1]} : vector<25x100xf32> to vector<24x100xf32>
    %reshape3A_1046 = vector.shape_cast %slice3A_1045 : vector<24x100xf32> to vector<8x3x100xf32>
    %reduce_max3A_1047 = arith.constant dense<0xFF800000> : vector<8x100xf32>
    %reduce_max3A_1048 = vector.multi_reduction <maximumf>, %reshape3A_1046, %reduce_max3A_1047 [1] : vector<8x3x100xf32> to vector<8x100xf32>
    %swap3A_1049 = arith.constant 5 : index
    %swap3A_1050 = arith.constant 0 : index
    %swap3A_1051 = arith.constant 0 : index
    %swap3A_1052 = vector.load %arg10[%swap3A_1049, %swap3A_1050, %swap3A_1051] : memref<8x8x100xf32, #tpu.memory_space<vmem>>, vector<1x8x100xf32>
    %swap3A_1053 = vector.shape_cast %swap3A_1052 : vector<1x8x100xf32> to vector<8x100xf32>
    %swap3A_1054 = vector.shape_cast %reduce_max3A_1048 : vector<8x100xf32> to vector<1x8x100xf32>
    tpu.vector_store %arg10[%swap3A_1049, %swap3A_1050, %swap3A_1051], %swap3A_1054 {strides = array<i32>} : memref<8x8x100xf32, #tpu.memory_space<vmem>>, vector<1x8x100xf32>,
    %get3A_1055 = arith.constant 6 : index
    %get3A_1056 = arith.constant 0 : index
    %get3A_1057 = arith.constant 0 : index
    %get3A_1058 = vector.load %arg1[%get3A_1055, %get3A_1056, %get3A_1057] : memref<8x600x21xf32, #tpu.memory_space<vmem>>, vector<1x600x21xf32>
    %get3A_1059 = vector.shape_cast %get3A_1058 : vector<1x600x21xf32> to vector<600x21xf32>
    %broadcast_in_dim3A_1060 = arith.constant 0.000000e+00 : f32
    %broadcast_in_dim3A_1061 = vector.broadcast %broadcast_in_dim3A_1060 : f32 to vector<1x21xf32>
    %concatenate3A_1062 = tpu.concatenate %broadcast_in_dim3A_1061, %get3A_1059, %broadcast_in_dim3A_1061 in 0 : vector<1x21xf32>, vector<600x21xf32>, vector<1x21xf32> -> vector<602x21xf32>
    %get3A_1063 = arith.constant 0 : index
    %get3A_1064 = arith.constant 0 : index
    %get3A_1065 = arith.constant 0 : index
    %get3A_1066 = vector.load %arg2[%get3A_1063, %get3A_1064, %get3A_1065] : memref<3x21x100xf32, #tpu.memory_space<vmem>>, vector<3x21x100xf32>
    %get3A_1067 = arith.constant 0 : index
    %get3A_1068 = arith.constant 0 : index
    %get3A_1069 = vector.load %arg3[%get3A_1067, %get3A_1068] : memref<1x100xf32, #tpu.memory_space<vmem>>, vector<1x100xf32>
    %slice3A_1070 = vector.extract_strided_slice %concatenate3A_1062 {offsets = [0, 0], sizes = [600, 21], strides = [1, 1]} : vector<602x21xf32> to vector<600x21xf32>
    %slice3A_1071 = vector.extract_strided_slice %get3A_1066 {offsets = [0, 0, 0], sizes = [1, 21, 100], strides = [1, 1, 1]} : vector<3x21x100xf32> to vector<1x21x100xf32>
    %squeeze3A_1072 = vector.shape_cast %slice3A_1071 : vector<1x21x100xf32> to vector<21x100xf32>
    %dot_general3A_1073 = arith.constant dense<0.000000e+00> : vector<600x100xf32>
    %dot_general3A_1074 = tpu.matmul %slice3A_1070, %squeeze3A_1072, %dot_general3A_1073 {dimension_numbers = #tpu.dot_dimension_numbers<[1], [0], [0], [1], [0, 0, 1, 1], [], []>, precision = #tpu.contract_precision<fp32>, transpose_lhs_hint = false} : vector<600x21xf32>, vector<21x100xf32>, vector<600x100xf32> -> vector<600x100xf32>
    %slice3A_1075 = vector.extract_strided_slice %concatenate3A_1062 {offsets = [1, 0], sizes = [600, 21], strides = [1, 1]} : vector<602x21xf32> to vector<600x21xf32>
    %slice3A_1076 = vector.extract_strided_slice %get3A_1066 {offsets = [1, 0, 0], sizes = [1, 21, 100], strides = [1, 1, 1]} : vector<3x21x100xf32> to vector<1x21x100xf32>
    %squeeze3A_1077 = vector.shape_cast %slice3A_1076 : vector<1x21x100xf32> to vector<21x100xf32>
    %dot_general3A_1078 = arith.constant dense<0.000000e+00> : vector<600x100xf32>
    %dot_general3A_1079 = tpu.matmul %slice3A_1075, %squeeze3A_1077, %dot_general3A_1078 {dimension_numbers = #tpu.dot_dimension_numbers<[1], [0], [0], [1], [0, 0, 1, 1], [], []>, precision = #tpu.contract_precision<fp32>, transpose_lhs_hint = false} : vector<600x21xf32>, vector<21x100xf32>, vector<600x100xf32> -> vector<600x100xf32>
    %add3A_1080 = arith.addf %dot_general3A_1074, %dot_general3A_1079 : vector<600x100xf32>
    %slice3A_1081 = vector.extract_strided_slice %concatenate3A_1062 {offsets = [2, 0], sizes = [600, 21], strides = [1, 1]} : vector<602x21xf32> to vector<600x21xf32>
    %slice3A_1082 = vector.extract_strided_slice %get3A_1066 {offsets = [2, 0, 0], sizes = [1, 21, 100], strides = [1, 1, 1]} : vector<3x21x100xf32> to vector<1x21x100xf32>
    %squeeze3A_1083 = vector.shape_cast %slice3A_1082 : vector<1x21x100xf32> to vector<21x100xf32>
    %dot_general3A_1084 = arith.constant dense<0.000000e+00> : vector<600x100xf32>
    %dot_general3A_1085 = tpu.matmul %slice3A_1081, %squeeze3A_1083, %dot_general3A_1084 {dimension_numbers = #tpu.dot_dimension_numbers<[1], [0], [0], [1], [0, 0, 1, 1], [], []>, precision = #tpu.contract_precision<fp32>, transpose_lhs_hint = false} : vector<600x21xf32>, vector<21x100xf32>, vector<600x100xf32> -> vector<600x100xf32>
    %add3A_1086 = arith.addf %add3A_1080, %dot_general3A_1085 : vector<600x100xf32>
    %add3A_1087 = vector.broadcast %get3A_1069 : vector<1x100xf32> to vector<600x100xf32>
    %add3A_1088 = arith.addf %add3A_1086, %add3A_1087 : vector<600x100xf32>
    %ge3A_1089 = arith.constant 0.000000e+00 : f32
    %ge3A_1090 = vector.broadcast %ge3A_1089 : f32 to vector<600x100xf32>
    %ge3A_1091 = arith.cmpf oge, %add3A_1088, %ge3A_1090 : vector<600x100xf32>
    %mul3A_1092 = arith.constant 0.00999999977 : f32
    %mul3A_1093 = vector.broadcast %mul3A_1092 : f32 to vector<600x100xf32>
    %mul3A_1094 = arith.mulf %mul3A_1093, %add3A_1088 : vector<600x100xf32>
    %select_n3A_1095 = arith.select %ge3A_1091, %add3A_1088, %mul3A_1094 : vector<600x100xi1>, vector<600x100xf32>
    %reshape3A_1096 = vector.shape_cast %select_n3A_1095 : vector<600x100xf32> to vector<200x3x100xf32>
    %reduce_max3A_1097 = arith.constant dense<0xFF800000> : vector<200x100xf32>
    %reduce_max3A_1098 = vector.multi_reduction <maximumf>, %reshape3A_1096, %reduce_max3A_1097 [1] : vector<200x3x100xf32> to vector<200x100xf32>
    %broadcast_in_dim3A_1099 = arith.constant 0.000000e+00 : f32
    %broadcast_in_dim3A_1100 = vector.broadcast %broadcast_in_dim3A_1099 : f32 to vector<1x100xf32>
    %concatenate3A_1101 = tpu.concatenate %broadcast_in_dim3A_1100, %reduce_max3A_1098, %broadcast_in_dim3A_1100 in 0 : vector<1x100xf32>, vector<200x100xf32>, vector<1x100xf32> -> vector<202x100xf32>
    %get3A_1102 = arith.constant 0 : index
    %get3A_1103 = arith.constant 0 : index
    %get3A_1104 = arith.constant 0 : index
    %get3A_1105 = vector.load %arg4[%get3A_1102, %get3A_1103, %get3A_1104] : memref<3x100x100xf32, #tpu.memory_space<vmem>>, vector<3x100x100xf32>
    %get3A_1106 = arith.constant 0 : index
    %get3A_1107 = arith.constant 0 : index
    %get3A_1108 = vector.load %arg5[%get3A_1106, %get3A_1107] : memref<1x100xf32, #tpu.memory_space<vmem>>, vector<1x100xf32>
    %slice3A_1109 = vector.extract_strided_slice %concatenate3A_1101 {offsets = [0, 0], sizes = [200, 100], strides = [1, 1]} : vector<202x100xf32> to vector<200x100xf32>
    %slice3A_1110 = vector.extract_strided_slice %get3A_1105 {offsets = [0, 0, 0], sizes = [1, 100, 100], strides = [1, 1, 1]} : vector<3x100x100xf32> to vector<1x100x100xf32>
    %squeeze3A_1111 = vector.shape_cast %slice3A_1110 : vector<1x100x100xf32> to vector<100x100xf32>
    %dot_general3A_1112 = arith.constant dense<0.000000e+00> : vector<200x100xf32>
    %dot_general3A_1113 = tpu.matmul %slice3A_1109, %squeeze3A_1111, %dot_general3A_1112 {dimension_numbers = #tpu.dot_dimension_numbers<[1], [0], [0], [1], [0, 0, 1, 1], [], []>, precision = #tpu.contract_precision<fp32>, transpose_lhs_hint = false} : vector<200x100xf32>, vector<100x100xf32>, vector<200x100xf32> -> vector<200x100xf32>
    %slice3A_1114 = vector.extract_strided_slice %concatenate3A_1101 {offsets = [1, 0], sizes = [200, 100], strides = [1, 1]} : vector<202x100xf32> to vector<200x100xf32>
    %slice3A_1115 = vector.extract_strided_slice %get3A_1105 {offsets = [1, 0, 0], sizes = [1, 100, 100], strides = [1, 1, 1]} : vector<3x100x100xf32> to vector<1x100x100xf32>
    %squeeze3A_1116 = vector.shape_cast %slice3A_1115 : vector<1x100x100xf32> to vector<100x100xf32>
    %dot_general3A_1117 = arith.constant dense<0.000000e+00> : vector<200x100xf32>
    %dot_general3A_1118 = tpu.matmul %slice3A_1114, %squeeze3A_1116, %dot_general3A_1117 {dimension_numbers = #tpu.dot_dimension_numbers<[1], [0], [0], [1], [0, 0, 1, 1], [], []>, precision = #tpu.contract_precision<fp32>, transpose_lhs_hint = false} : vector<200x100xf32>, vector<100x100xf32>, vector<200x100xf32> -> vector<200x100xf32>
    %add3A_1119 = arith.addf %dot_general3A_1113, %dot_general3A_1118 : vector<200x100xf32>
    %slice3A_1120 = vector.extract_strided_slice %concatenate3A_1101 {offsets = [2, 0], sizes = [200, 100], strides = [1, 1]} : vector<202x100xf32> to vector<200x100xf32>
    %slice3A_1121 = vector.extract_strided_slice %get3A_1105 {offsets = [2, 0, 0], sizes = [1, 100, 100], strides = [1, 1, 1]} : vector<3x100x100xf32> to vector<1x100x100xf32>
    %squeeze3A_1122 = vector.shape_cast %slice3A_1121 : vector<1x100x100xf32> to vector<100x100xf32>
    %dot_general3A_1123 = arith.constant dense<0.000000e+00> : vector<200x100xf32>
    %dot_general3A_1124 = tpu.matmul %slice3A_1120, %squeeze3A_1122, %dot_general3A_1123 {dimension_numbers = #tpu.dot_dimension_numbers<[1], [0], [0], [1], [0, 0, 1, 1], [], []>, precision = #tpu.contract_precision<fp32>, transpose_lhs_hint = false} : vector<200x100xf32>, vector<100x100xf32>, vector<200x100xf32> -> vector<200x100xf32>
    %add3A_1125 = arith.addf %add3A_1119, %dot_general3A_1124 : vector<200x100xf32>
    %add3A_1126 = vector.broadcast %get3A_1108 : vector<1x100xf32> to vector<200x100xf32>
    %add3A_1127 = arith.addf %add3A_1125, %add3A_1126 : vector<200x100xf32>
    %ge3A_1128 = arith.constant 0.000000e+00 : f32
    %ge3A_1129 = vector.broadcast %ge3A_1128 : f32 to vector<200x100xf32>
    %ge3A_1130 = arith.cmpf oge, %add3A_1127, %ge3A_1129 : vector<200x100xf32>
    %mul3A_1131 = arith.constant 0.00999999977 : f32
    %mul3A_1132 = vector.broadcast %mul3A_1131 : f32 to vector<200x100xf32>
    %mul3A_1133 = arith.mulf %mul3A_1132, %add3A_1127 : vector<200x100xf32>
    %select_n3A_1134 = arith.select %ge3A_1130, %add3A_1127, %mul3A_1133 : vector<200x100xi1>, vector<200x100xf32>
    %broadcast_in_dim3A_1135 = arith.constant 0xFF800000 : f32
    %broadcast_in_dim3A_1136 = vector.broadcast %broadcast_in_dim3A_1135 : f32 to vector<1x100xf32>
    %concatenate3A_1137 = tpu.concatenate %broadcast_in_dim3A_1136, %select_n3A_1134, %broadcast_in_dim3A_1136 in 0 : vector<1x100xf32>, vector<200x100xf32>, vector<1x100xf32> -> vector<202x100xf32>
    %slice3A_1138 = vector.extract_strided_slice %concatenate3A_1137 {offsets = [0, 0], sizes = [201, 100], strides = [1, 1]} : vector<202x100xf32> to vector<201x100xf32>
    %reshape3A_1139 = vector.shape_cast %slice3A_1138 : vector<201x100xf32> to vector<67x3x100xf32>
    %reduce_max3A_1140 = arith.constant dense<0xFF800000> : vector<67x100xf32>
    %reduce_max3A_1141 = vector.multi_reduction <maximumf>, %reshape3A_1139, %reduce_max3A_1140 [1] : vector<67x3x100xf32> to vector<67x100xf32>
    %broadcast_in_dim3A_1142 = arith.constant 0.000000e+00 : f32
    %broadcast_in_dim3A_1143 = vector.broadcast %broadcast_in_dim3A_1142 : f32 to vector<1x100xf32>
    %concatenate3A_1144 = tpu.concatenate %broadcast_in_dim3A_1143, %reduce_max3A_1141, %broadcast_in_dim3A_1143 in 0 : vector<1x100xf32>, vector<67x100xf32>, vector<1x100xf32> -> vector<69x100xf32>
    %get3A_1145 = arith.constant 0 : index
    %get3A_1146 = arith.constant 0 : index
    %get3A_1147 = arith.constant 0 : index
    %get3A_1148 = vector.load %arg6[%get3A_1145, %get3A_1146, %get3A_1147] : memref<3x100x100xf32, #tpu.memory_space<vmem>>, vector<3x100x100xf32>
    %get3A_1149 = arith.constant 0 : index
    %get3A_1150 = arith.constant 0 : index
    %get3A_1151 = vector.load %arg7[%get3A_1149, %get3A_1150] : memref<1x100xf32, #tpu.memory_space<vmem>>, vector<1x100xf32>
    %slice3A_1152 = vector.extract_strided_slice %concatenate3A_1144 {offsets = [0, 0], sizes = [67, 100], strides = [1, 1]} : vector<69x100xf32> to vector<67x100xf32>
    %slice3A_1153 = vector.extract_strided_slice %get3A_1148 {offsets = [0, 0, 0], sizes = [1, 100, 100], strides = [1, 1, 1]} : vector<3x100x100xf32> to vector<1x100x100xf32>
    %squeeze3A_1154 = vector.shape_cast %slice3A_1153 : vector<1x100x100xf32> to vector<100x100xf32>
    %dot_general3A_1155 = arith.constant dense<0.000000e+00> : vector<67x100xf32>
    %dot_general3A_1156 = tpu.matmul %slice3A_1152, %squeeze3A_1154, %dot_general3A_1155 {dimension_numbers = #tpu.dot_dimension_numbers<[1], [0], [0], [1], [0, 0, 1, 1], [], []>, precision = #tpu.contract_precision<fp32>, transpose_lhs_hint = false} : vector<67x100xf32>, vector<100x100xf32>, vector<67x100xf32> -> vector<67x100xf32>
    %slice3A_1157 = vector.extract_strided_slice %concatenate3A_1144 {offsets = [1, 0], sizes = [67, 100], strides = [1, 1]} : vector<69x100xf32> to vector<67x100xf32>
    %slice3A_1158 = vector.extract_strided_slice %get3A_1148 {offsets = [1, 0, 0], sizes = [1, 100, 100], strides = [1, 1, 1]} : vector<3x100x100xf32> to vector<1x100x100xf32>
    %squeeze3A_1159 = vector.shape_cast %slice3A_1158 : vector<1x100x100xf32> to vector<100x100xf32>
    %dot_general3A_1160 = arith.constant dense<0.000000e+00> : vector<67x100xf32>
    %dot_general3A_1161 = tpu.matmul %slice3A_1157, %squeeze3A_1159, %dot_general3A_1160 {dimension_numbers = #tpu.dot_dimension_numbers<[1], [0], [0], [1], [0, 0, 1, 1], [], []>, precision = #tpu.contract_precision<fp32>, transpose_lhs_hint = false} : vector<67x100xf32>, vector<100x100xf32>, vector<67x100xf32> -> vector<67x100xf32>
    %add3A_1162 = arith.addf %dot_general3A_1156, %dot_general3A_1161 : vector<67x100xf32>
    %slice3A_1163 = vector.extract_strided_slice %concatenate3A_1144 {offsets = [2, 0], sizes = [67, 100], strides = [1, 1]} : vector<69x100xf32> to vector<67x100xf32>
    %slice3A_1164 = vector.extract_strided_slice %get3A_1148 {offsets = [2, 0, 0], sizes = [1, 100, 100], strides = [1, 1, 1]} : vector<3x100x100xf32> to vector<1x100x100xf32>
    %squeeze3A_1165 = vector.shape_cast %slice3A_1164 : vector<1x100x100xf32> to vector<100x100xf32>
    %dot_general3A_1166 = arith.constant dense<0.000000e+00> : vector<67x100xf32>
    %dot_general3A_1167 = tpu.matmul %slice3A_1163, %squeeze3A_1165, %dot_general3A_1166 {dimension_numbers = #tpu.dot_dimension_numbers<[1], [0], [0], [1], [0, 0, 1, 1], [], []>, precision = #tpu.contract_precision<fp32>, transpose_lhs_hint = false} : vector<67x100xf32>, vector<100x100xf32>, vector<67x100xf32> -> vector<67x100xf32>
    %add3A_1168 = arith.addf %add3A_1162, %dot_general3A_1167 : vector<67x100xf32>
    %add3A_1169 = vector.broadcast %get3A_1151 : vector<1x100xf32> to vector<67x100xf32>
    %add3A_1170 = arith.addf %add3A_1168, %add3A_1169 : vector<67x100xf32>
    %ge3A_1171 = arith.constant 0.000000e+00 : f32
    %ge3A_1172 = vector.broadcast %ge3A_1171 : f32 to vector<67x100xf32>
    %ge3A_1173 = arith.cmpf oge, %add3A_1170, %ge3A_1172 : vector<67x100xf32>
    %mul3A_1174 = arith.constant 0.00999999977 : f32
    %mul3A_1175 = vector.broadcast %mul3A_1174 : f32 to vector<67x100xf32>
    %mul3A_1176 = arith.mulf %mul3A_1175, %add3A_1170 : vector<67x100xf32>
    %select_n3A_1177 = arith.select %ge3A_1173, %add3A_1170, %mul3A_1176 : vector<67x100xi1>, vector<67x100xf32>
    %broadcast_in_dim3A_1178 = arith.constant 0xFF800000 : f32
    %broadcast_in_dim3A_1179 = vector.broadcast %broadcast_in_dim3A_1178 : f32 to vector<1x100xf32>
    %concatenate3A_1180 = tpu.concatenate %broadcast_in_dim3A_1179, %select_n3A_1177, %broadcast_in_dim3A_1179 in 0 : vector<1x100xf32>, vector<67x100xf32>, vector<1x100xf32> -> vector<69x100xf32>
    %reshape3A_1181 = vector.shape_cast %concatenate3A_1180 : vector<69x100xf32> to vector<23x3x100xf32>
    %reduce_max3A_1182 = arith.constant dense<0xFF800000> : vector<23x100xf32>
    %reduce_max3A_1183 = vector.multi_reduction <maximumf>, %reshape3A_1181, %reduce_max3A_1182 [1] : vector<23x3x100xf32> to vector<23x100xf32>
    %broadcast_in_dim3A_1184 = arith.constant 0.000000e+00 : f32
    %broadcast_in_dim3A_1185 = vector.broadcast %broadcast_in_dim3A_1184 : f32 to vector<1x100xf32>
    %concatenate3A_1186 = tpu.concatenate %broadcast_in_dim3A_1185, %reduce_max3A_1183, %broadcast_in_dim3A_1185 in 0 : vector<1x100xf32>, vector<23x100xf32>, vector<1x100xf32> -> vector<25x100xf32>
    %get3A_1187 = arith.constant 0 : index
    %get3A_1188 = arith.constant 0 : index
    %get3A_1189 = arith.constant 0 : index
    %get3A_1190 = vector.load %arg8[%get3A_1187, %get3A_1188, %get3A_1189] : memref<3x100x100xf32, #tpu.memory_space<vmem>>, vector<3x100x100xf32>
    %get3A_1191 = arith.constant 0 : index
    %get3A_1192 = arith.constant 0 : index
    %get3A_1193 = vector.load %arg9[%get3A_1191, %get3A_1192] : memref<1x100xf32, #tpu.memory_space<vmem>>, vector<1x100xf32>
    %slice3A_1194 = vector.extract_strided_slice %concatenate3A_1186 {offsets = [0, 0], sizes = [23, 100], strides = [1, 1]} : vector<25x100xf32> to vector<23x100xf32>
    %slice3A_1195 = vector.extract_strided_slice %get3A_1190 {offsets = [0, 0, 0], sizes = [1, 100, 100], strides = [1, 1, 1]} : vector<3x100x100xf32> to vector<1x100x100xf32>
    %squeeze3A_1196 = vector.shape_cast %slice3A_1195 : vector<1x100x100xf32> to vector<100x100xf32>
    %dot_general3A_1197 = arith.constant dense<0.000000e+00> : vector<23x100xf32>
    %dot_general3A_1198 = tpu.matmul %slice3A_1194, %squeeze3A_1196, %dot_general3A_1197 {dimension_numbers = #tpu.dot_dimension_numbers<[1], [0], [0], [1], [0, 0, 1, 1], [], []>, precision = #tpu.contract_precision<fp32>, transpose_lhs_hint = false} : vector<23x100xf32>, vector<100x100xf32>, vector<23x100xf32> -> vector<23x100xf32>
    %slice3A_1199 = vector.extract_strided_slice %concatenate3A_1186 {offsets = [1, 0], sizes = [23, 100], strides = [1, 1]} : vector<25x100xf32> to vector<23x100xf32>
    %slice3A_1200 = vector.extract_strided_slice %get3A_1190 {offsets = [1, 0, 0], sizes = [1, 100, 100], strides = [1, 1, 1]} : vector<3x100x100xf32> to vector<1x100x100xf32>
    %squeeze3A_1201 = vector.shape_cast %slice3A_1200 : vector<1x100x100xf32> to vector<100x100xf32>
    %dot_general3A_1202 = arith.constant dense<0.000000e+00> : vector<23x100xf32>
    %dot_general3A_1203 = tpu.matmul %slice3A_1199, %squeeze3A_1201, %dot_general3A_1202 {dimension_numbers = #tpu.dot_dimension_numbers<[1], [0], [0], [1], [0, 0, 1, 1], [], []>, precision = #tpu.contract_precision<fp32>, transpose_lhs_hint = false} : vector<23x100xf32>, vector<100x100xf32>, vector<23x100xf32> -> vector<23x100xf32>
    %add3A_1204 = arith.addf %dot_general3A_1198, %dot_general3A_1203 : vector<23x100xf32>
    %slice3A_1205 = vector.extract_strided_slice %concatenate3A_1186 {offsets = [2, 0], sizes = [23, 100], strides = [1, 1]} : vector<25x100xf32> to vector<23x100xf32>
    %slice3A_1206 = vector.extract_strided_slice %get3A_1190 {offsets = [2, 0, 0], sizes = [1, 100, 100], strides = [1, 1, 1]} : vector<3x100x100xf32> to vector<1x100x100xf32>
    %squeeze3A_1207 = vector.shape_cast %slice3A_1206 : vector<1x100x100xf32> to vector<100x100xf32>
    %dot_general3A_1208 = arith.constant dense<0.000000e+00> : vector<23x100xf32>
    %dot_general3A_1209 = tpu.matmul %slice3A_1205, %squeeze3A_1207, %dot_general3A_1208 {dimension_numbers = #tpu.dot_dimension_numbers<[1], [0], [0], [1], [0, 0, 1, 1], [], []>, precision = #tpu.contract_precision<fp32>, transpose_lhs_hint = false} : vector<23x100xf32>, vector<100x100xf32>, vector<23x100xf32> -> vector<23x100xf32>
    %add3A_1210 = arith.addf %add3A_1204, %dot_general3A_1209 : vector<23x100xf32>
    %add3A_1211 = vector.broadcast %get3A_1193 : vector<1x100xf32> to vector<23x100xf32>
    %add3A_1212 = arith.addf %add3A_1210, %add3A_1211 : vector<23x100xf32>
    %ge3A_1213 = arith.constant 0.000000e+00 : f32
    %ge3A_1214 = vector.broadcast %ge3A_1213 : f32 to vector<23x100xf32>
    %ge3A_1215 = arith.cmpf oge, %add3A_1212, %ge3A_1214 : vector<23x100xf32>
    %mul3A_1216 = arith.constant 0.00999999977 : f32
    %mul3A_1217 = vector.broadcast %mul3A_1216 : f32 to vector<23x100xf32>
    %mul3A_1218 = arith.mulf %mul3A_1217, %add3A_1212 : vector<23x100xf32>
    %select_n3A_1219 = arith.select %ge3A_1215, %add3A_1212, %mul3A_1218 : vector<23x100xi1>, vector<23x100xf32>
    %broadcast_in_dim3A_1220 = arith.constant 0xFF800000 : f32
    %broadcast_in_dim3A_1221 = vector.broadcast %broadcast_in_dim3A_1220 : f32 to vector<1x100xf32>
    %concatenate3A_1222 = tpu.concatenate %broadcast_in_dim3A_1221, %select_n3A_1219, %broadcast_in_dim3A_1221 in 0 : vector<1x100xf32>, vector<23x100xf32>, vector<1x100xf32> -> vector<25x100xf32>
    %slice3A_1223 = vector.extract_strided_slice %concatenate3A_1222 {offsets = [0, 0], sizes = [24, 100], strides = [1, 1]} : vector<25x100xf32> to vector<24x100xf32>
    %reshape3A_1224 = vector.shape_cast %slice3A_1223 : vector<24x100xf32> to vector<8x3x100xf32>
    %reduce_max3A_1225 = arith.constant dense<0xFF800000> : vector<8x100xf32>
    %reduce_max3A_1226 = vector.multi_reduction <maximumf>, %reshape3A_1224, %reduce_max3A_1225 [1] : vector<8x3x100xf32> to vector<8x100xf32>
    %swap3A_1227 = arith.constant 6 : index
    %swap3A_1228 = arith.constant 0 : index
    %swap3A_1229 = arith.constant 0 : index
    %swap3A_1230 = vector.load %arg10[%swap3A_1227, %swap3A_1228, %swap3A_1229] : memref<8x8x100xf32, #tpu.memory_space<vmem>>, vector<1x8x100xf32>
    %swap3A_1231 = vector.shape_cast %swap3A_1230 : vector<1x8x100xf32> to vector<8x100xf32>
    %swap3A_1232 = vector.shape_cast %reduce_max3A_1226 : vector<8x100xf32> to vector<1x8x100xf32>
    tpu.vector_store %arg10[%swap3A_1227, %swap3A_1228, %swap3A_1229], %swap3A_1232 {strides = array<i32>} : memref<8x8x100xf32, #tpu.memory_space<vmem>>, vector<1x8x100xf32>,
    %get3A_1233 = arith.constant 7 : index
    %get3A_1234 = arith.constant 0 : index
    %get3A_1235 = arith.constant 0 : index
    %get3A_1236 = vector.load %arg1[%get3A_1233, %get3A_1234, %get3A_1235] : memref<8x600x21xf32, #tpu.memory_space<vmem>>, vector<1x600x21xf32>
    %get3A_1237 = vector.shape_cast %get3A_1236 : vector<1x600x21xf32> to vector<600x21xf32>
    %broadcast_in_dim3A_1238 = arith.constant 0.000000e+00 : f32
    %broadcast_in_dim3A_1239 = vector.broadcast %broadcast_in_dim3A_1238 : f32 to vector<1x21xf32>
    %concatenate3A_1240 = tpu.concatenate %broadcast_in_dim3A_1239, %get3A_1237, %broadcast_in_dim3A_1239 in 0 : vector<1x21xf32>, vector<600x21xf32>, vector<1x21xf32> -> vector<602x21xf32>
    %get3A_1241 = arith.constant 0 : index
    %get3A_1242 = arith.constant 0 : index
    %get3A_1243 = arith.constant 0 : index
    %get3A_1244 = vector.load %arg2[%get3A_1241, %get3A_1242, %get3A_1243] : memref<3x21x100xf32, #tpu.memory_space<vmem>>, vector<3x21x100xf32>
    %get3A_1245 = arith.constant 0 : index
    %get3A_1246 = arith.constant 0 : index
    %get3A_1247 = vector.load %arg3[%get3A_1245, %get3A_1246] : memref<1x100xf32, #tpu.memory_space<vmem>>, vector<1x100xf32>
    %slice3A_1248 = vector.extract_strided_slice %concatenate3A_1240 {offsets = [0, 0], sizes = [600, 21], strides = [1, 1]} : vector<602x21xf32> to vector<600x21xf32>
    %slice3A_1249 = vector.extract_strided_slice %get3A_1244 {offsets = [0, 0, 0], sizes = [1, 21, 100], strides = [1, 1, 1]} : vector<3x21x100xf32> to vector<1x21x100xf32>
    %squeeze3A_1250 = vector.shape_cast %slice3A_1249 : vector<1x21x100xf32> to vector<21x100xf32>
    %dot_general3A_1251 = arith.constant dense<0.000000e+00> : vector<600x100xf32>
    %dot_general3A_1252 = tpu.matmul %slice3A_1248, %squeeze3A_1250, %dot_general3A_1251 {dimension_numbers = #tpu.dot_dimension_numbers<[1], [0], [0], [1], [0, 0, 1, 1], [], []>, precision = #tpu.contract_precision<fp32>, transpose_lhs_hint = false} : vector<600x21xf32>, vector<21x100xf32>, vector<600x100xf32> -> vector<600x100xf32>
    %slice3A_1253 = vector.extract_strided_slice %concatenate3A_1240 {offsets = [1, 0], sizes = [600, 21], strides = [1, 1]} : vector<602x21xf32> to vector<600x21xf32>
    %slice3A_1254 = vector.extract_strided_slice %get3A_1244 {offsets = [1, 0, 0], sizes = [1, 21, 100], strides = [1, 1, 1]} : vector<3x21x100xf32> to vector<1x21x100xf32>
    %squeeze3A_1255 = vector.shape_cast %slice3A_1254 : vector<1x21x100xf32> to vector<21x100xf32>
    %dot_general3A_1256 = arith.constant dense<0.000000e+00> : vector<600x100xf32>
    %dot_general3A_1257 = tpu.matmul %slice3A_1253, %squeeze3A_1255, %dot_general3A_1256 {dimension_numbers = #tpu.dot_dimension_numbers<[1], [0], [0], [1], [0, 0, 1, 1], [], []>, precision = #tpu.contract_precision<fp32>, transpose_lhs_hint = false} : vector<600x21xf32>, vector<21x100xf32>, vector<600x100xf32> -> vector<600x100xf32>
    %add3A_1258 = arith.addf %dot_general3A_1252, %dot_general3A_1257 : vector<600x100xf32>
    %slice3A_1259 = vector.extract_strided_slice %concatenate3A_1240 {offsets = [2, 0], sizes = [600, 21], strides = [1, 1]} : vector<602x21xf32> to vector<600x21xf32>
    %slice3A_1260 = vector.extract_strided_slice %get3A_1244 {offsets = [2, 0, 0], sizes = [1, 21, 100], strides = [1, 1, 1]} : vector<3x21x100xf32> to vector<1x21x100xf32>
    %squeeze3A_1261 = vector.shape_cast %slice3A_1260 : vector<1x21x100xf32> to vector<21x100xf32>
    %dot_general3A_1262 = arith.constant dense<0.000000e+00> : vector<600x100xf32>
    %dot_general3A_1263 = tpu.matmul %slice3A_1259, %squeeze3A_1261, %dot_general3A_1262 {dimension_numbers = #tpu.dot_dimension_numbers<[1], [0], [0], [1], [0, 0, 1, 1], [], []>, precision = #tpu.contract_precision<fp32>, transpose_lhs_hint = false} : vector<600x21xf32>, vector<21x100xf32>, vector<600x100xf32> -> vector<600x100xf32>
    %add3A_1264 = arith.addf %add3A_1258, %dot_general3A_1263 : vector<600x100xf32>
    %add3A_1265 = vector.broadcast %get3A_1247 : vector<1x100xf32> to vector<600x100xf32>
    %add3A_1266 = arith.addf %add3A_1264, %add3A_1265 : vector<600x100xf32>
    %ge3A_1267 = arith.constant 0.000000e+00 : f32
    %ge3A_1268 = vector.broadcast %ge3A_1267 : f32 to vector<600x100xf32>
    %ge3A_1269 = arith.cmpf oge, %add3A_1266, %ge3A_1268 : vector<600x100xf32>
    %mul3A_1270 = arith.constant 0.00999999977 : f32
    %mul3A_1271 = vector.broadcast %mul3A_1270 : f32 to vector<600x100xf32>
    %mul3A_1272 = arith.mulf %mul3A_1271, %add3A_1266 : vector<600x100xf32>
    %select_n3A_1273 = arith.select %ge3A_1269, %add3A_1266, %mul3A_1272 : vector<600x100xi1>, vector<600x100xf32>
    %reshape3A_1274 = vector.shape_cast %select_n3A_1273 : vector<600x100xf32> to vector<200x3x100xf32>
    %reduce_max3A_1275 = arith.constant dense<0xFF800000> : vector<200x100xf32>
    %reduce_max3A_1276 = vector.multi_reduction <maximumf>, %reshape3A_1274, %reduce_max3A_1275 [1] : vector<200x3x100xf32> to vector<200x100xf32>
    %broadcast_in_dim3A_1277 = arith.constant 0.000000e+00 : f32
    %broadcast_in_dim3A_1278 = vector.broadcast %broadcast_in_dim3A_1277 : f32 to vector<1x100xf32>
    %concatenate3A_1279 = tpu.concatenate %broadcast_in_dim3A_1278, %reduce_max3A_1276, %broadcast_in_dim3A_1278 in 0 : vector<1x100xf32>, vector<200x100xf32>, vector<1x100xf32> -> vector<202x100xf32>
    %get3A_1280 = arith.constant 0 : index
    %get3A_1281 = arith.constant 0 : index
    %get3A_1282 = arith.constant 0 : index
    %get3A_1283 = vector.load %arg4[%get3A_1280, %get3A_1281, %get3A_1282] : memref<3x100x100xf32, #tpu.memory_space<vmem>>, vector<3x100x100xf32>
    %get3A_1284 = arith.constant 0 : index
    %get3A_1285 = arith.constant 0 : index
    %get3A_1286 = vector.load %arg5[%get3A_1284, %get3A_1285] : memref<1x100xf32, #tpu.memory_space<vmem>>, vector<1x100xf32>
    %slice3A_1287 = vector.extract_strided_slice %concatenate3A_1279 {offsets = [0, 0], sizes = [200, 100], strides = [1, 1]} : vector<202x100xf32> to vector<200x100xf32>
    %slice3A_1288 = vector.extract_strided_slice %get3A_1283 {offsets = [0, 0, 0], sizes = [1, 100, 100], strides = [1, 1, 1]} : vector<3x100x100xf32> to vector<1x100x100xf32>
    %squeeze3A_1289 = vector.shape_cast %slice3A_1288 : vector<1x100x100xf32> to vector<100x100xf32>
    %dot_general3A_1290 = arith.constant dense<0.000000e+00> : vector<200x100xf32>
    %dot_general3A_1291 = tpu.matmul %slice3A_1287, %squeeze3A_1289, %dot_general3A_1290 {dimension_numbers = #tpu.dot_dimension_numbers<[1], [0], [0], [1], [0, 0, 1, 1], [], []>, precision = #tpu.contract_precision<fp32>, transpose_lhs_hint = false} : vector<200x100xf32>, vector<100x100xf32>, vector<200x100xf32> -> vector<200x100xf32>
    %slice3A_1292 = vector.extract_strided_slice %concatenate3A_1279 {offsets = [1, 0], sizes = [200, 100], strides = [1, 1]} : vector<202x100xf32> to vector<200x100xf32>
    %slice3A_1293 = vector.extract_strided_slice %get3A_1283 {offsets = [1, 0, 0], sizes = [1, 100, 100], strides = [1, 1, 1]} : vector<3x100x100xf32> to vector<1x100x100xf32>
    %squeeze3A_1294 = vector.shape_cast %slice3A_1293 : vector<1x100x100xf32> to vector<100x100xf32>
    %dot_general3A_1295 = arith.constant dense<0.000000e+00> : vector<200x100xf32>
    %dot_general3A_1296 = tpu.matmul %slice3A_1292, %squeeze3A_1294, %dot_general3A_1295 {dimension_numbers = #tpu.dot_dimension_numbers<[1], [0], [0], [1], [0, 0, 1, 1], [], []>, precision = #tpu.contract_precision<fp32>, transpose_lhs_hint = false} : vector<200x100xf32>, vector<100x100xf32>, vector<200x100xf32> -> vector<200x100xf32>
    %add3A_1297 = arith.addf %dot_general3A_1291, %dot_general3A_1296 : vector<200x100xf32>
    %slice3A_1298 = vector.extract_strided_slice %concatenate3A_1279 {offsets = [2, 0], sizes = [200, 100], strides = [1, 1]} : vector<202x100xf32> to vector<200x100xf32>
    %slice3A_1299 = vector.extract_strided_slice %get3A_1283 {offsets = [2, 0, 0], sizes = [1, 100, 100], strides = [1, 1, 1]} : vector<3x100x100xf32> to vector<1x100x100xf32>
    %squeeze3A_1300 = vector.shape_cast %slice3A_1299 : vector<1x100x100xf32> to vector<100x100xf32>
    %dot_general3A_1301 = arith.constant dense<0.000000e+00> : vector<200x100xf32>
    %dot_general3A_1302 = tpu.matmul %slice3A_1298, %squeeze3A_1300, %dot_general3A_1301 {dimension_numbers = #tpu.dot_dimension_numbers<[1], [0], [0], [1], [0, 0, 1, 1], [], []>, precision = #tpu.contract_precision<fp32>, transpose_lhs_hint = false} : vector<200x100xf32>, vector<100x100xf32>, vector<200x100xf32> -> vector<200x100xf32>
    %add3A_1303 = arith.addf %add3A_1297, %dot_general3A_1302 : vector<200x100xf32>
    %add3A_1304 = vector.broadcast %get3A_1286 : vector<1x100xf32> to vector<200x100xf32>
    %add3A_1305 = arith.addf %add3A_1303, %add3A_1304 : vector<200x100xf32>
    %ge3A_1306 = arith.constant 0.000000e+00 : f32
    %ge3A_1307 = vector.broadcast %ge3A_1306 : f32 to vector<200x100xf32>
    %ge3A_1308 = arith.cmpf oge, %add3A_1305, %ge3A_1307 : vector<200x100xf32>
    %mul3A_1309 = arith.constant 0.00999999977 : f32
    %mul3A_1310 = vector.broadcast %mul3A_1309 : f32 to vector<200x100xf32>
    %mul3A_1311 = arith.mulf %mul3A_1310, %add3A_1305 : vector<200x100xf32>
    %select_n3A_1312 = arith.select %ge3A_1308, %add3A_1305, %mul3A_1311 : vector<200x100xi1>, vector<200x100xf32>
    %broadcast_in_dim3A_1313 = arith.constant 0xFF800000 : f32
    %broadcast_in_dim3A_1314 = vector.broadcast %broadcast_in_dim3A_1313 : f32 to vector<1x100xf32>
    %concatenate3A_1315 = tpu.concatenate %broadcast_in_dim3A_1314, %select_n3A_1312, %broadcast_in_dim3A_1314 in 0 : vector<1x100xf32>, vector<200x100xf32>, vector<1x100xf32> -> vector<202x100xf32>
    %slice3A_1316 = vector.extract_strided_slice %concatenate3A_1315 {offsets = [0, 0], sizes = [201, 100], strides = [1, 1]} : vector<202x100xf32> to vector<201x100xf32>
    %reshape3A_1317 = vector.shape_cast %slice3A_1316 : vector<201x100xf32> to vector<67x3x100xf32>
    %reduce_max3A_1318 = arith.constant dense<0xFF800000> : vector<67x100xf32>
    %reduce_max3A_1319 = vector.multi_reduction <maximumf>, %reshape3A_1317, %reduce_max3A_1318 [1] : vector<67x3x100xf32> to vector<67x100xf32>
    %broadcast_in_dim3A_1320 = arith.constant 0.000000e+00 : f32
    %broadcast_in_dim3A_1321 = vector.broadcast %broadcast_in_dim3A_1320 : f32 to vector<1x100xf32>
    %concatenate3A_1322 = tpu.concatenate %broadcast_in_dim3A_1321, %reduce_max3A_1319, %broadcast_in_dim3A_1321 in 0 : vector<1x100xf32>, vector<67x100xf32>, vector<1x100xf32> -> vector<69x100xf32>
    %get3A_1323 = arith.constant 0 : index
    %get3A_1324 = arith.constant 0 : index
    %get3A_1325 = arith.constant 0 : index
    %get3A_1326 = vector.load %arg6[%get3A_1323, %get3A_1324, %get3A_1325] : memref<3x100x100xf32, #tpu.memory_space<vmem>>, vector<3x100x100xf32>
    %get3A_1327 = arith.constant 0 : index
    %get3A_1328 = arith.constant 0 : index
    %get3A_1329 = vector.load %arg7[%get3A_1327, %get3A_1328] : memref<1x100xf32, #tpu.memory_space<vmem>>, vector<1x100xf32>
    %slice3A_1330 = vector.extract_strided_slice %concatenate3A_1322 {offsets = [0, 0], sizes = [67, 100], strides = [1, 1]} : vector<69x100xf32> to vector<67x100xf32>
    %slice3A_1331 = vector.extract_strided_slice %get3A_1326 {offsets = [0, 0, 0], sizes = [1, 100, 100], strides = [1, 1, 1]} : vector<3x100x100xf32> to vector<1x100x100xf32>
    %squeeze3A_1332 = vector.shape_cast %slice3A_1331 : vector<1x100x100xf32> to vector<100x100xf32>
    %dot_general3A_1333 = arith.constant dense<0.000000e+00> : vector<67x100xf32>
    %dot_general3A_1334 = tpu.matmul %slice3A_1330, %squeeze3A_1332, %dot_general3A_1333 {dimension_numbers = #tpu.dot_dimension_numbers<[1], [0], [0], [1], [0, 0, 1, 1], [], []>, precision = #tpu.contract_precision<fp32>, transpose_lhs_hint = false} : vector<67x100xf32>, vector<100x100xf32>, vector<67x100xf32> -> vector<67x100xf32>
    %slice3A_1335 = vector.extract_strided_slice %concatenate3A_1322 {offsets = [1, 0], sizes = [67, 100], strides = [1, 1]} : vector<69x100xf32> to vector<67x100xf32>
    %slice3A_1336 = vector.extract_strided_slice %get3A_1326 {offsets = [1, 0, 0], sizes = [1, 100, 100], strides = [1, 1, 1]} : vector<3x100x100xf32> to vector<1x100x100xf32>
    %squeeze3A_1337 = vector.shape_cast %slice3A_1336 : vector<1x100x100xf32> to vector<100x100xf32>
    %dot_general3A_1338 = arith.constant dense<0.000000e+00> : vector<67x100xf32>
    %dot_general3A_1339 = tpu.matmul %slice3A_1335, %squeeze3A_1337, %dot_general3A_1338 {dimension_numbers = #tpu.dot_dimension_numbers<[1], [0], [0], [1], [0, 0, 1, 1], [], []>, precision = #tpu.contract_precision<fp32>, transpose_lhs_hint = false} : vector<67x100xf32>, vector<100x100xf32>, vector<67x100xf32> -> vector<67x100xf32>
    %add3A_1340 = arith.addf %dot_general3A_1334, %dot_general3A_1339 : vector<67x100xf32>
    %slice3A_1341 = vector.extract_strided_slice %concatenate3A_1322 {offsets = [2, 0], sizes = [67, 100], strides = [1, 1]} : vector<69x100xf32> to vector<67x100xf32>
    %slice3A_1342 = vector.extract_strided_slice %get3A_1326 {offsets = [2, 0, 0], sizes = [1, 100, 100], strides = [1, 1, 1]} : vector<3x100x100xf32> to vector<1x100x100xf32>
    %squeeze3A_1343 = vector.shape_cast %slice3A_1342 : vector<1x100x100xf32> to vector<100x100xf32>
    %dot_general3A_1344 = arith.constant dense<0.000000e+00> : vector<67x100xf32>
    %dot_general3A_1345 = tpu.matmul %slice3A_1341, %squeeze3A_1343, %dot_general3A_1344 {dimension_numbers = #tpu.dot_dimension_numbers<[1], [0], [0], [1], [0, 0, 1, 1], [], []>, precision = #tpu.contract_precision<fp32>, transpose_lhs_hint = false} : vector<67x100xf32>, vector<100x100xf32>, vector<67x100xf32> -> vector<67x100xf32>
    %add3A_1346 = arith.addf %add3A_1340, %dot_general3A_1345 : vector<67x100xf32>
    %add3A_1347 = vector.broadcast %get3A_1329 : vector<1x100xf32> to vector<67x100xf32>
    %add3A_1348 = arith.addf %add3A_1346, %add3A_1347 : vector<67x100xf32>
    %ge3A_1349 = arith.constant 0.000000e+00 : f32
    %ge3A_1350 = vector.broadcast %ge3A_1349 : f32 to vector<67x100xf32>
    %ge3A_1351 = arith.cmpf oge, %add3A_1348, %ge3A_1350 : vector<67x100xf32>
    %mul3A_1352 = arith.constant 0.00999999977 : f32
    %mul3A_1353 = vector.broadcast %mul3A_1352 : f32 to vector<67x100xf32>
    %mul3A_1354 = arith.mulf %mul3A_1353, %add3A_1348 : vector<67x100xf32>
    %select_n3A_1355 = arith.select %ge3A_1351, %add3A_1348, %mul3A_1354 : vector<67x100xi1>, vector<67x100xf32>
    %broadcast_in_dim3A_1356 = arith.constant 0xFF800000 : f32
    %broadcast_in_dim3A_1357 = vector.broadcast %broadcast_in_dim3A_1356 : f32 to vector<1x100xf32>
    %concatenate3A_1358 = tpu.concatenate %broadcast_in_dim3A_1357, %select_n3A_1355, %broadcast_in_dim3A_1357 in 0 : vector<1x100xf32>, vector<67x100xf32>, vector<1x100xf32> -> vector<69x100xf32>
    %reshape3A_1359 = vector.shape_cast %concatenate3A_1358 : vector<69x100xf32> to vector<23x3x100xf32>
    %reduce_max3A_1360 = arith.constant dense<0xFF800000> : vector<23x100xf32>
    %reduce_max3A_1361 = vector.multi_reduction <maximumf>, %reshape3A_1359, %reduce_max3A_1360 [1] : vector<23x3x100xf32> to vector<23x100xf32>
    %broadcast_in_dim3A_1362 = arith.constant 0.000000e+00 : f32
    %broadcast_in_dim3A_1363 = vector.broadcast %broadcast_in_dim3A_1362 : f32 to vector<1x100xf32>
    %concatenate3A_1364 = tpu.concatenate %broadcast_in_dim3A_1363, %reduce_max3A_1361, %broadcast_in_dim3A_1363 in 0 : vector<1x100xf32>, vector<23x100xf32>, vector<1x100xf32> -> vector<25x100xf32>
    %get3A_1365 = arith.constant 0 : index
    %get3A_1366 = arith.constant 0 : index
    %get3A_1367 = arith.constant 0 : index
    %get3A_1368 = vector.load %arg8[%get3A_1365, %get3A_1366, %get3A_1367] : memref<3x100x100xf32, #tpu.memory_space<vmem>>, vector<3x100x100xf32>
    %get3A_1369 = arith.constant 0 : index
    %get3A_1370 = arith.constant 0 : index
    %get3A_1371 = vector.load %arg9[%get3A_1369, %get3A_1370] : memref<1x100xf32, #tpu.memory_space<vmem>>, vector<1x100xf32>
    %slice3A_1372 = vector.extract_strided_slice %concatenate3A_1364 {offsets = [0, 0], sizes = [23, 100], strides = [1, 1]} : vector<25x100xf32> to vector<23x100xf32>
    %slice3A_1373 = vector.extract_strided_slice %get3A_1368 {offsets = [0, 0, 0], sizes = [1, 100, 100], strides = [1, 1, 1]} : vector<3x100x100xf32> to vector<1x100x100xf32>
    %squeeze3A_1374 = vector.shape_cast %slice3A_1373 : vector<1x100x100xf32> to vector<100x100xf32>
    %dot_general3A_1375 = arith.constant dense<0.000000e+00> : vector<23x100xf32>
    %dot_general3A_1376 = tpu.matmul %slice3A_1372, %squeeze3A_1374, %dot_general3A_1375 {dimension_numbers = #tpu.dot_dimension_numbers<[1], [0], [0], [1], [0, 0, 1, 1], [], []>, precision = #tpu.contract_precision<fp32>, transpose_lhs_hint = false} : vector<23x100xf32>, vector<100x100xf32>, vector<23x100xf32> -> vector<23x100xf32>
    %slice3A_1377 = vector.extract_strided_slice %concatenate3A_1364 {offsets = [1, 0], sizes = [23, 100], strides = [1, 1]} : vector<25x100xf32> to vector<23x100xf32>
    %slice3A_1378 = vector.extract_strided_slice %get3A_1368 {offsets = [1, 0, 0], sizes = [1, 100, 100], strides = [1, 1, 1]} : vector<3x100x100xf32> to vector<1x100x100xf32>
    %squeeze3A_1379 = vector.shape_cast %slice3A_1378 : vector<1x100x100xf32> to vector<100x100xf32>
    %dot_general3A_1380 = arith.constant dense<0.000000e+00> : vector<23x100xf32>
    %dot_general3A_1381 = tpu.matmul %slice3A_1377, %squeeze3A_1379, %dot_general3A_1380 {dimension_numbers = #tpu.dot_dimension_numbers<[1], [0], [0], [1], [0, 0, 1, 1], [], []>, precision = #tpu.contract_precision<fp32>, transpose_lhs_hint = false} : vector<23x100xf32>, vector<100x100xf32>, vector<23x100xf32> -> vector<23x100xf32>
    %add3A_1382 = arith.addf %dot_general3A_1376, %dot_general3A_1381 : vector<23x100xf32>
    %slice3A_1383 = vector.extract_strided_slice %concatenate3A_1364 {offsets = [2, 0], sizes = [23, 100], strides = [1, 1]} : vector<25x100xf32> to vector<23x100xf32>
    %slice3A_1384 = vector.extract_strided_slice %get3A_1368 {offsets = [2, 0, 0], sizes = [1, 100, 100], strides = [1, 1, 1]} : vector<3x100x100xf32> to vector<1x100x100xf32>
    %squeeze3A_1385 = vector.shape_cast %slice3A_1384 : vector<1x100x100xf32> to vector<100x100xf32>
    %dot_general3A_1386 = arith.constant dense<0.000000e+00> : vector<23x100xf32>
    %dot_general3A_1387 = tpu.matmul %slice3A_1383, %squeeze3A_1385, %dot_general3A_1386 {dimension_numbers = #tpu.dot_dimension_numbers<[1], [0], [0], [1], [0, 0, 1, 1], [], []>, precision = #tpu.contract_precision<fp32>, transpose_lhs_hint = false} : vector<23x100xf32>, vector<100x100xf32>, vector<23x100xf32> -> vector<23x100xf32>
    %add3A_1388 = arith.addf %add3A_1382, %dot_general3A_1387 : vector<23x100xf32>
    %add3A_1389 = vector.broadcast %get3A_1371 : vector<1x100xf32> to vector<23x100xf32>
    %add3A_1390 = arith.addf %add3A_1388, %add3A_1389 : vector<23x100xf32>
    %ge3A_1391 = arith.constant 0.000000e+00 : f32
    %ge3A_1392 = vector.broadcast %ge3A_1391 : f32 to vector<23x100xf32>
    %ge3A_1393 = arith.cmpf oge, %add3A_1390, %ge3A_1392 : vector<23x100xf32>
    %mul3A_1394 = arith.constant 0.00999999977 : f32
    %mul3A_1395 = vector.broadcast %mul3A_1394 : f32 to vector<23x100xf32>
    %mul3A_1396 = arith.mulf %mul3A_1395, %add3A_1390 : vector<23x100xf32>
    %select_n3A_1397 = arith.select %ge3A_1393, %add3A_1390, %mul3A_1396 : vector<23x100xi1>, vector<23x100xf32>
    %broadcast_in_dim3A_1398 = arith.constant 0xFF800000 : f32
    %broadcast_in_dim3A_1399 = vector.broadcast %broadcast_in_dim3A_1398 : f32 to vector<1x100xf32>
    %concatenate3A_1400 = tpu.concatenate %broadcast_in_dim3A_1399, %select_n3A_1397, %broadcast_in_dim3A_1399 in 0 : vector<1x100xf32>, vector<23x100xf32>, vector<1x100xf32> -> vector<25x100xf32>
    %slice3A_1401 = vector.extract_strided_slice %concatenate3A_1400 {offsets = [0, 0], sizes = [24, 100], strides = [1, 1]} : vector<25x100xf32> to vector<24x100xf32>
    %reshape3A_1402 = vector.shape_cast %slice3A_1401 : vector<24x100xf32> to vector<8x3x100xf32>
    %reduce_max3A_1403 = arith.constant dense<0xFF800000> : vector<8x100xf32>
    %reduce_max3A_1404 = vector.multi_reduction <maximumf>, %reshape3A_1402, %reduce_max3A_1403 [1] : vector<8x3x100xf32> to vector<8x100xf32>
    %swap3A_1405 = arith.constant 7 : index
    %swap3A_1406 = arith.constant 0 : index
    %swap3A_1407 = arith.constant 0 : index
    %swap3A_1408 = vector.load %arg10[%swap3A_1405, %swap3A_1406, %swap3A_1407] : memref<8x8x100xf32, #tpu.memory_space<vmem>>, vector<1x8x100xf32>
    %swap3A_1409 = vector.shape_cast %swap3A_1408 : vector<1x8x100xf32> to vector<8x100xf32>
    %swap3A_1410 = vector.shape_cast %reduce_max3A_1404 : vector<8x100xf32> to vector<1x8x100xf32>
    tpu.vector_store %arg10[%swap3A_1405, %swap3A_1406, %swap3A_1407], %swap3A_1410 {strides = array<i32>} : memref<8x8x100xf32, #tpu.memory_space<vmem>>, vector<1x8x100xf32>,
    return
  }
  func.func @transform_0(%arg0: i32) -> (i32, i32, i32) {
    %c0_i32 = arith.constant 0 : i32
    %c0_i32_0 = arith.constant 0 : i32
    %c0_i32_1 = arith.constant 0 : i32
    return %arg0, %c0_i32, %c0_i32_0 : i32, i32, i32
  }
  func.func @transform_1(%arg0: i32) -> (i32, i32, i32) {
    %c0_i32 = arith.constant 0 : i32
    %c0_i32_0 = arith.constant 0 : i32
    %c0_i32_1 = arith.constant 0 : i32
    %c0_i32_2 = arith.constant 0 : i32
    return %c0_i32, %c0_i32_0, %c0_i32_1 : i32, i32, i32
  }
  func.func @transform_2(%arg0: i32) -> (i32, i32) {
    %c0_i32 = arith.constant 0 : i32
    %c0_i32_0 = arith.constant 0 : i32
    %c0_i32_1 = arith.constant 0 : i32
    return %c0_i32, %c0_i32_0 : i32, i32
  }
  func.func @transform_3(%arg0: i32) -> (i32, i32, i32) {
    %c0_i32 = arith.constant 0 : i32
    %c0_i32_0 = arith.constant 0 : i32
    %c0_i32_1 = arith.constant 0 : i32
    %c0_i32_2 = arith.constant 0 : i32
    return %c0_i32, %c0_i32_0, %c0_i32_1 : i32, i32, i32
  }
  func.func @transform_4(%arg0: i32) -> (i32, i32) {
    %c0_i32 = arith.constant 0 : i32
    %c0_i32_0 = arith.constant 0 : i32
    %c0_i32_1 = arith.constant 0 : i32
    return %c0_i32, %c0_i32_0 : i32, i32
  }
  func.func @transform_5(%arg0: i32) -> (i32, i32, i32) {
    %c0_i32 = arith.constant 0 : i32
    %c0_i32_0 = arith.constant 0 : i32
    %c0_i32_1 = arith.constant 0 : i32
    %c0_i32_2 = arith.constant 0 : i32
    return %c0_i32, %c0_i32_0, %c0_i32_1 : i32, i32, i32
  }
  func.func @transform_6(%arg0: i32) -> (i32, i32) {
    %c0_i32 = arith.constant 0 : i32
    %c0_i32_0 = arith.constant 0 : i32
    %c0_i32_1 = arith.constant 0 : i32
    return %c0_i32, %c0_i32_0 : i32, i32
  }
  func.func @transform_7(%arg0: i32) -> (i32, i32, i32) {
    %c0_i32 = arith.constant 0 : i32
    %c0_i32_0 = arith.constant 0 : i32
    %c0_i32_1 = arith.constant 0 : i32
    %c0_i32_2 = arith.constant 0 : i32
    return %c0_i32, %c0_i32_0, %c0_i32_1 : i32, i32, i32
  }
  func.func @transform_8(%arg0: i32) -> (i32, i32) {
    %c0_i32 = arith.constant 0 : i32
    %c0_i32_0 = arith.constant 0 : i32
    %c0_i32_1 = arith.constant 0 : i32
    return %c0_i32, %c0_i32_0 : i32, i32
  }
  func.func @transform_9(%arg0: i32) -> (i32, i32, i32) {
    %c0_i32 = arith.constant 0 : i32
    %c0_i32_0 = arith.constant 0 : i32
    %c0_i32_1 = arith.constant 0 : i32
    return %arg0, %c0_i32, %c0_i32_0 : i32, i32, i32
  }
}

module attributes {stable_mosaic.version = 14 : i64} {
  func.func @_final_body(%arg0: i32, %arg1: memref<2x2000x16xf32, #tpu.memory_space<vmem>>, %arg2: memref<2000x10xf32, #tpu.memory_space<vmem>>, %arg3: memref<1x1x2000xi32, #tpu.memory_space<vmem>>, %arg4: memref<128x8x100xf32, #tpu.memory_space<vmem>>, %arg5: memref<10x100xf32, #tpu.memory_space<vmem>>, %arg6: memref<1x100xf32, #tpu.memory_space<vmem>>, %arg7: memref<10x100xf32, #tpu.memory_space<vmem>>, %arg8: memref<1x900xf32, #tpu.memory_space<vmem>>, %arg9: memref<1x900xf32, #tpu.memory_space<vmem>>, %arg10: memref<900x256xf32, #tpu.memory_space<vmem>>, %arg11: memref<1x256xf32, #tpu.memory_space<vmem>>, %arg12: memref<256x64xf32, #tpu.memory_space<vmem>>, %arg13: memref<1x64xf32, #tpu.memory_space<vmem>>, %arg14: memref<64x2xf32, #tpu.memory_space<vmem>>, %arg15: memref<1x2xf32, #tpu.memory_space<vmem>>, %arg16: memref<128x2xf32, #tpu.memory_space<vmem>>, %arg17: memref<128x100xf32, #tpu.memory_space<vmem>>) attributes {dimension_semantics = [#tpu.dimension_semantics<arbitrary>], iteration_bounds = array<i64: 50>, scalar_prefetch = 0 : i64, scratch_operands = 1 : i64, tpu.core_type = #tpu.core_type<tc>, window_params = [{transform_indices = @transform_0, window_bounds = array<i64: 2, 2000, 16>}, {transform_indices = @transform_1, window_bounds = array<i64: 2000, 10>}, {transform_indices = @transform_2, window_bounds = array<i64: 1, 1, 2000>}, {pipeline_mode = #tpu.pipeline_mode<synchronous>, transform_indices = @transform_3, window_bounds = array<i64: 128, 8, 100>}, {pipeline_mode = #tpu.pipeline_mode<synchronous>, transform_indices = @transform_4, window_bounds = array<i64: 10, 100>}, {pipeline_mode = #tpu.pipeline_mode<synchronous>, transform_indices = @transform_5, window_bounds = array<i64: 1, 100>}, {pipeline_mode = #tpu.pipeline_mode<synchronous>, transform_indices = @transform_6, window_bounds = array<i64: 10, 100>}, {pipeline_mode = #tpu.pipeline_mode<synchronous>, transform_indices = @transform_7, window_bounds = array<i64: 1, 900>}, {pipeline_mode = #tpu.pipeline_mode<synchronous>, transform_indices = @transform_8, window_bounds = array<i64: 1, 900>}, {pipeline_mode = #tpu.pipeline_mode<synchronous>, transform_indices = @transform_9, window_bounds = array<i64: 900, 256>}, {pipeline_mode = #tpu.pipeline_mode<synchronous>, transform_indices = @transform_10, window_bounds = array<i64: 1, 256>}, {pipeline_mode = #tpu.pipeline_mode<synchronous>, transform_indices = @transform_11, window_bounds = array<i64: 256, 64>}, {pipeline_mode = #tpu.pipeline_mode<synchronous>, transform_indices = @transform_12, window_bounds = array<i64: 1, 64>}, {pipeline_mode = #tpu.pipeline_mode<synchronous>, transform_indices = @transform_13, window_bounds = array<i64: 64, 2>}, {pipeline_mode = #tpu.pipeline_mode<synchronous>, transform_indices = @transform_14, window_bounds = array<i64: 1, 2>}, {pipeline_mode = #tpu.pipeline_mode<synchronous>, transform_indices = @transform_15, window_bounds = array<i64: 128, 2>}]} {
    %eq3A = arith.constant 0 : i32
    %eq3A_0 = arith.cmpi eq, %arg0, %eq3A : i32
    %convert_element_type3A = arith.extui %eq3A_0 : i1 to i32
    %cond3A = arith.constant 0 : i32
    %cond3A_1 = arith.cmpi ne, %convert_element_type3A, %cond3A : i32
    scf.if %cond3A_1 {
      %broadcast_in_dim3A_55 = arith.constant 0.000000e+00 : f32
      %broadcast_in_dim3A_56 = vector.broadcast %broadcast_in_dim3A_55 : f32 to vector<128x100xf32>
      %swap3A_57 = arith.constant 0 : index
      %swap3A_58 = arith.constant 0 : index
      %swap3A_59 = vector.load %arg17[%swap3A_57, %swap3A_58] : memref<128x100xf32, #tpu.memory_space<vmem>>, vector<128x100xf32>
      tpu.vector_store %arg17[%swap3A_57, %swap3A_58], %broadcast_in_dim3A_56 {strides = array<i32>} : memref<128x100xf32, #tpu.memory_space<vmem>>, vector<128x100xf32>,
    } else {
    }
    %get3A = arith.constant 0 : index
    %get3A_2 = arith.constant 0 : index
    %get3A_3 = arith.constant 0 : index
    %get3A_4 = vector.load %arg1[%get3A, %get3A_2, %get3A_3] : memref<2x2000x16xf32, #tpu.memory_space<vmem>>, vector<1x2000x16xf32>
    %get3A_5 = vector.shape_cast %get3A_4 : vector<1x2000x16xf32> to vector<2000x16xf32>
    %get3A_6 = arith.constant 1 : index
    %get3A_7 = arith.constant 0 : index
    %get3A_8 = arith.constant 0 : index
    %get3A_9 = vector.load %arg1[%get3A_6, %get3A_7, %get3A_8] : memref<2x2000x16xf32, #tpu.memory_space<vmem>>, vector<1x2000x16xf32>
    %get3A_10 = vector.shape_cast %get3A_9 : vector<1x2000x16xf32> to vector<2000x16xf32>
    %add3A = arith.addf %get3A_5, %get3A_10 : vector<2000x16xf32>
    %slice3A = vector.extract_strided_slice %add3A {offsets = [0, 0], sizes = [2000, 10], strides = [1, 1]} : vector<2000x16xf32> to vector<2000x10xf32>
    %slice3A_11 = vector.extract_strided_slice %add3A {offsets = [0, 10], sizes = [2000, 1], strides = [1, 1]} : vector<2000x16xf32> to vector<2000x1xf32>
    %max3A = arith.constant 1.000000e+00 : f32
    %max3A_12 = vector.broadcast %max3A : f32 to vector<2000x1xf32>
    %max3A_13 = arith.maximumf %slice3A_11, %max3A_12 : vector<2000x1xf32>
    %div3A = vector.broadcast %max3A_13 : vector<2000x1xf32> to vector<2000x10xf32>
    %div3A_14 = arith.divf %slice3A, %div3A : vector<2000x10xf32>
    %get3A_15 = arith.constant 0 : index
    %get3A_16 = arith.constant 0 : index
    %get3A_17 = vector.load %arg5[%get3A_15, %get3A_16] : memref<10x100xf32, #tpu.memory_space<vmem>>, vector<10x100xf32>
    %dot_general3A = arith.constant dense<0.000000e+00> : vector<2000x100xf32>
    %dot_general3A_18 = tpu.matmul %div3A_14, %get3A_17, %dot_general3A {dimension_numbers = #tpu.dot_dimension_numbers<[1], [0], [0], [1], [0, 0, 1, 1], [], []>, transpose_lhs_hint = false} : vector<2000x10xf32>, vector<10x100xf32>, vector<2000x100xf32> -> vector<2000x100xf32>
    %get3A_19 = arith.constant 0 : index
    %get3A_20 = arith.constant 0 : index
    %get3A_21 = vector.load %arg6[%get3A_19, %get3A_20] : memref<1x100xf32, #tpu.memory_space<vmem>>, vector<1x100xf32>
    %add3A_22 = vector.broadcast %get3A_21 : vector<1x100xf32> to vector<2000x100xf32>
    %add3A_23 = arith.addf %dot_general3A_18, %add3A_22 : vector<2000x100xf32>
    %get3A_24 = arith.constant 0 : index
    %get3A_25 = arith.constant 0 : index
    %get3A_26 = vector.load %arg2[%get3A_24, %get3A_25] : memref<2000x10xf32, #tpu.memory_space<vmem>>, vector<2000x10xf32>
    %get3A_27 = arith.constant 0 : index
    %get3A_28 = arith.constant 0 : index
    %get3A_29 = vector.load %arg7[%get3A_27, %get3A_28] : memref<10x100xf32, #tpu.memory_space<vmem>>, vector<10x100xf32>
    %dot_general3A_30 = arith.constant dense<0.000000e+00> : vector<2000x100xf32>
    %dot_general3A_31 = tpu.matmul %get3A_26, %get3A_29, %dot_general3A_30 {dimension_numbers = #tpu.dot_dimension_numbers<[1], [0], [0], [1], [0, 0, 1, 1], [], []>, transpose_lhs_hint = false} : vector<2000x10xf32>, vector<10x100xf32>, vector<2000x100xf32> -> vector<2000x100xf32>
    %add3A_32 = arith.addf %add3A_23, %dot_general3A_31 : vector<2000x100xf32>
    %get3A_33 = arith.constant 0 : index
    %get3A_34 = arith.constant 0 : index
    %get3A_35 = arith.constant 0 : index
    %get3A_36 = vector.load %arg3[%get3A_33, %get3A_34, %get3A_35] : memref<1x1x2000xi32, #tpu.memory_space<vmem>>, vector<1x1x2000xi32>
    %get3A_37 = vector.shape_cast %get3A_36 : vector<1x1x2000xi32> to vector<2000xi32>
    %broadcast_in_dim3A = vector.shape_cast %get3A_37 : vector<2000xi32> to vector<2000x1xi32>
    %iota3A = tpu.iota {dimensions = array<i32: 1>} : vector<2000x128xi32>
    %eq3A_38 = vector.broadcast %broadcast_in_dim3A : vector<2000x1xi32> to vector<2000x128xi32>
    %eq3A_39 = arith.cmpi eq, %eq3A_38, %iota3A : vector<2000x128xi32>
    %convert_element_type3A_40 = arith.extui %eq3A_39 : vector<2000x128xi1> to vector<2000x128xi32>
    %convert_element_type3A_41 = arith.sitofp %convert_element_type3A_40 : vector<2000x128xi32> to vector<2000x128xf32>
    %get3A_42 = arith.constant 0 : index
    %get3A_43 = arith.constant 0 : index
    %get3A_44 = vector.load %arg17[%get3A_42, %get3A_43] : memref<128x100xf32, #tpu.memory_space<vmem>>, vector<128x100xf32>
    %dot_general3A_45 = arith.constant dense<0.000000e+00> : vector<128x100xf32>
    %dot_general3A_46 = tpu.matmul %convert_element_type3A_41, %add3A_32, %dot_general3A_45 {dimension_numbers = #tpu.dot_dimension_numbers<[0], [0], [1], [1], [0, 1, 1, 1], [], []>, precision = #tpu.contract_precision<fp32>, transpose_lhs_hint = false} : vector<2000x128xf32>, vector<2000x100xf32>, vector<128x100xf32> -> vector<128x100xf32>
    %add3A_47 = arith.addf %get3A_44, %dot_general3A_46 : vector<128x100xf32>
    %swap3A = arith.constant 0 : index
    %swap3A_48 = arith.constant 0 : index
    %swap3A_49 = vector.load %arg17[%swap3A, %swap3A_48] : memref<128x100xf32, #tpu.memory_space<vmem>>, vector<128x100xf32>
    tpu.vector_store %arg17[%swap3A, %swap3A_48], %add3A_47 {strides = array<i32>} : memref<128x100xf32, #tpu.memory_space<vmem>>, vector<128x100xf32>,
    %eq3A_50 = arith.constant 49 : i32
    %eq3A_51 = arith.cmpi eq, %arg0, %eq3A_50 : i32
    %convert_element_type3A_52 = arith.extui %eq3A_51 : i1 to i32
    %cond3A_53 = arith.constant 0 : i32
    %cond3A_54 = arith.cmpi ne, %convert_element_type3A_52, %cond3A_53 : i32
    scf.if %cond3A_54 {
      %get3A_55 = arith.constant 0 : index
      %get3A_56 = arith.constant 0 : index
      %get3A_57 = vector.load %arg17[%get3A_55, %get3A_56] : memref<128x100xf32, #tpu.memory_space<vmem>>, vector<128x100xf32>
      %get3A_58 = arith.constant 0 : index
      %get3A_59 = arith.constant 0 : index
      %get3A_60 = arith.constant 0 : index
      %get3A_61 = vector.load %arg4[%get3A_58, %get3A_59, %get3A_60] : memref<128x8x100xf32, #tpu.memory_space<vmem>>, vector<128x1x100xf32>
      %get3A_62 = vector.shape_cast %get3A_61 : vector<128x1x100xf32> to vector<128x100xf32>
      %get3A_63 = arith.constant 0 : index
      %get3A_64 = arith.constant 1 : index
      %get3A_65 = arith.constant 0 : index
      %get3A_66 = vector.load %arg4[%get3A_63, %get3A_64, %get3A_65] : memref<128x8x100xf32, #tpu.memory_space<vmem>>, vector<128x1x100xf32>
      %get3A_67 = vector.shape_cast %get3A_66 : vector<128x1x100xf32> to vector<128x100xf32>
      %get3A_68 = arith.constant 0 : index
      %get3A_69 = arith.constant 2 : index
      %get3A_70 = arith.constant 0 : index
      %get3A_71 = vector.load %arg4[%get3A_68, %get3A_69, %get3A_70] : memref<128x8x100xf32, #tpu.memory_space<vmem>>, vector<128x1x100xf32>
      %get3A_72 = vector.shape_cast %get3A_71 : vector<128x1x100xf32> to vector<128x100xf32>
      %get3A_73 = arith.constant 0 : index
      %get3A_74 = arith.constant 3 : index
      %get3A_75 = arith.constant 0 : index
      %get3A_76 = vector.load %arg4[%get3A_73, %get3A_74, %get3A_75] : memref<128x8x100xf32, #tpu.memory_space<vmem>>, vector<128x1x100xf32>
      %get3A_77 = vector.shape_cast %get3A_76 : vector<128x1x100xf32> to vector<128x100xf32>
      %get3A_78 = arith.constant 0 : index
      %get3A_79 = arith.constant 4 : index
      %get3A_80 = arith.constant 0 : index
      %get3A_81 = vector.load %arg4[%get3A_78, %get3A_79, %get3A_80] : memref<128x8x100xf32, #tpu.memory_space<vmem>>, vector<128x1x100xf32>
      %get3A_82 = vector.shape_cast %get3A_81 : vector<128x1x100xf32> to vector<128x100xf32>
      %get3A_83 = arith.constant 0 : index
      %get3A_84 = arith.constant 5 : index
      %get3A_85 = arith.constant 0 : index
      %get3A_86 = vector.load %arg4[%get3A_83, %get3A_84, %get3A_85] : memref<128x8x100xf32, #tpu.memory_space<vmem>>, vector<128x1x100xf32>
      %get3A_87 = vector.shape_cast %get3A_86 : vector<128x1x100xf32> to vector<128x100xf32>
      %get3A_88 = arith.constant 0 : index
      %get3A_89 = arith.constant 6 : index
      %get3A_90 = arith.constant 0 : index
      %get3A_91 = vector.load %arg4[%get3A_88, %get3A_89, %get3A_90] : memref<128x8x100xf32, #tpu.memory_space<vmem>>, vector<128x1x100xf32>
      %get3A_92 = vector.shape_cast %get3A_91 : vector<128x1x100xf32> to vector<128x100xf32>
      %get3A_93 = arith.constant 0 : index
      %get3A_94 = arith.constant 7 : index
      %get3A_95 = arith.constant 0 : index
      %get3A_96 = vector.load %arg4[%get3A_93, %get3A_94, %get3A_95] : memref<128x8x100xf32, #tpu.memory_space<vmem>>, vector<128x1x100xf32>
      %get3A_97 = vector.shape_cast %get3A_96 : vector<128x1x100xf32> to vector<128x100xf32>
      %concatenate3A = tpu.concatenate %get3A_57, %get3A_62, %get3A_67, %get3A_72, %get3A_77, %get3A_82, %get3A_87, %get3A_92, %get3A_97 in 1 : vector<128x100xf32>, vector<128x100xf32>, vector<128x100xf32>, vector<128x100xf32>, vector<128x100xf32>, vector<128x100xf32>, vector<128x100xf32>, vector<128x100xf32>, vector<128x100xf32> -> vector<128x900xf32>
      %sqrt3A = arith.constant 1.000010e+00 : f32
      %sqrt3A_98 = math.sqrt %sqrt3A : f32
      %div3A_99 = arith.constant 1.000000e+00 : f32
      %div3A_100 = arith.divf %div3A_99, %sqrt3A_98 : f32
      %mul3A = vector.broadcast %div3A_100 : f32 to vector<128x900xf32>
      %mul3A_101 = arith.mulf %concatenate3A, %mul3A : vector<128x900xf32>
      %get3A_102 = arith.constant 0 : index
      %get3A_103 = arith.constant 0 : index
      %get3A_104 = vector.load %arg8[%get3A_102, %get3A_103] : memref<1x900xf32, #tpu.memory_space<vmem>>, vector<1x900xf32>
      %mul3A_105 = vector.broadcast %get3A_104 : vector<1x900xf32> to vector<128x900xf32>
      %mul3A_106 = arith.mulf %mul3A_101, %mul3A_105 : vector<128x900xf32>
      %get3A_107 = arith.constant 0 : index
      %get3A_108 = arith.constant 0 : index
      %get3A_109 = vector.load %arg9[%get3A_107, %get3A_108] : memref<1x900xf32, #tpu.memory_space<vmem>>, vector<1x900xf32>
      %add3A_110 = vector.broadcast %get3A_109 : vector<1x900xf32> to vector<128x900xf32>
      %add3A_111 = arith.addf %mul3A_106, %add3A_110 : vector<128x900xf32>
      %get3A_112 = arith.constant 0 : index
      %get3A_113 = arith.constant 0 : index
      %get3A_114 = vector.load %arg10[%get3A_112, %get3A_113] : memref<900x256xf32, #tpu.memory_space<vmem>>, vector<900x256xf32>
      %dot_general3A_115 = arith.constant dense<0.000000e+00> : vector<128x256xf32>
      %dot_general3A_116 = tpu.matmul %add3A_111, %get3A_114, %dot_general3A_115 {dimension_numbers = #tpu.dot_dimension_numbers<[1], [0], [0], [1], [0, 0, 1, 1], [], []>, transpose_lhs_hint = false} : vector<128x900xf32>, vector<900x256xf32>, vector<128x256xf32> -> vector<128x256xf32>
      %get3A_117 = arith.constant 0 : index
      %get3A_118 = arith.constant 0 : index
      %get3A_119 = vector.load %arg11[%get3A_117, %get3A_118] : memref<1x256xf32, #tpu.memory_space<vmem>>, vector<1x256xf32>
      %add3A_120 = vector.broadcast %get3A_119 : vector<1x256xf32> to vector<128x256xf32>
      %add3A_121 = arith.addf %dot_general3A_116, %add3A_120 : vector<128x256xf32>
      %max3A_122 = arith.constant 0.000000e+00 : f32
      %max3A_123 = vector.broadcast %max3A_122 : f32 to vector<128x256xf32>
      %max3A_124 = arith.maximumf %add3A_121, %max3A_123 : vector<128x256xf32>
      %get3A_125 = arith.constant 0 : index
      %get3A_126 = arith.constant 0 : index
      %get3A_127 = vector.load %arg12[%get3A_125, %get3A_126] : memref<256x64xf32, #tpu.memory_space<vmem>>, vector<256x64xf32>
      %dot_general3A_128 = arith.constant dense<0.000000e+00> : vector<128x64xf32>
      %dot_general3A_129 = tpu.matmul %max3A_124, %get3A_127, %dot_general3A_128 {dimension_numbers = #tpu.dot_dimension_numbers<[1], [0], [0], [1], [0, 0, 1, 1], [], []>, transpose_lhs_hint = false} : vector<128x256xf32>, vector<256x64xf32>, vector<128x64xf32> -> vector<128x64xf32>
      %get3A_130 = arith.constant 0 : index
      %get3A_131 = arith.constant 0 : index
      %get3A_132 = vector.load %arg13[%get3A_130, %get3A_131] : memref<1x64xf32, #tpu.memory_space<vmem>>, vector<1x64xf32>
      %add3A_133 = vector.broadcast %get3A_132 : vector<1x64xf32> to vector<128x64xf32>
      %add3A_134 = arith.addf %dot_general3A_129, %add3A_133 : vector<128x64xf32>
      %max3A_135 = arith.constant 0.000000e+00 : f32
      %max3A_136 = vector.broadcast %max3A_135 : f32 to vector<128x64xf32>
      %max3A_137 = arith.maximumf %add3A_134, %max3A_136 : vector<128x64xf32>
      %get3A_138 = arith.constant 0 : index
      %get3A_139 = arith.constant 0 : index
      %get3A_140 = vector.load %arg14[%get3A_138, %get3A_139] : memref<64x2xf32, #tpu.memory_space<vmem>>, vector<64x2xf32>
      %dot_general3A_141 = arith.constant dense<0.000000e+00> : vector<128x2xf32>
      %dot_general3A_142 = tpu.matmul %max3A_137, %get3A_140, %dot_general3A_141 {dimension_numbers = #tpu.dot_dimension_numbers<[1], [0], [0], [1], [0, 0, 1, 1], [], []>, transpose_lhs_hint = false} : vector<128x64xf32>, vector<64x2xf32>, vector<128x2xf32> -> vector<128x2xf32>
      %get3A_143 = arith.constant 0 : index
      %get3A_144 = arith.constant 0 : index
      %get3A_145 = vector.load %arg15[%get3A_143, %get3A_144] : memref<1x2xf32, #tpu.memory_space<vmem>>, vector<1x2xf32>
      %add3A_146 = vector.broadcast %get3A_145 : vector<1x2xf32> to vector<128x2xf32>
      %add3A_147 = arith.addf %dot_general3A_142, %add3A_146 : vector<128x2xf32>
      %swap3A_148 = arith.constant 0 : index
      %swap3A_149 = arith.constant 0 : index
      %swap3A_150 = vector.load %arg16[%swap3A_148, %swap3A_149] : memref<128x2xf32, #tpu.memory_space<vmem>>, vector<128x2xf32>
      tpu.vector_store %arg16[%swap3A_148, %swap3A_149], %add3A_147 {strides = array<i32>} : memref<128x2xf32, #tpu.memory_space<vmem>>, vector<128x2xf32>,
    } else {
    }
    return
  }
  func.func @transform_0(%arg0: i32) -> (i32, i32, i32) {
    %c0_i32 = arith.constant 0 : i32
    %c0_i32_0 = arith.constant 0 : i32
    %c0_i32_1 = arith.constant 0 : i32
    return %c0_i32, %arg0, %c0_i32_0 : i32, i32, i32
  }
  func.func @transform_1(%arg0: i32) -> (i32, i32) {
    %c0_i32 = arith.constant 0 : i32
    %c0_i32_0 = arith.constant 0 : i32
    return %arg0, %c0_i32 : i32, i32
  }
  func.func @transform_2(%arg0: i32) -> (i32, i32, i32) {
    %c0_i32 = arith.constant 0 : i32
    %c0_i32_0 = arith.constant 0 : i32
    %c0_i32_1 = arith.constant 0 : i32
    return %arg0, %c0_i32, %c0_i32_0 : i32, i32, i32
  }
  func.func @transform_3(%arg0: i32) -> (i32, i32, i32) {
    %c0_i32 = arith.constant 0 : i32
    %c0_i32_0 = arith.constant 0 : i32
    %c0_i32_1 = arith.constant 0 : i32
    %c0_i32_2 = arith.constant 0 : i32
    return %c0_i32, %c0_i32_0, %c0_i32_1 : i32, i32, i32
  }
  func.func @transform_4(%arg0: i32) -> (i32, i32) {
    %c0_i32 = arith.constant 0 : i32
    %c0_i32_0 = arith.constant 0 : i32
    %c0_i32_1 = arith.constant 0 : i32
    return %c0_i32, %c0_i32_0 : i32, i32
  }
  func.func @transform_5(%arg0: i32) -> (i32, i32) {
    %c0_i32 = arith.constant 0 : i32
    %c0_i32_0 = arith.constant 0 : i32
    %c0_i32_1 = arith.constant 0 : i32
    return %c0_i32, %c0_i32_0 : i32, i32
  }
  func.func @transform_6(%arg0: i32) -> (i32, i32) {
    %c0_i32 = arith.constant 0 : i32
    %c0_i32_0 = arith.constant 0 : i32
    %c0_i32_1 = arith.constant 0 : i32
    return %c0_i32, %c0_i32_0 : i32, i32
  }
  func.func @transform_7(%arg0: i32) -> (i32, i32) {
    %c0_i32 = arith.constant 0 : i32
    %c0_i32_0 = arith.constant 0 : i32
    %c0_i32_1 = arith.constant 0 : i32
    return %c0_i32, %c0_i32_0 : i32, i32
  }
  func.func @transform_8(%arg0: i32) -> (i32, i32) {
    %c0_i32 = arith.constant 0 : i32
    %c0_i32_0 = arith.constant 0 : i32
    %c0_i32_1 = arith.constant 0 : i32
    return %c0_i32, %c0_i32_0 : i32, i32
  }
  func.func @transform_9(%arg0: i32) -> (i32, i32) {
    %c0_i32 = arith.constant 0 : i32
    %c0_i32_0 = arith.constant 0 : i32
    %c0_i32_1 = arith.constant 0 : i32
    return %c0_i32, %c0_i32_0 : i32, i32
  }
  func.func @transform_10(%arg0: i32) -> (i32, i32) {
    %c0_i32 = arith.constant 0 : i32
    %c0_i32_0 = arith.constant 0 : i32
    %c0_i32_1 = arith.constant 0 : i32
    return %c0_i32, %c0_i32_0 : i32, i32
  }
  func.func @transform_11(%arg0: i32) -> (i32, i32) {
    %c0_i32 = arith.constant 0 : i32
    %c0_i32_0 = arith.constant 0 : i32
    %c0_i32_1 = arith.constant 0 : i32
    return %c0_i32, %c0_i32_0 : i32, i32
  }
  func.func @transform_12(%arg0: i32) -> (i32, i32) {
    %c0_i32 = arith.constant 0 : i32
    %c0_i32_0 = arith.constant 0 : i32
    %c0_i32_1 = arith.constant 0 : i32
    return %c0_i32, %c0_i32_0 : i32, i32
  }
  func.func @transform_13(%arg0: i32) -> (i32, i32) {
    %c0_i32 = arith.constant 0 : i32
    %c0_i32_0 = arith.constant 0 : i32
    %c0_i32_1 = arith.constant 0 : i32
    return %c0_i32, %c0_i32_0 : i32, i32
  }
  func.func @transform_14(%arg0: i32) -> (i32, i32) {
    %c0_i32 = arith.constant 0 : i32
    %c0_i32_0 = arith.constant 0 : i32
    %c0_i32_1 = arith.constant 0 : i32
    return %c0_i32, %c0_i32_0 : i32, i32
  }
  func.func @transform_15(%arg0: i32) -> (i32, i32) {
    %c0_i32 = arith.constant 0 : i32
    %c0_i32_0 = arith.constant 0 : i32
    %c0_i32_1 = arith.constant 0 : i32
    return %c0_i32, %c0_i32_0 : i32, i32
  }
}

</mosaic_0001>

<sc_bundles>
// kernel: kernel.6.cloned.1.call-start
scs
__scs_entry_jumppad:
0x0: {  	(pc) =	sbr.rel $0x88, $3  }
0x1: {  	(tag) =	ssettag $0x0;
	lr =	simm.s32 $0x1  }
0x2: {  	[smem:$0x3F8A] =	sst lr;
	_ =	strace $0xD0000000  }
0x3: {  	_ = 	snop  }
0x4: {  	_ = 	snop  }
0x5: {  	_ = 	snop  }
0x6: {  	_ = 	snop  }
0x7: {  	_ = 	snop  }
__scs_overlays_trampoline_lowered:
0x8: {  	[smem:$0x3F99] =	sst s0  }
0x9: {  	[smem:$0x3F9A] =	sst s1  }
0xa: {  	[smem:$0x3F9B] =	sst s2  }
0xb: {  	[smem:$0x3F9C] =	sst s3  }
0xc: {  	[smem:$0x3F9D] =	sst s4  }
0xd: {  	[smem:$0x3F9E] =	sst s5  }
0xe: {  	[smem:$0x3F9F] =	sst s6  }
0xf: {  	[smem:$0x3FA0] =	sst s7  }
0x10: {  	[smem:$0x3FA1] =	sst s8  }
0x11: {  	[smem:$0x3FA2] =	sst s9;
	s0 =	simm.s32 @!p0 $0x0  }
0x12: {  	s1 =	sld [smem:$0x3F88];
	s0 =	simm.s32 @p0 $0x1  }
0x13: {  	[smem:$0x3FA3] =	sst s0;
	s0 =	simm.s32 @!p1 $0x0  }
0x14: {  	s2 =	sld [smem:$0x3F87];
	s0 =	simm.s32 @p1 $0x1  }
0x15: {  	[smem:$0x3FA4] =	sst s0;
	s0 =	simm.s32 @!p2 $0x0  }
0x16: {  	s3 =	sld [smem:$0x3FDB];
	s0 =	simm.s32 @p2 $0x1  }
0x17: {  	s4 =	simm.s32 $0x1BF5;
	[smem:$0x3FA6] =	sst s0  }
0x18: {  	s0 =	sld [smem:$0x3F89];
	_ =	swait.ge [sflag:s4], $0x0  }
0x19: {  	s7 =	sld [smem:$0x3F8A]  }
0x1a: {  	s8 =	sadd.s32 $0xFFFFE003, lr  }
0x1b: {  	s9 =	sadd.s32 $0xFFFFFEF7, lr;
	s5 =	simm.s32 $0xFFFFFFFF;
	p2 =	slt.u32 s8, $0xFFFFF086  }
0x1c: {  	p1 =	slt.u32 s9, $0xF7A;
	s5 =	simm.s32 @!p2 $0x0  }
0x1d: {  	s5 =	simm.s32 @p1 $0x1;
	p0 =	seq.s32 s7, s2  }
0x1e: {  	s7 =	smul.u32 @!p0 $0xF7A, s2;
	p2 =	seq.s32 @!p0 s5, $0x0  }
0x1f: {  	s9 =	smul.u32 $0xF7A, s1;
	s8 =	simm.s32 @!p0 $0x1BF5;
	p2 =	por !p2, p0  }
0x20: {  	[sflag:s8] =	ssyncset.s32 @!p0 $0xFFFFF086;
	s6 =	sadd.s32 @!p0 s3, s7;
	s7 =	simm.s32 @!p0 $0x108  }
0x21: {  	s3 =	sadd.s32 s3, s9;
	s6 =	sadd.s32 @!p0 $0x88, s6;
	s7 =	simm.s32 @p2 $0x1082  }
0x22: {  	[simem:s7], [sflag:s8] =	dma.local @!p0 [hbm:s6], $0xF7A  }
0x23: {  	s9 =	sor.u32 $0xD0000000, s2;
	s6 =	simm.s32 $0x108;
	_ =	swait.ge @!p0 [sflag:s8], $0x0  }
0x24: {  	s3 =	sadd.s32 $0x88, s3;
	s6 =	simm.s32 @!p1 $0x1082;
	[sflag:s4] =	ssyncset.s32 $0xFFFFF086  }
0x25: {  	[simem:s6], [sflag:s4] =	dma.local [hbm:s3], $0xF7A  }
0x26: {  	[smem:$0x3F8A] =	sst s1;
	(tag) =	ssettag s2;
	_ =	strace s9  }
0x27: {  	s1 =	sld [smem:$0x3F9A]  }
0x28: {  	s2 =	sld [smem:$0x3F9B]  }
0x29: {  	s4 =	sld [smem:$0x3F9D]  }
0x2a: {  	p0 =	seq.s32 s5, $0x0;
	s5 =	sld [smem:$0x3F9E]  }
0x2b: {  	s6 =	sld [smem:$0x3F9F]  }
0x2c: {  	s7 =	sld [smem:$0x3FA0]  }
0x2d: {  	s3 =	simm.s32 $0x108;
	s8 =	sld [smem:$0x3FA1]  }
0x2e: {  	s3 =	simm.s32 @!p0 $0x1082;
	s9 =	sld [smem:$0x3FA2]  }
0x2f: {  	lr =	sadd.s32 s0, s3;
	s0 =	sld [smem:$0x3F99]  }
0x30: {  	s3 =	sld [smem:$0x3F9C]  }
0x31: {  	[smem:$0x3FA5] =	sst s10  }
0x32: {  	s10 =	sld [smem:$0x3FA3];
	_ =	sdelay $0x3  }
0x33: {  	p0 =	seq.s32 s10, $0x1;
	s10 =	sld [smem:$0x3FA5];
	_ =	sdelay $0x3  }
0x34: {  	[smem:$0x3FA5] =	sst s10  }
0x35: {  	s10 =	sld [smem:$0x3FA4];
	_ =	sdelay $0x3  }
0x36: {  	p1 =	seq.s32 s10, $0x1;
	s10 =	sld [smem:$0x3FA5];
	_ =	sdelay $0x3  }
0x37: {  	[smem:$0x3FA5] =	sst s10  }
0x38: {  	s10 =	sld [smem:$0x3FA6]  }
0x39: {  	_ = 	snop;
	(pc) =	sbr.ind lr, $3  }
0x3a: {  	_ = 	snop  }
0x3b: {  	_ = 	snop  }
0x3c: {  	p2 =	seq.s32 s10, $0x1;
	s10 =	sld [smem:$0x3FA5]  }
0x3d: {  	_ =	shalt  }
0x3e: {  	_ =	shalt  }
0x3f: {  	_ =	shalt  }
0x40: {  	_ =	shalt  }
0x41: {  	_ =	shalt  }
0x42: {  	_ =	shalt  }
0x43: {  	_ =	shalt  }
0x44: {  	_ =	shalt  }
0x45: {  	_ =	shalt  }
0x46: {  	_ =	shalt  }
0x47: {  	_ =	shalt  }
0x48: {  	_ =	shalt  }
0x49: {  	_ =	shalt  }
0x4a: {  	_ =	shalt  }
0x4b: {  	_ =	shalt  }
0x4c: {  	_ =	shalt  }
0x4d: {  	_ =	shalt  }
0x4e: {  	_ =	shalt  }
0x4f: {  	_ =	shalt  }
0x50: {  	_ =	shalt  }
0x51: {  	_ =	shalt  }
0x52: {  	_ =	shalt  }
0x53: {  	_ =	shalt  }
0x54: {  	_ =	shalt  }
0x55: {  	_ =	shalt  }
0x56: {  	_ =	shalt  }
0x57: {  	_ =	shalt  }
0x58: {  	_ =	shalt  }
0x59: {  	_ =	shalt  }
0x5a: {  	_ =	shalt  }
0x5b: {  	_ =	shalt  }
0x5c: {  	_ =	shalt  }
0x5d: {  	_ =	shalt  }
0x5e: {  	_ =	shalt  }
0x5f: {  	_ =	shalt  }
0x60: {  	_ =	shalt  }
0x61: {  	_ =	shalt  }
0x62: {  	_ =	shalt  }
0x63: {  	_ =	shalt  }
0x64: {  	_ =	shalt  }
0x65: {  	_ =	shalt  }
0x66: {  	_ =	shalt  }
0x67: {  	_ =	shalt  }
0x68: {  	_ =	shalt  }
0x69: {  	_ =	shalt  }
0x6a: {  	_ =	shalt  }
0x6b: {  	_ =	shalt  }
0x6c: {  	_ =	shalt  }
0x6d: {  	_ =	shalt  }
0x6e: {  	_ =	shalt  }
0x6f: {  	_ =	shalt  }
0x70: {  	_ =	shalt  }
0x71: {  	_ =	shalt  }
0x72: {  	_ =	shalt  }
0x73: {  	_ =	shalt  }
0x74: {  	_ =	shalt  }
0x75: {  	_ =	shalt  }
0x76: {  	_ =	shalt  }
0x77: {  	_ =	shalt  }
0x78: {  	_ =	shalt  }
0x79: {  	_ =	shalt  }
0x7a: {  	_ =	shalt  }
0x7b: {  	_ =	shalt  }
0x7c: {  	_ =	shalt  }
0x7d: {  	_ =	shalt  }
0x7e: {  	_ =	shalt  }
0x7f: {  	_ =	shalt  }
0x80: {  	_ =	shalt  }
0x81: {  	_ =	shalt  }
0x82: {  	_ =	shalt  }
0x83: {  	_ =	shalt  }
0x84: {  	_ =	shalt  }
0x85: {  	_ =	shalt  }
0x86: {  	_ =	shalt  }
0x87: {  	_ =	shalt  }
.Lfunc_end0:
.L_simem_size_0:
called_computation_lowered:
.L_overlay_start_0:
0x88: {  	s2 =	sld [smem:$0x3FD9]  }
0x89: {  	s3 =	sld [smem:$0x3FFE];
	_ =	sdelay $0x1  }
0x8a: {  	s1 =	srdreg.scid  }
0x8b: {  	s0 =	sand.u32 $0x1, s1  }
0x8c: {  	s16 =	sshll.u32 s0, $0xA;
	s2 =	sadd.s32 s3, s2  }
0x8d: {  	s2 =	sadd.s32 s2, s16  }
0x8e: {  	[smem:$0x3FB1] =	sst s2  }
0x8f: {  	_ = 	snop  }
0x90: {  	(tm) =	ssettm $0x1  }
0x91: {  	s17 =	sld [smem:$0x3FFB];
	_ =	sdelay $0x3  }
0x92: {  	_ =	strace s17  }
0x93: {  	s2 =	sld [smem:$0x3FFC];
	_ =	sdelay $0x3  }
0x94: {  	_ =	strace s2  }
0x95: {  	s2 =	sld [smem:$0x3FFD];
	_ =	sdelay $0x3  }
0x96: {  	_ =	strace s2  }
0x97: {  	_ =	strace $0x8FFFFFFF  }
0x98: {  	s18 =	sld [smem:$0x3FDB];
	_ =	sdelay $0x1  }
0x99: {  	s19 =	simm.s32 $_scs_section_size  }
0x9a: {  	s4 =	simm.s32 $_size__tile_overlayer_lowered;
	s5 =	simm.s32 $_tile_overlayer_lowered  }
0x9b: {  	s22 =	simm.s32 $0x1BFF;
	s21 =	sshll.u32 s5, $0x1;
	s2 =	sadd.s32 s19, s18  }
0x9c: {  	s6 =	simm.s32 $0x0;
	s20 =	sshll.u32 s4, $0x1;
	s4 =	sadd.s32 s21, s2  }
0x9d: {  	[timem:s6], [sflag:s22] =	dma.local [hbm:s4], s20  }
0x9e: {  	_ =	swait.ge [sflag:s22], s20  }
0x9f: {  	s3 =	ssub.s32 $0x0, s20;
	[sflag:s22] =	ssyncset.done $0x0  }
0xa0: {  	[sflag:s22] =	ssyncadd.s32 s3;
	_ =	sdelay $0x1  }
0xa1: {  	s23 =	simm.s32 $0x1B8B  }
0xa2: {  	_ =	swait.ge [sflag:s23], $0x1  }
0xa3: {  	[sflag:s23] =	ssyncset.done $0x0  }
0xa4: {  	s25 =	simm.s32 $0x1B8E;
	s24 =	sld [smem:$0x3FFE];
	[sflag:s23] =	ssyncadd.s32 $0xFFFFFFFF  }
0xa5: {  	s26 =	simm.s32 $execute0_lowered;
	[smem:$0x3FD2] =	sst s25  }
0xa6: {  	s4 =	sshll.u32 s26, $0x1;
	_ =	strace $0x80000046;
	[dreg:$0x1] =	wrdreg $0xFFFFFFFF  }
0xa7: {  	s28 =	simm.s32 $_size_execute0_lowered;
	s2 =	sadd.s32 s2, s4;
	[dreg:$0x0] =	wrdreg $0x0  }
0xa8: {  	s4 =	sshll.u32 s28, $0x1;
	[dreg:$0x2] =	wrdreg s2  }
0xa9: {  	[dreg:$0x3] =	wrdreg s4  }
0xaa: {  	[dreg:$0x4] =	wrdreg $0xC0  }
0xab: {  	_ =	task [dreg:s6], $0x5FFFF  }
0xac: {  	[dreg:$0x1] =	wrdreg $0xFFFFFFFF  }
0xad: {  	[dreg:$0x0] =	wrdreg $0x60  }
0xae: {  	[dreg:$0x2] =	wrdreg s24  }
0xaf: {  	[dreg:$0x3] =	wrdreg $0x0  }
0xb0: {  	[dreg:$0x4] =	wrdreg $0x9  }
0xb1: {  	_ =	task.clear_ibuf [dreg:s6], $0x5FFFF;
	_ =	strace $0x90000046  }
0xb2: {  	s29 =	simm.s32 $0x9;
	_ =	strace $0x80000048  }
0xb3: {  	_ =	swait.ge [sflag:s29], $0x1  }
0xb4: {  	[sflag:s29] =	ssyncadd.s32 $0xFFFFFFFF  }
0xb5: {  	_ =	strace $0x90000048  }
0xb6: {  	_ =	sfence  }
0xb7: {  	s30 =	sld [smem:$0x0];
	_ =	sdelay $0x2  }
0xb8: {  	s31 =	sshll.u32 s1, $0xD;
	s1 =	sshrl.u32 s1, $0x2  }
0xb9: {  	s3 =	sand.u32 $0x4000, s31;
	s1 =	sadd.s32 s1, s30  }
0xba: {  	s0 =	sor.u32 s3, s0;
	s1 =	sshll.u32 s1, $0x11  }
0xbb: {  	s0 =	sor.u32 s1, s0  }
0xbc: {  	s0 =	sadd.s32 $0x8F2B, s0  }
0xbd: {  	[sflag:s0] =	ssyncadd.remote.s32 $0x1  }
0xbe: {  	_ =	sfence.sel $0xFFFF  }
0xbf: {  	[dreg:$0x0] =	wrdreg $0xFFFFFFFF;
	(pc) =	sbr.abs _section_cstart, $3  }
0xc0: {  	[dreg:$0x1] =	wrdreg $0xFFFFFFFF  }
0xc1: {  	_ =	task.clear_ibuf [dreg:s6], $0x2FFFF;
	_ =	strace $0x9FFFFFFF  }
0xc2: {  	(tm) =	ssettm $0x7FFFFFFF  }
0xc3: {  	_ =	shalt  }
tec
execute0_lowered:
.L_overlay_start_1:
0x0: {  	(tag) =	ssettag $0x1  }
0x1: {  	s0 =	rddreg [dreg:$0x0]  }
0x2: {  	s2 =	rddreg [dreg:$0x1]  }
0x3: {  	s1 =	srdreg.scid;
	s12 =	stileid.u32  }
0x4: {  	s4 =	simm.s32 $0x0;
	s15 =	simm.s32 $0x4;
	s16 =	simm.s32 $0x200  }
0x5: {  	s17 =	simm.s32 $0x30D400;
	s18 =	simm.s32 $0x18700;
	s19 =	simm.s32 $0x80  }
0x6: {  	s20 =	simm.s32 $0x18F00;
	s21 =	simm.s32 $0x18780;
	s28 =	simm.s32 $0x2  }
0x7: {  	s30 =	simm.s32 $0x18900;
	s31 =	simm.s32 $0x18980;
	s29 =	simm.s32 $0x1  }
0x8: {  	s1 =	sand.u32 $0x1, s1;
	s3 =	smul.u32 $0x18700, s12;
	[smem:$0x7FF] =	sst s4  }
0x9: {  	s4 =	sadd.s32 $0x24D800, s0;
	s6 =	sshll.u32 s12, $0x1;
	s10 =	sadd.s32 $0x3800, s0  }
0xa: {  	s7 =	sadd.s32 $0xC6E00, s0;
	s9 =	smul.u32 $0x61A, s12;
	s24 =	sshll.u32 s12, $0x6  }
0xb: {  	p0 =	sgt.u32 s12, $0x3;
	s5 =	smul.u32 $0x187000, s1;
	_ =	strace $0x80000047  }
0xc: {  	s6 =	sor.u32 s1, s6;
	s23 =	ssub.s32 $0x2, s1;
	s1 =	smul.u32 $0x30D, s1  }
0xd: {  	[dreg:$0x3] =	wrdreg s7;
	s22 =	smul.u32 $0x30D, s6;
	s6 =	smin.u32 s6, $0x8  }
0xe: {  	s8 =	sshrl.u32 s23, $0x1;
	s5 =	sadd.s32 s3, s5;
	s3 =	sadd.s32 s3, s2  }
0xf: {  	s1 =	sadd.s32 s1, s9;
	s5 =	sshrl.u32 s5, $0x3;
	s7 =	sadd.s32 s6, s22  }
0x10: {  	s1 =	sadd.s32 s6, s1;
	s14 =	sshrl.u32 s3, $0x3;
	s22 =	simm.s32 $0x19700  }
0x11: {  	s3 =	simm.s32 $0x3;
	s0 =	sadd.s32 s5, s0;
	s5 =	ssub.s32 s23, s8  }
0x12: {  	s11 =	sshll.u32 s7, $0x4;
	s7 =	sor.u32 $0x1C04, s24;
	s1 =	sshll.u32 s1, $0x4  }
0x13: {  	s23 =	simm.s32 $0x18800;
	s24 =	simm.s32 $0x19F00;
	s13 =	sadd.s32 s10, s11  }
0x14: {  	s11 =	sadd.s32 $0x40, s11;
	s0 =	sadd.s32 $0xCA000, s0;
	s5 =	smax.u32 s5, $0x1  }
0x15: {  	s26 =	sadd.s32 s10, s1;
	s1 =	simm.s32 $0x18A80;
	[dreg:$0x4] =	wrdreg s13  }
0x16: {  	s8 =	sadd.s32 $0x30C0, s13;
	s9 =	sadd.s32 $0x30D0, s13;
	[dreg:$0x5] =	wrdreg s0  }
0x17: {  	s25 =	sand.u32 $0x1FFFFFF0, s11;
	[dreg:$0x6] =	wrdreg s5;
	s13 =	sadd.s32 $0x80, s26  }
0x18: {  	s26 =	simm.s32 $0x1A700;
	s5 =	simm.s32 $0x0;
	s0 =	sadd.s32 s10, s25  }
0x19: {  	s25 =	simm.s32 $0x18880;
	s10 =	simm.s32 $0x18A00;
	[dreg:$0x7] =	wrdreg s0  }
.LBB2_1:
0x1a: {  	s0 =	rddreg [dreg:$0x3]  }
0x1b: {  	[spmem:s14], [sflag:s7] =	dma.local [hbm:s0], $0x30E0  }
0x1c: {  	_ =	swait.ge [sflag:s15], $0x30E0  }
0x1d: {  	[sflag:s15] =	ssyncset.done $0x0  }
0x1e: {  	[sflag:s15] =	ssyncadd.s32 $0xFFFFCF20  }
0x1f: {  	[bflag:$0x0] =	sbarrier.arrive $0xFFFF  }
0x20: {  	s12 =	rddreg [dreg:$0x4]  }
0x21: {  	[tilespmem:s18], [sflag:$0x1] =	stream.strided.gather [hbm4b:s12+s16], $0x400, s17, s16, $0x38;
	[tilespmem:$0x1CF00] =	vst v63  }
0x22: {  	_ =	swait.ge [sflag:s29], $0x400  }
0x23: {  	[sflag:s29] =	ssyncset.done $0x0  }
0x24: {  	[sflag:s29] =	ssyncadd.s32 $0xFFFFFC00  }
0x25: {  	[tilespmem:s20], [sflag:$0x2] =	stream.indirect.gather [hbm4b:s4+s19], $0x10, s18, s19, $0xb8;
	[tilespmem:$0x1CF00] =	vst v63  }
0x26: {  	_ = 	snop  }
0x27: {  	[tilespmem:s22], [sflag:$0x2] =	stream.indirect.gather [hbm4b:s4+s19], $0x10, s21, s19, $0xb8;
	[tilespmem:$0x1CF00] =	vst v63  }
0x28: {  	_ = 	snop  }
0x29: {  	[tilespmem:s24], [sflag:$0x2] =	stream.indirect.gather [hbm4b:s4+s19], $0x10, s23, s19, $0xb8;
	[tilespmem:$0x1CF00] =	vst v63  }
0x2a: {  	_ = 	snop  }
0x2b: {  	[tilespmem:s26], [sflag:$0x2] =	stream.indirect.gather [hbm4b:s4+s19], $0x10, s25, s19, $0xb8;
	[tilespmem:$0x1CF00] =	vst v63  }
0x2c: {  	_ =	swait.ge [sflag:s28], $0x800  }
0x2d: {  	[sflag:s28] =	ssyncset.done $0x0  }
0x2e: {  	[sflag:s28] =	ssyncadd.s32 $0xFFFFF800  }
0x2f: {  	_ =	swait.ge [sflag:s28], $0x800  }
0x30: {  	[sflag:s28] =	ssyncset.done $0x0  }
0x31: {  	[sflag:s28] =	ssyncadd.s32 $0xFFFFF800  }
0x32: {  	_ =	swait.ge [sflag:s28], $0x800  }
0x33: {  	[sflag:s28] =	ssyncset.done $0x0  }
0x34: {  	[sflag:s28] =	ssyncadd.s32 $0xFFFFF800  }
0x35: {  	_ =	swait.ge [sflag:s28], $0x800  }
0x36: {  	[sflag:s28] =	ssyncset.done $0x0  }
0x37: {  	s6 =	simm.s32 $0x18B00;
	s21 =	rddreg [dreg:$0x7];
	[sflag:s28] =	ssyncadd.s32 $0xFFFFF800  }
0x38: {  	[tilespmem:s6], [sflag:$0x1] =	stream.strided.gather [hbm4b:s21+s16], $0x400, s17, s16, $0x38;
	[tilespmem:$0x1CF00] =	vst v63  }
0x39: {  	_ = 	snop  }
0x3a: {  	[spmem:s2] =	stream.indirect.scatter.add.f32 [tilespmem:s20], [sflag:$0x3], $0x10, s30, s19, $0xb8;
	[tilespmem:$0x1CF00] =	vst v63  }
0x3b: {  	_ = 	snop  }
0x3c: {  	[spmem:s2] =	stream.indirect.scatter.add.f32 [tilespmem:s22], [sflag:$0x3], $0x10, s31, s19, $0xb8;
	[tilespmem:$0x1CF00] =	vst v63  }
0x3d: {  	_ = 	snop  }
0x3e: {  	[spmem:s2] =	stream.indirect.scatter.add.f32 [tilespmem:s24], [sflag:$0x3], $0x10, s10, s19, $0xb8;
	[tilespmem:$0x1CF00] =	vst v63  }
0x3f: {  	_ = 	snop  }
0x40: {  	[spmem:s2] =	stream.indirect.scatter.add.f32 [tilespmem:s26], [sflag:$0x3], $0x10, s1, s19, $0xb8;
	[tilespmem:$0x1CF00] =	vst v63  }
0x41: {  	s23 =	sand.u32 $0x1, s29;
	_ =	swait.ge [sflag:s29], $0x400  }
0x42: {  	s25 =	sshll.u32 s23, $0xD;
	s6 =	sshll.u32 s23, $0xA;
	[sflag:s29] =	ssyncset.done $0x0  }
0x43: {  	s11 =	sor.u32 $0x18F00, s25;
	s12 =	sadd.s32 $0x18700, s6;
	[sflag:s29] =	ssyncadd.s32 $0xFFFFFC00  }
0x44: {  	[tilespmem:s11], [sflag:$0x2] =	stream.indirect.gather [hbm4b:s4+s19], $0x10, s12, s19, $0xb8;
	[tilespmem:$0x1CF00] =	vst v63  }
0x45: {  	s31 =	sadd.s32 $0x18780, s6;
	s12 =	sor.u32 $0x19700, s25  }
0x46: {  	[tilespmem:s12], [sflag:$0x2] =	stream.indirect.gather [hbm4b:s4+s19], $0x10, s31, s19, $0xb8;
	[tilespmem:$0x1CF00] =	vst v63  }
0x47: {  	s21 =	sor.u32 $0x19F00, s25;
	s0 =	sor.u32 $0x18800, s6  }
0x48: {  	[tilespmem:s21], [sflag:$0x2] =	stream.indirect.gather [hbm4b:s4+s19], $0x10, s0, s19, $0xb8;
	[tilespmem:$0x1CF00] =	vst v63  }
0x49: {  	s10 =	sadd.s32 $0x1A700, s25;
	s25 =	sor.u32 $0x18880, s6  }
0x4a: {  	[tilespmem:s10], [sflag:$0x2] =	stream.indirect.gather [hbm4b:s4+s19], $0x10, s25, s19, $0xb8;
	[tilespmem:$0x1CF00] =	vst v63  }
0x4b: {  	_ =	swait.ge [sflag:s28], $0x800  }
0x4c: {  	[sflag:s28] =	ssyncset.done $0x0  }
0x4d: {  	[sflag:s28] =	ssyncadd.s32 $0xFFFFF800  }
0x4e: {  	_ =	swait.ge [sflag:s28], $0x800  }
0x4f: {  	[sflag:s28] =	ssyncset.done $0x0  }
0x50: {  	[sflag:s28] =	ssyncadd.s32 $0xFFFFF800  }
0x51: {  	_ =	swait.ge [sflag:s28], $0x800  }
0x52: {  	[sflag:s28] =	ssyncset.done $0x0  }
0x53: {  	[sflag:s28] =	ssyncadd.s32 $0xFFFFF800  }
0x54: {  	_ =	swait.ge [sflag:s28], $0x800  }
0x55: {  	[sflag:s28] =	ssyncset.done $0x0  }
0x56: {  	[sflag:s28] =	ssyncadd.s32 $0xFFFFF800  }
0x57: {  	_ =	swait.ge [sflag:s3], $0x800  }
0x58: {  	[sflag:s3] =	ssyncset.done $0x0  }
0x59: {  	[sflag:s3] =	ssyncadd.s32 $0xFFFFF800  }
0x5a: {  	_ =	swait.ge [sflag:s3], $0x800  }
0x5b: {  	[sflag:s3] =	ssyncset.done $0x0  }
0x5c: {  	[sflag:s3] =	ssyncadd.s32 $0xFFFFF800  }
0x5d: {  	_ =	swait.ge [sflag:s3], $0x800  }
0x5e: {  	[sflag:s3] =	ssyncset.done $0x0  }
0x5f: {  	[sflag:s3] =	ssyncadd.s32 $0xFFFFF800  }
0x60: {  	_ =	swait.ge [sflag:s3], $0x800  }
0x61: {  	s31 =	sxor.u32 $0x400, s6;
	[sflag:s3] =	ssyncset.done $0x0  }
0x62: {  	s23 =	sadd.s32 $0x18700, s31;
	[sflag:s3] =	ssyncadd.s32 $0xFFFFF800  }
0x63: {  	[tilespmem:s23], [sflag:$0x1] =	stream.strided.gather [hbm4b:s13+s16], $0x400, s17, s16, $0x38;
	[tilespmem:$0x1CF00] =	vst v63  }
0x64: {  	s0 =	sor.u32 $0x18900, s6  }
0x65: {  	[spmem:s2] =	stream.indirect.scatter.add.f32 [tilespmem:s11], [sflag:$0x3], $0x10, s0, s19, $0xb8;
	[tilespmem:$0x1CF00] =	vst v63  }
0x66: {  	s31 =	sor.u32 $0x18A00, s6;
	s25 =	sor.u32 $0x18980, s6  }
0x67: {  	[spmem:s2] =	stream.indirect.scatter.add.f32 [tilespmem:s12], [sflag:$0x3], $0x10, s25, s19, $0xb8;
	[tilespmem:$0x1CF00] =	vst v63  }
0x68: {  	s6 =	sor.u32 $0x18A80, s6;
	s11 =	simm.s32 $0x2;
	s12 =	sadd.s32 $0x40, s13  }
0x69: {  	[spmem:s2] =	stream.indirect.scatter.add.f32 [tilespmem:s21], [sflag:$0x3], $0x10, s31, s19, $0xb8;
	[tilespmem:$0x1CF00] =	vst v63  }
.LBB2_2:
0x6a: {  	[spmem:s2] =	stream.indirect.scatter.add.f32 [tilespmem:s10], [sflag:$0x3], $0x10, s6, s19, $0xb8;
	[tilespmem:$0x1CF00] =	vst v63  }
0x6b: {  	s6 =	sand.u32 $0x1, s11;
	p1 =	sne.s32 s11, $0xC1;
	_ =	swait.ge [sflag:s29], $0x400  }
0x6c: {  	s10 =	sshll.u32 s6, $0xD;
	s21 =	sshll.u32 s6, $0xA;
	[sflag:s29] =	ssyncset.done $0x0  }
0x6d: {  	s23 =	sor.u32 $0x18F00, s10;
	s6 =	sadd.s32 $0x18700, s21;
	[sflag:s29] =	ssyncadd.s32 $0xFFFFFC00  }
0x6e: {  	[tilespmem:s23], [sflag:$0x2] =	stream.indirect.gather [hbm4b:s4+s19], $0x10, s6, s19, $0xb8;
	[tilespmem:$0x1CF00] =	vst v63  }
0x6f: {  	s25 =	sadd.s32 $0x18780, s21;
	s31 =	sxor.u32 $0x400, s21;
	s6 =	sor.u32 $0x19700, s10  }
0x70: {  	[tilespmem:s6], [sflag:$0x2] =	stream.indirect.gather [hbm4b:s4+s19], $0x10, s25, s19, $0xb8;
	[tilespmem:$0x1CF00] =	vst v63  }
0x71: {  	s11 =	sadd.s32 $0x1, s11;
	s0 =	sor.u32 $0x18800, s21;
	s25 =	sor.u32 $0x19F00, s10  }
0x72: {  	[tilespmem:s25], [sflag:$0x2] =	stream.indirect.gather [hbm4b:s4+s19], $0x10, s0, s19, $0xb8;
	[tilespmem:$0x1CF00] =	vst v63  }
0x73: {  	s10 =	sadd.s32 $0x1A700, s10;
	s0 =	sor.u32 $0x18880, s21  }
0x74: {  	[tilespmem:s10], [sflag:$0x2] =	stream.indirect.gather [hbm4b:s4+s19], $0x10, s0, s19, $0xb8;
	[tilespmem:$0x1CF00] =	vst v63  }
0x75: {  	_ =	swait.ge [sflag:s28], $0x800  }
0x76: {  	[sflag:s28] =	ssyncset.done $0x0  }
0x77: {  	[sflag:s28] =	ssyncadd.s32 $0xFFFFF800  }
0x78: {  	_ =	swait.ge [sflag:s28], $0x800  }
0x79: {  	[sflag:s28] =	ssyncset.done $0x0  }
0x7a: {  	[sflag:s28] =	ssyncadd.s32 $0xFFFFF800  }
0x7b: {  	_ =	swait.ge [sflag:s28], $0x800  }
0x7c: {  	[sflag:s28] =	ssyncset.done $0x0  }
0x7d: {  	[sflag:s28] =	ssyncadd.s32 $0xFFFFF800  }
0x7e: {  	_ =	swait.ge [sflag:s28], $0x800  }
0x7f: {  	[sflag:s28] =	ssyncset.done $0x0  }
0x80: {  	[sflag:s28] =	ssyncadd.s32 $0xFFFFF800  }
0x81: {  	_ =	swait.ge [sflag:s3], $0x800  }
0x82: {  	[sflag:s3] =	ssyncset.done $0x0  }
0x83: {  	[sflag:s3] =	ssyncadd.s32 $0xFFFFF800  }
0x84: {  	_ =	swait.ge [sflag:s3], $0x800  }
0x85: {  	[sflag:s3] =	ssyncset.done $0x0  }
0x86: {  	[sflag:s3] =	ssyncadd.s32 $0xFFFFF800  }
0x87: {  	_ =	swait.ge [sflag:s3], $0x800  }
0x88: {  	[sflag:s3] =	ssyncset.done $0x0  }
0x89: {  	[sflag:s3] =	ssyncadd.s32 $0xFFFFF800  }
0x8a: {  	_ =	swait.ge [sflag:s3], $0x800  }
0x8b: {  	[sflag:s3] =	ssyncset.done $0x0  }
0x8c: {  	s0 =	sadd.s32 $0x18700, s31;
	[sflag:s3] =	ssyncadd.s32 $0xFFFFF800  }
0x8d: {  	[tilespmem:s0], [sflag:$0x1] =	stream.strided.gather [hbm4b:s12+s16], $0x400, s17, s16, $0x38;
	[tilespmem:$0x1CF00] =	vst v63  }
0x8e: {  	s0 =	sor.u32 $0x18900, s21  }
0x8f: {  	[spmem:s2] =	stream.indirect.scatter.add.f32 [tilespmem:s23], [sflag:$0x3], $0x10, s0, s19, $0xb8;
	[tilespmem:$0x1CF00] =	vst v63  }
.Ltmp0:
0x90: {  	s0 =	sor.u32 $0x18980, s21;
	(pc) =	sbr.rel @p1 .LBB2_2-.Ltmp0, $4  }
0x91: {  	[spmem:s2] =	stream.indirect.scatter.add.f32 [tilespmem:s6], [sflag:$0x3], $0x10, s0, s19, $0xb8;
	[tilespmem:$0x1CF00] =	vst v63  }
0x92: {  	s0 =	sor.u32 $0x18A00, s21  }
0x93: {  	[spmem:s2] =	stream.indirect.scatter.add.f32 [tilespmem:s25], [sflag:$0x3], $0x10, s0, s19, $0xb8;
	[tilespmem:$0x1CF00] =	vst v63  }
0x94: {  	s12 =	sadd.s32 $0x40, s12;
	s6 =	sor.u32 $0x18A80, s21  }
0x95: {  	[spmem:s2] =	stream.indirect.scatter.add.f32 [tilespmem:s10], [sflag:$0x3], $0x10, s6, s19, $0xb8;
	[tilespmem:$0x1CF00] =	vst v63  }
0x96: {  	_ =	swait.ge [sflag:s29], $0x400  }
0x97: {  	[sflag:s29] =	ssyncset.done $0x0  }
0x98: {  	[sflag:s29] =	ssyncadd.s32 $0xFFFFFC00  }
0x99: {  	[tilespmem:s20], [sflag:$0x2] =	stream.indirect.gather [hbm4b:s4+s19], $0x10, s18, s19, $0xb8;
	[tilespmem:$0x1CF00] =	vst v63  }
0x9a: {  	s21 =	simm.s32 $0x18780  }
0x9b: {  	[tilespmem:s22], [sflag:$0x2] =	stream.indirect.gather [hbm4b:s4+s19], $0x10, s21, s19, $0xb8;
	[tilespmem:$0x1CF00] =	vst v63  }
0x9c: {  	s23 =	simm.s32 $0x18800  }
0x9d: {  	[tilespmem:s24], [sflag:$0x2] =	stream.indirect.gather [hbm4b:s4+s19], $0x10, s23, s19, $0xb8;
	[tilespmem:$0x1CF00] =	vst v63  }
0x9e: {  	s25 =	simm.s32 $0x18880  }
0x9f: {  	[tilespmem:s26], [sflag:$0x2] =	stream.indirect.gather [hbm4b:s4+s19], $0x10, s25, s19, $0xb8;
	[tilespmem:$0x1CF00] =	vst v63  }
0xa0: {  	_ =	swait.ge [sflag:s28], $0x800  }
0xa1: {  	[sflag:s28] =	ssyncset.done $0x0  }
0xa2: {  	[sflag:s28] =	ssyncadd.s32 $0xFFFFF800  }
0xa3: {  	_ =	swait.ge [sflag:s28], $0x800  }
0xa4: {  	[sflag:s28] =	ssyncset.done $0x0  }
0xa5: {  	[sflag:s28] =	ssyncadd.s32 $0xFFFFF800  }
0xa6: {  	_ =	swait.ge [sflag:s28], $0x800  }
0xa7: {  	[sflag:s28] =	ssyncset.done $0x0  }
0xa8: {  	[sflag:s28] =	ssyncadd.s32 $0xFFFFF800  }
0xa9: {  	_ =	swait.ge [sflag:s28], $0x800  }
0xaa: {  	[sflag:s28] =	ssyncset.done $0x0  }
0xab: {  	[sflag:s28] =	ssyncadd.s32 $0xFFFFF800  }
0xac: {  	_ =	swait.ge [sflag:s3], $0x800  }
0xad: {  	[sflag:s3] =	ssyncset.done $0x0  }
0xae: {  	[sflag:s3] =	ssyncadd.s32 $0xFFFFF800  }
0xaf: {  	_ =	swait.ge [sflag:s3], $0x800  }
0xb0: {  	[sflag:s3] =	ssyncset.done $0x0  }
0xb1: {  	[sflag:s3] =	ssyncadd.s32 $0xFFFFF800  }
0xb2: {  	_ =	swait.ge [sflag:s3], $0x800  }
0xb3: {  	[sflag:s3] =	ssyncset.done $0x0  }
0xb4: {  	[sflag:s3] =	ssyncadd.s32 $0xFFFFF800  }
0xb5: {  	_ =	swait.ge [sflag:s3], $0x800  }
0xb6: {  	[sflag:s3] =	ssyncset.done $0x0  }
0xb7: {  	[sflag:s3] =	ssyncadd.s32 $0xFFFFF800  }
0xb8: {  	[spmem:s2] =	stream.indirect.scatter.add.f32 [tilespmem:s20], [sflag:$0x3], $0x10, s30, s19, $0xb8;
	[tilespmem:$0x1CF00] =	vst v63  }
0xb9: {  	s31 =	simm.s32 $0x18980  }
0xba: {  	[spmem:s2] =	stream.indirect.scatter.add.f32 [tilespmem:s22], [sflag:$0x3], $0x10, s31, s19, $0xb8;
	[tilespmem:$0x1CF00] =	vst v63  }
0xbb: {  	s0 =	simm.s32 $0x18A00  }
0xbc: {  	[spmem:s2] =	stream.indirect.scatter.add.f32 [tilespmem:s24], [sflag:$0x3], $0x10, s0, s19, $0xb8;
	[tilespmem:$0x1CF00] =	vst v63  }
0xbd: {  	_ = 	snop  }
0xbe: {  	[spmem:s2] =	stream.indirect.scatter.add.f32 [tilespmem:s26], [sflag:$0x3], $0x10, s1, s19, $0xb8;
	[tilespmem:$0x1CF00] =	vst v63  }
0xbf: {  	_ =	swait.ge [sflag:s3], $0x800  }
0xc0: {  	[sflag:s3] =	ssyncset.done $0x0  }
0xc1: {  	[sflag:s3] =	ssyncadd.s32 $0xFFFFF800  }
0xc2: {  	_ =	swait.ge [sflag:s3], $0x800  }
0xc3: {  	[sflag:s3] =	ssyncset.done $0x0  }
0xc4: {  	[sflag:s3] =	ssyncadd.s32 $0xFFFFF800  }
0xc5: {  	_ =	swait.ge [sflag:s3], $0x800  }
0xc6: {  	[sflag:s3] =	ssyncset.done $0x0  }
0xc7: {  	[sflag:s3] =	ssyncadd.s32 $0xFFFFF800  }
0xc8: {  	_ =	swait.ge [sflag:s3], $0x800  }
0xc9: {  	[sflag:s3] =	ssyncset.done $0x0  }
0xca: {  	s0 =	simm.s32 $0x0;
	[sflag:s3] =	ssyncadd.s32 $0xFFFFF800  }
0xcb: {  	[tilespmem:s18], [sflag:$0x4] =	stream.linear.gather [hbm4b:s8+s0], $0x80, $0x38;
	[tilespmem:$0x1CF00] =	vst v63  }
0xcc: {  	s10 =	sadd.s32 $0x61A80, s8  }
0xcd: {  	[tilespmem:s30], [sflag:$0x4] =	stream.linear.gather [hbm4b:s10+s0], $0x80, $0x38;
	[tilespmem:$0x1CF00] =	vst v63  }
0xce: {  	_ =	swait.ge [sflag:s15], $0x100  }
0xcf: {  	[sflag:s15] =	ssyncset.done $0x0  }
0xd0: {  	[sflag:s15] =	ssyncadd.s32 $0xFFFFFF00  }
0xd1: {  	[tilespmem:s20], [sflag:$0x2] =	stream.indirect.gather [hbm4b:s4+s19], $0x10, s18, s19, $0xb8;
	[tilespmem:$0x1CF00] =	vst v63  }
0xd2: {  	_ =	swait.ge [sflag:s28], $0x800  }
0xd3: {  	[sflag:s28] =	ssyncset.done $0x0  }
0xd4: {  	[sflag:s28] =	ssyncadd.s32 $0xFFFFF800  }
0xd5: {  	[spmem:s2] =	stream.indirect.scatter.add.f32 [tilespmem:s20], [sflag:$0x4], $0x10, s30, s19, $0xb8;
	[tilespmem:$0x1CF00] =	vst v63  }
0xd6: {  	_ =	swait.ge [sflag:s15], $0x800  }
0xd7: {  	[sflag:s15] =	ssyncset.done $0x0  }
0xd8: {  	s6 =	simm.s32 @!p0 $0x18700;
	s0 =	simm.s32 @!p0 $0x0;
	[sflag:s15] =	ssyncadd.s32 $0xFFFFF800  }
0xd9: {  	[tilespmem:s6], [sflag:$0x4] =	stream.linear.gather @!p0 [hbm4b:s9+s0], $0x80, $0x38;
	[tilespmem:$0x1CF00] =	vst v63  }
0xda: {  	s11 =	simm.s32 @!p0 $0x18900;
	s10 =	sadd.s32 @!p0 $0x61A80, s9  }
0xdb: {  	[tilespmem:s11], [sflag:$0x4] =	stream.linear.gather @!p0 [hbm4b:s10+s0], $0x80, $0x38;
	[tilespmem:$0x1CF00] =	vst v63  }
0xdc: {  	s0 =	simm.s32 @!p0 $0x4  }
0xdd: {  	_ =	swait.ge @!p0 [sflag:s0], $0x100  }
0xde: {  	[sflag:s0] =	ssyncset.done @!p0 $0x0  }
0xdf: {  	s12 =	simm.s32 @!p0 $0x18F00;
	s10 =	simm.s32 @!p0 $0x80;
	[sflag:s0] =	ssyncadd.s32 @!p0 $0xFFFFFF00  }
0xe0: {  	[tilespmem:s12], [sflag:$0x2] =	stream.indirect.gather @!p0 [hbm4b:s4+s10], $0x10, s6, s10, $0xb8;
	[tilespmem:$0x1CF00] =	vst v63  }
0xe1: {  	s6 =	simm.s32 @!p0 $0x2  }
0xe2: {  	_ =	swait.ge @!p0 [sflag:s6], $0x800  }
0xe3: {  	[sflag:s6] =	ssyncset.done @!p0 $0x0  }
0xe4: {  	[sflag:s6] =	ssyncadd.s32 @!p0 $0xFFFFF800  }
0xe5: {  	[spmem:s2] =	stream.indirect.scatter.add.f32 @!p0 [tilespmem:s12], [sflag:$0x4], $0x10, s11, s10, $0xb8;
	[tilespmem:$0x1CF00] =	vst v63  }
0xe6: {  	_ =	swait.ge @!p0 [sflag:s0], $0x800  }
0xe7: {  	[sflag:s0] =	ssyncset.done @!p0 $0x0  }
0xe8: {  	[sflag:s0] =	ssyncadd.s32 @!p0 $0xFFFFF800  }
0xe9: {  	[bflag:$0x0] =	sbarrier.arrive $0xFFFF  }
0xea: {  	s11 =	rddreg [dreg:$0x5]  }
0xeb: {  	[hbm:s11], [sflag:s7] =	dma.local [spmem:s14], $0x30E0  }
0xec: {  	_ =	swait.ge [sflag:s15], $0x30E0  }
0xed: {  	s5 =	sadd.s32 $0x1, s5;
	s12 =	rddreg [dreg:$0x6]  }
0xee: {  	p1 =	sne.s32 s5, s12  }
.Ltmp1:
0xef: {  	_ = 	snop;
	(pc) =	sbr.rel @p1 .LBB2_1-.Ltmp1, $3  }
0xf0: {  	_ =	sdelay $0x1  }
0xf1: {  	[sflag:s15] =	ssyncset.done $0x0  }
0xf2: {  	s10 =	simm.s32 $0x18A00;
	[sflag:s15] =	ssyncadd.s32 $0xFFFFCF20  }
0xf3: {  	_ =	sfence.sel $0x180000  }
0xf4: {  	[bflag:$0x0] =	sbarrier.arrive $0xFFFF  }
0xf5: {  	_ =	strace $0x90000047  }
0xf6: {  	s0 =	stileid.u32;
	[bflag:$0x2] =	sbarrier.arrive $0xFFFF  }
0xf7: {  	p0 =	sne.s32 s0, $0x0;
	s0 =	rddreg [dreg:$0x2]  }
0xf8: {  	s0 =	sadd.s32 @!p0 $0x100000, s0  }
0xf9: {  	[sflag:s0] =	ssyncadd.tile.s32 @!p0 $0x1;
	_ =	shalt  }
.Lfunc_end2:
_tile_overlayer_lowered:
.L_overlay_start_2:
0xfa: {  	(tag) =	ssettag $0x2  }
0xfb: {  	s0 =	rddreg [dreg:$0x0];
	s2 =	stileid.u32  }
0xfc: {  	s1 =	rddreg [dreg:$0x1];
	p0 =	sne.s32 s2, $0x0  }
0xfd: {  	s3 =	rddreg [dreg:$0x2];
	[bflag:$0x3] =	sbarrier.arrive $0xFFFF;
	s2 =	simm.s32 @!p0 $0x1C04  }
0xfe: {  	[timem:s3], [sflag:s2] =	dma.local @!p0 [hbm:s0], s1  }
0xff: {  	s0 =	simm.s32 @!p0 $0x4  }
0x100: {  	_ =	swait.ge @!p0 [sflag:s0], s1  }
0x101: {  	s1 =	ssub.s32 @!p0 $0x0, s1;
	[sflag:s0] =	ssyncset.done @!p0 $0x0  }
0x102: {  	[sflag:s0] =	ssyncadd.s32 @!p0 s1  }
0x103: {  	[bflag:$0x3] =	sbarrier.arrive $0xFFFF  }
0x104: {  	_ =	shalt  }

</sc_bundles>
